<compile_context>
chip_gen: v7x
topology: tpu7x:2x2x1
jax: 0.10.2.dev20260603
libtpu: 0.0.44.dev20260713+nightly
codegen_flags: <defaults>
</compile_context>

<pallas_src>
import functools

import jax
import jax.numpy as jnp
import numpy as np
from jax import lax
from jax.experimental import pallas as pl
from jax.experimental.pallas import tpu as pltpu
from jax.experimental.pallas import tpu_sc as plsc

_rng = np.random.default_rng(0)
_z = _rng.standard_normal(1_000_000)
_SSP_CONST = float(1.0 / np.sqrt(np.mean((np.logaddexp(0.0, _z) - np.log(2.0)) ** 2)))
_LOG2 = float(np.log(2.0))

_NC = 2
_NS = 16
_NW = _NC * _NS
_CH = 80


_LOG2E = float(1.0 / np.log(2.0))


def _mlp_body(ee_ref, w1_ref, w2_ref, out_ref):
    x = lax.dot_general(ee_ref[...], w1_ref[...], (((0,), (0,)), ((), ())),
                        preferred_element_type=jnp.float32)
    z = x * _LOG2E
    r = jnp.maximum(z, 0.0) + jnp.log2(1.0 + jnp.exp2(-jnp.abs(z)))
    h = (r - 1.0) * (_LOG2 * _SSP_CONST)
    w = jnp.dot(h, w2_ref[...], preferred_element_type=jnp.float32)
    out_ref[...] = w


def _edge_weights(ee_t, W1s, W2s):
    R, E = ee_t.shape
    D = W2s.shape[1]
    BE = 12800
    assert E % BE == 0
    grid = (E // BE,)
    return pl.pallas_call(
        _mlp_body,
        grid=grid,
        in_specs=[
            pl.BlockSpec((R, BE), lambda i: (0, i)),
            pl.BlockSpec(W1s.shape, lambda i: (0, 0)),
            pl.BlockSpec(W2s.shape, lambda i: (0, 0)),
        ],
        out_specs=pl.BlockSpec((BE, D), lambda i: (i, 0)),
        out_shape=jax.ShapeDtypeStruct((E, D), jnp.float32),
    )(ee_t, W1s, W2s)


def _sc_body(node_hbm, w_hbm, ei_hbm, out_hbm,
             src_v, dst_v, rows_v, wv0, wv1, acc_sh,
             gsem0, gsem1, ssem0, ssem1, sisem0, sisem1, dsem0, dsem1):
    N_pad = acc_sh.shape[0]
    D = rows_v.shape[2]
    E = w_hbm.shape[0]
    n_cpt = E // _CH // _NW
    rows_per_tile = N_pad // _NS

    cid = lax.axis_index("c")
    sid = lax.axis_index("s")
    wid = sid * _NC + cid
    gsem = (gsem0, gsem1)
    ssem = (ssem0, ssem1)
    sisem = (sisem0, sisem1)
    dsem = (dsem0, dsem1)
    wv = (wv0, wv1)

    def zrow(r, carry):
        for j in range(D // 16):
            rows_v[0, r, pl.ds(j * 16, 16)] = jnp.zeros((16,), jnp.float32)
        return carry

    lax.fori_loop(0, _CH, zrow, 0)

    row0 = sid * rows_per_tile
    n_zc = rows_per_tile // _CH

    def zacc(b, carry):
        pltpu.async_copy(rows_v.at[0], acc_sh.at[pl.ds(row0 + b * _CH, _CH)],
                         gsem0)
        return carry

    lax.fori_loop(0, n_zc, zacc, 0)

    def zacc_w(b, carry):
        pltpu.make_async_copy(rows_v.at[0], acc_sh.at[pl.ds(row0, _CH)],
                              gsem0).wait()
        return carry

    lax.fori_loop(0, n_zc, zacc_w, 0)

    plsc.subcore_barrier()

    base_e = wid * n_cpt * _CH

    def issue_gather(k, b):
        pltpu.async_copy(node_hbm.at[src_v.at[b]], rows_v.at[b], gsem[b])
        pltpu.async_copy(w_hbm.at[pl.ds(base_e + k * _CH, _CH)], wv[b], gsem[b])

    def wait_gather(b):
        pltpu.make_async_copy(node_hbm.at[src_v.at[b]], rows_v.at[b], gsem[b]).wait()
        pltpu.make_async_copy(w_hbm.at[pl.ds(0, _CH)], wv[b], gsem[b]).wait()

    def wait_scatter(b):
        pltpu.make_async_copy(rows_v.at[b], acc_sh.at[dst_v.at[b]], ssem[b]).wait()

    def issue_src(k, b):
        pltpu.async_copy(ei_hbm.at[pl.ds(E + base_e + k * _CH, _CH)],
                         src_v.at[b], sisem[b])

    def wait_src(b):
        pltpu.make_async_copy(ei_hbm.at[pl.ds(0, _CH)], src_v.at[b], sisem[b]).wait()

    def issue_dst(k, b):
        pltpu.async_copy(ei_hbm.at[pl.ds(base_e + k * _CH, _CH)],
                         dst_v.at[b], dsem[b])

    def wait_dst(b):
        pltpu.make_async_copy(ei_hbm.at[pl.ds(0, _CH)], dst_v.at[b], dsem[b]).wait()

    pltpu.sync_copy(ei_hbm.at[pl.ds(E + base_e, _CH)], src_v.at[0])
    issue_src(1, 1)
    issue_dst(0, 0)
    issue_gather(0, 0)

    def iteration(k, b):
        nb = 1 - b

        @pl.when(k + 1 < n_cpt)
        def _():
            @pl.when(k >= 1)
            def _():
                wait_scatter(nb)

            wait_src(nb)
            issue_gather(k + 1, nb)
            issue_dst(k + 1, nb)

        wait_gather(b)

        @pl.when(k + 2 < n_cpt)
        def _():
            issue_src(k + 2, b)

        def mul_row(r2, cy):
            for rr in range(2):
                r = 2 * r2 + rr
                for j in range(D // 16):
                    sl = pl.ds(j * 16, 16)
                    rows_v[b, r, sl] = rows_v[b, r, sl] * wv[b][r, sl]
            return cy

        lax.fori_loop(0, _CH // 2, mul_row, 0)

        wait_dst(b)
        pltpu.async_copy(rows_v.at[b], acc_sh.at[dst_v.at[b]], ssem[b], add=True)

    def pair_body(k2, carry):
        iteration(2 * k2, 0)
        iteration(2 * k2 + 1, 1)
        return carry

    lax.fori_loop(0, n_cpt // 2, pair_body, 0)
    if n_cpt % 2:
        iteration(jnp.int32(n_cpt - 1), (n_cpt - 1) % 2)
    wait_scatter(0)
    wait_scatter(1)

    plsc.subcore_barrier()

    def wout(b, carry):
        pltpu.async_copy(acc_sh.at[pl.ds(row0 + b * _CH, _CH)],
                         out_hbm.at[cid, pl.ds(row0 + b * _CH, _CH)], gsem0)
        return carry

    lax.fori_loop(0, n_zc, wout, 0)

    def wout_w(b, carry):
        pltpu.make_async_copy(acc_sh.at[pl.ds(row0, _CH)],
                              out_hbm.at[cid, pl.ds(row0, _CH)], gsem0).wait()
        return carry

    lax.fori_loop(0, n_zc, wout_w, 0)


def _sc_scatter(node_features, weight, edge_index):
    N, D = node_features.shape
    E = weight.shape[0]
    n_cpt = E // _CH // _NW
    assert n_cpt * _CH * _NW == E
    ei_flat = edge_index.reshape(2 * E)
    N_pad = ((N + _NS * _CH - 1) // (_NS * _CH)) * (_NS * _CH)
    mesh = plsc.VectorSubcoreMesh(core_axis_name="c", subcore_axis_name="s",
                                  num_cores=_NC, num_subcores=_NS)
    k = functools.partial(
        pl.kernel,
        mesh=mesh,
        out_type=jax.ShapeDtypeStruct((_NC, N_pad, D), jnp.float32),
        scratch_types=[
            pltpu.VMEM((2, _CH), jnp.int32),
            pltpu.VMEM((2, _CH), jnp.int32),
            pltpu.VMEM((2, _CH, D), jnp.float32),
            pltpu.VMEM((_CH, D), jnp.float32),
            pltpu.VMEM((_CH, D), jnp.float32),
            pltpu.VMEM_SHARED((N_pad, D), jnp.float32),
        ] + [pltpu.SemaphoreType.DMA] * 8,
    )(_sc_body)
    return k(node_features, weight, ei_flat)


def _combine_body(p_ref, o_ref):
    o_ref[...] = p_ref[0] + p_ref[1]


def _combine(partial, N):
    D = partial.shape[2]
    BN = 2000
    assert N % BN == 0
    return pl.pallas_call(
        _combine_body,
        grid=(N // BN,),
        in_specs=[pl.BlockSpec((2, BN, D), lambda i: (0, i, 0))],
        out_specs=pl.BlockSpec((BN, D), lambda i: (i, 0)),
        out_shape=jax.ShapeDtypeStruct((N, D), jnp.float32),
    )(partial)


def kernel(node_features, edge_attr, edge_embedding, W1, W2, denominator, edge_index):
    R = W1.shape[0]
    H = W2.shape[0]
    W1s = W1 / jnp.sqrt(jnp.float32(R))
    W2s = W2 / (jnp.sqrt(jnp.float32(H)) * denominator[0])
    weight = _edge_weights(edge_embedding.T, W1s, W2s)
    partial = _sc_scatter(node_features, weight, edge_index)
    return _combine(partial, node_features.shape[0])

# --- scband reference (transcript-rebuilt; emitter-appended) ---
"""Pipeline reference for scband-irreps-convolution-704374636931 (READ-ONLY COPY).

The authoritative reference and input builder live on the scoring server;
editing this copy changes nothing except your own understanding.
"""

import jax, jax.numpy as jnp
import numpy as np

# e3nn normalize2mom constant for ShiftedSoftPlus: scale so E[act(z)^2]=1 for z~N(0,1)
_rng = np.random.default_rng(0)
_z = _rng.standard_normal(1_000_000)
_SSP_CONST = float(1.0 / np.sqrt(np.mean((np.logaddexp(0.0, _z) - np.log(2.0)) ** 2)))

def _ssp(x):
    # ShiftedSoftPlus with second-moment normalization (e3nn normalize2mom)
    return (jax.nn.softplus(x) - jnp.log(2.0)) * _SSP_CONST

def setup_inputs(seed: int = 0):
    key = jax.random.key(seed)
    ks = jax.random.split(key, 6)
    N, E, D, R, H = 10000, 320000, 128, 8, 64
    node_features = jax.random.normal(ks[0], (N, D), dtype=jnp.float32)
    edge_index = jax.random.randint(ks[1], (2, E), 0, N, dtype=jnp.int32)
    # irreps_filter = 1x0e -> spherical harmonic Y_0 (component-normalized) == 1
    edge_attr = jnp.ones((E, 1), dtype=jnp.float32)
    edge_embedding = jax.random.uniform(ks[2], (E, R), dtype=jnp.float32)
    # FullyConnectedNet params: hs = [8, 64, 128] (128 = weight_numel of the TP)
    W1 = jax.random.normal(ks[3], (R, H), dtype=jnp.float32)
    W2 = jax.random.normal(ks[4], (H, D), dtype=jnp.float32)
    denominator = jnp.array([32.0], dtype=jnp.float32)
    return {"node_features": node_features, "edge_attr": edge_attr, "edge_embedding": edge_embedding, "W1": W1, "W2": W2, "denominator": denominator, "edge_index": edge_index}

def reference(node_features, edge_attr, edge_embedding, W1, W2, denominator, edge_index):
    N = node_features.shape[0]
    # weight_nn: e3nn FullyConnectedNet, layer = x @ (W / sqrt(h_in)), ssp between layers
    h = _ssp(edge_embedding @ (W1 / jnp.sqrt(jnp.float32(W1.shape[0]))))
    weight = h @ (W2 / jnp.sqrt(jnp.float32(W2.shape[0])))  # [E, 128] per-edge TP weights
    edge_src = edge_index[1]
    edge_dst = edge_index[0]
    # TensorProduct 128x0e (x) 1x0e -> 128x0e, 'uvu', external weights.
    # For scalar irreps with a single path, path_weight == 1, so it is an
    # elementwise product of gathered node features, filter, and edge weights.
    message = node_features[edge_src] * edge_attr * weight  # [E, 128]
    out = jax.ops.segment_sum(message, edge_dst, num_segments=N)  # scatter_reduce 'sum'
    out = out / denominator
    return out

if __name__ == "__main__":
    import jax
    _d = setup_inputs()
    print(jax.jit(kernel)(*tuple(_d.values())))

</pallas_src>

<mosaic_0001>
#map = affine_map<(d0, d1) -> (0, 0)>
#map1 = affine_map<(d0, d1) -> (0)>
#map2 = affine_map<(d0, d1) -> (0, 0, 0)>
module attributes {stable_mosaic.version = 14 : i64} {
  func.func @_sc_body(%arg0: i32, %arg1: i32, %arg2: memref<10000x128xf32, #tpu.memory_space<hbm>>, %arg3: memref<320000x128xf32, #tpu.memory_space<hbm>>, %arg4: memref<640000xi32, #tpu.memory_space<hbm>>, %arg5: memref<2x10240x128xf32, #tpu.memory_space<hbm>>, %arg6: memref<2x80xi32, #tpu.memory_space<vmem>>, %arg7: memref<2x80xi32, #tpu.memory_space<vmem>>, %arg8: memref<2x80x128xf32, #tpu.memory_space<vmem>>, %arg9: memref<80x128xf32, #tpu.memory_space<vmem>>, %arg10: memref<80x128xf32, #tpu.memory_space<vmem>>, %arg11: memref<10240x128xf32, #tpu.memory_space<vmem_shared>>, %arg12: memref<!tpu.dma_semaphore, #tpu.memory_space<semaphore_mem>>, %arg13: memref<!tpu.dma_semaphore, #tpu.memory_space<semaphore_mem>>, %arg14: memref<!tpu.dma_semaphore, #tpu.memory_space<semaphore_mem>>, %arg15: memref<!tpu.dma_semaphore, #tpu.memory_space<semaphore_mem>>, %arg16: memref<!tpu.dma_semaphore, #tpu.memory_space<semaphore_mem>>, %arg17: memref<!tpu.dma_semaphore, #tpu.memory_space<semaphore_mem>>, %arg18: memref<!tpu.dma_semaphore, #tpu.memory_space<semaphore_mem>>, %arg19: memref<!tpu.dma_semaphore, #tpu.memory_space<semaphore_mem>>) attributes {dimension_semantics = [#tpu.dimension_semantics<core_parallel>, #tpu.dimension_semantics<subcore_parallel>], iteration_bounds = array<i64: 2, 16>, scalar_prefetch = 0 : i64, scratch_operands = 14 : i64, tpu.core_type = #tpu.core_type<sc_vector_subcore>, window_params = [{transform_indices = #map}, {transform_indices = #map}, {transform_indices = #map1}, {transform_indices = #map2}]} {
    %mul3A = arith.constant 2 : i32
    %mul3A_0 = arith.muli %arg1, %mul3A : i32
    %add3A = arith.addi %mul3A_0, %arg0 : i32
    %scan3A = arith.constant 0 : i32
    %scan3A_1 = arith.constant 0 : i32
    %scan3A_2 = arith.constant 80 : i32
    %scan3A_3 = arith.addi %scan3A_1, %scan3A_2 : i32
    %scan3A_4 = arith.constant 1 : i32
    scf.for %scan3A_171 = %scan3A_1 to %scan3A_3 step %scan3A_4  : i32 {
      %broadcast_in_dim3A = arith.constant 0.000000e+00 : f32
      %broadcast_in_dim3A_172 = vector.broadcast %broadcast_in_dim3A : f32 to vector<16xf32>
      %swap3A = arith.constant 0 : i32
      %swap3A_173 = arith.index_cast %swap3A : i32 to index
      %swap3A_174 = arith.index_cast %scan3A_171 : i32 to index
      %swap3A_175 = arith.constant 0 : index
      %swap3A_176 = tpu.vector_load %arg8[%swap3A_173, %swap3A_174, %swap3A_175] {strides = array<i32>} : memref<2x80x128xf32, #tpu.memory_space<vmem>>, vector<1x1x16xf32>,
      %swap3A_177 = vector.shape_cast %swap3A_176 : vector<1x1x16xf32> to vector<16xf32>
      %swap3A_178 = vector.shape_cast %broadcast_in_dim3A_172 : vector<16xf32> to vector<1x1x16xf32>
      tpu.vector_store %arg8[%swap3A_173, %swap3A_174, %swap3A_175], %swap3A_178 {strides = array<i32>} : memref<2x80x128xf32, #tpu.memory_space<vmem>>, vector<1x1x16xf32>,
      %broadcast_in_dim3A_179 = arith.constant 0.000000e+00 : f32
      %broadcast_in_dim3A_180 = vector.broadcast %broadcast_in_dim3A_179 : f32 to vector<16xf32>
      %swap3A_181 = arith.constant 0 : i32
      %swap3A_182 = arith.index_cast %swap3A_181 : i32 to index
      %swap3A_183 = arith.index_cast %scan3A_171 : i32 to index
      %swap3A_184 = arith.constant 16 : index
      %swap3A_185 = tpu.vector_load %arg8[%swap3A_182, %swap3A_183, %swap3A_184] {strides = array<i32>} : memref<2x80x128xf32, #tpu.memory_space<vmem>>, vector<1x1x16xf32>,
      %swap3A_186 = vector.shape_cast %swap3A_185 : vector<1x1x16xf32> to vector<16xf32>
      %swap3A_187 = vector.shape_cast %broadcast_in_dim3A_180 : vector<16xf32> to vector<1x1x16xf32>
      tpu.vector_store %arg8[%swap3A_182, %swap3A_183, %swap3A_184], %swap3A_187 {strides = array<i32>} : memref<2x80x128xf32, #tpu.memory_space<vmem>>, vector<1x1x16xf32>,
      %broadcast_in_dim3A_188 = arith.constant 0.000000e+00 : f32
      %broadcast_in_dim3A_189 = vector.broadcast %broadcast_in_dim3A_188 : f32 to vector<16xf32>
      %swap3A_190 = arith.constant 0 : i32
      %swap3A_191 = arith.index_cast %swap3A_190 : i32 to index
      %swap3A_192 = arith.index_cast %scan3A_171 : i32 to index
      %swap3A_193 = arith.constant 32 : index
      %swap3A_194 = tpu.vector_load %arg8[%swap3A_191, %swap3A_192, %swap3A_193] {strides = array<i32>} : memref<2x80x128xf32, #tpu.memory_space<vmem>>, vector<1x1x16xf32>,
      %swap3A_195 = vector.shape_cast %swap3A_194 : vector<1x1x16xf32> to vector<16xf32>
      %swap3A_196 = vector.shape_cast %broadcast_in_dim3A_189 : vector<16xf32> to vector<1x1x16xf32>
      tpu.vector_store %arg8[%swap3A_191, %swap3A_192, %swap3A_193], %swap3A_196 {strides = array<i32>} : memref<2x80x128xf32, #tpu.memory_space<vmem>>, vector<1x1x16xf32>,
      %broadcast_in_dim3A_197 = arith.constant 0.000000e+00 : f32
      %broadcast_in_dim3A_198 = vector.broadcast %broadcast_in_dim3A_197 : f32 to vector<16xf32>
      %swap3A_199 = arith.constant 0 : i32
      %swap3A_200 = arith.index_cast %swap3A_199 : i32 to index
      %swap3A_201 = arith.index_cast %scan3A_171 : i32 to index
      %swap3A_202 = arith.constant 48 : index
      %swap3A_203 = tpu.vector_load %arg8[%swap3A_200, %swap3A_201, %swap3A_202] {strides = array<i32>} : memref<2x80x128xf32, #tpu.memory_space<vmem>>, vector<1x1x16xf32>,
      %swap3A_204 = vector.shape_cast %swap3A_203 : vector<1x1x16xf32> to vector<16xf32>
      %swap3A_205 = vector.shape_cast %broadcast_in_dim3A_198 : vector<16xf32> to vector<1x1x16xf32>
      tpu.vector_store %arg8[%swap3A_200, %swap3A_201, %swap3A_202], %swap3A_205 {strides = array<i32>} : memref<2x80x128xf32, #tpu.memory_space<vmem>>, vector<1x1x16xf32>,
      %broadcast_in_dim3A_206 = arith.constant 0.000000e+00 : f32
      %broadcast_in_dim3A_207 = vector.broadcast %broadcast_in_dim3A_206 : f32 to vector<16xf32>
      %swap3A_208 = arith.constant 0 : i32
      %swap3A_209 = arith.index_cast %swap3A_208 : i32 to index
      %swap3A_210 = arith.index_cast %scan3A_171 : i32 to index
      %swap3A_211 = arith.constant 64 : index
      %swap3A_212 = tpu.vector_load %arg8[%swap3A_209, %swap3A_210, %swap3A_211] {strides = array<i32>} : memref<2x80x128xf32, #tpu.memory_space<vmem>>, vector<1x1x16xf32>,
      %swap3A_213 = vector.shape_cast %swap3A_212 : vector<1x1x16xf32> to vector<16xf32>
      %swap3A_214 = vector.shape_cast %broadcast_in_dim3A_207 : vector<16xf32> to vector<1x1x16xf32>
      tpu.vector_store %arg8[%swap3A_209, %swap3A_210, %swap3A_211], %swap3A_214 {strides = array<i32>} : memref<2x80x128xf32, #tpu.memory_space<vmem>>, vector<1x1x16xf32>,
      %broadcast_in_dim3A_215 = arith.constant 0.000000e+00 : f32
      %broadcast_in_dim3A_216 = vector.broadcast %broadcast_in_dim3A_215 : f32 to vector<16xf32>
      %swap3A_217 = arith.constant 0 : i32
      %swap3A_218 = arith.index_cast %swap3A_217 : i32 to index
      %swap3A_219 = arith.index_cast %scan3A_171 : i32 to index
      %swap3A_220 = arith.constant 80 : index
      %swap3A_221 = tpu.vector_load %arg8[%swap3A_218, %swap3A_219, %swap3A_220] {strides = array<i32>} : memref<2x80x128xf32, #tpu.memory_space<vmem>>, vector<1x1x16xf32>,
      %swap3A_222 = vector.shape_cast %swap3A_221 : vector<1x1x16xf32> to vector<16xf32>
      %swap3A_223 = vector.shape_cast %broadcast_in_dim3A_216 : vector<16xf32> to vector<1x1x16xf32>
      tpu.vector_store %arg8[%swap3A_218, %swap3A_219, %swap3A_220], %swap3A_223 {strides = array<i32>} : memref<2x80x128xf32, #tpu.memory_space<vmem>>, vector<1x1x16xf32>,
      %broadcast_in_dim3A_224 = arith.constant 0.000000e+00 : f32
      %broadcast_in_dim3A_225 = vector.broadcast %broadcast_in_dim3A_224 : f32 to vector<16xf32>
      %swap3A_226 = arith.constant 0 : i32
      %swap3A_227 = arith.index_cast %swap3A_226 : i32 to index
      %swap3A_228 = arith.index_cast %scan3A_171 : i32 to index
      %swap3A_229 = arith.constant 96 : index
      %swap3A_230 = tpu.vector_load %arg8[%swap3A_227, %swap3A_228, %swap3A_229] {strides = array<i32>} : memref<2x80x128xf32, #tpu.memory_space<vmem>>, vector<1x1x16xf32>,
      %swap3A_231 = vector.shape_cast %swap3A_230 : vector<1x1x16xf32> to vector<16xf32>
      %swap3A_232 = vector.shape_cast %broadcast_in_dim3A_225 : vector<16xf32> to vector<1x1x16xf32>
      tpu.vector_store %arg8[%swap3A_227, %swap3A_228, %swap3A_229], %swap3A_232 {strides = array<i32>} : memref<2x80x128xf32, #tpu.memory_space<vmem>>, vector<1x1x16xf32>,
      %broadcast_in_dim3A_233 = arith.constant 0.000000e+00 : f32
      %broadcast_in_dim3A_234 = vector.broadcast %broadcast_in_dim3A_233 : f32 to vector<16xf32>
      %swap3A_235 = arith.constant 0 : i32
      %swap3A_236 = arith.index_cast %swap3A_235 : i32 to index
      %swap3A_237 = arith.index_cast %scan3A_171 : i32 to index
      %swap3A_238 = arith.constant 112 : index
      %swap3A_239 = tpu.vector_load %arg8[%swap3A_236, %swap3A_237, %swap3A_238] {strides = array<i32>} : memref<2x80x128xf32, #tpu.memory_space<vmem>>, vector<1x1x16xf32>,
      %swap3A_240 = vector.shape_cast %swap3A_239 : vector<1x1x16xf32> to vector<16xf32>
      %swap3A_241 = vector.shape_cast %broadcast_in_dim3A_234 : vector<16xf32> to vector<1x1x16xf32>
      tpu.vector_store %arg8[%swap3A_236, %swap3A_237, %swap3A_238], %swap3A_241 {strides = array<i32>} : memref<2x80x128xf32, #tpu.memory_space<vmem>>, vector<1x1x16xf32>,
    }
    %scan3A_5 = arith.constant 80 : i32
    %mul3A_6 = arith.constant 640 : i32
    %mul3A_7 = arith.muli %arg1, %mul3A_6 : i32
    %scan3A_8 = arith.constant 0 : i32
    %scan3A_9 = arith.constant 0 : i32
    %scan3A_10 = arith.constant 8 : i32
    %scan3A_11 = arith.addi %scan3A_9, %scan3A_10 : i32
    %scan3A_12 = arith.constant 1 : i32
    scf.for %scan3A_171 = %scan3A_9 to %scan3A_11 step %scan3A_12  : i32 {
      %mul3A_172 = arith.constant 80 : i32
      %mul3A_173 = arith.muli %scan3A_171, %mul3A_172 : i32
      %add3A_174 = arith.addi %mul3A_7, %mul3A_173 : i32
      %dma_start3A_175 = arith.constant 0 : i32
      %dma_start3A_176 = arith.constant 0 : i32
      %dma_start3A_177 = arith.constant 0 : i32
      %dma_start3A_178 = tpu.memref_slice %arg8[%dma_start3A_175, %dma_start3A_176, %dma_start3A_177] : memref<2x80x128xf32, #tpu.memory_space<vmem>> -> memref<1x80x128xf32, #tpu.memory_space<vmem>>
      %dma_start3A_179 = tpu.memref_squeeze %dma_start3A_178 : memref<1x80x128xf32, #tpu.memory_space<vmem>> -> memref<80x128xf32, #tpu.memory_space<vmem>>
      %dma_start3A_180 = arith.constant 0 : i32
      %dma_start3A_181 = tpu.memref_slice %arg11[%add3A_174, %dma_start3A_180] : memref<10240x128xf32, #tpu.memory_space<vmem_shared>> -> memref<80x128xf32, #tpu.memory_space<vmem_shared>>
      %dma_start3A_182 = arith.constant 0 : i32
      %dma_start3A_183 = tpu.memref_slice %arg11[%add3A_174, %dma_start3A_182] : memref<10240x128xf32, #tpu.memory_space<vmem_shared>> -> memref<80x128xf32, #tpu.memory_space<vmem_shared>>
      %dma_start3A_184 = arith.constant 0 : i32
      %dma_start3A_185 = arith.constant 0 : i32
      %dma_start3A_186 = tpu.memref_slice %arg8[%dma_start3A_175, %dma_start3A_184, %dma_start3A_185] : memref<2x80x128xf32, #tpu.memory_space<vmem>> -> memref<1x80x128xf32, #tpu.memory_space<vmem>>
      %dma_start3A_187 = tpu.memref_squeeze %dma_start3A_186 : memref<1x80x128xf32, #tpu.memory_space<vmem>> -> memref<80x128xf32, #tpu.memory_space<vmem>>
      tpu.enqueue_dma source(%dma_start3A_187 : memref<80x128xf32, #tpu.memory_space<vmem>>) target(%dma_start3A_183 : memref<80x128xf32, #tpu.memory_space<vmem_shared>>) target_semaphore(%arg12 : memref<!tpu.dma_semaphore, #tpu.memory_space<semaphore_mem>>)
    }
    %scan3A_13 = arith.constant 8 : i32
    %scan3A_14 = arith.constant 0 : i32
    %scan3A_15 = arith.constant 0 : i32
    %scan3A_16 = arith.constant 8 : i32
    %scan3A_17 = arith.addi %scan3A_15, %scan3A_16 : i32
    %scan3A_18 = arith.constant 1 : i32
    scf.for %scan3A_171 = %scan3A_15 to %scan3A_17 step %scan3A_18  : i32 {
      %dma_wait3A_172 = arith.constant 0 : i32
      %dma_wait3A_173 = arith.constant 0 : i32
      %dma_wait3A_174 = arith.constant 0 : i32
      %dma_wait3A_175 = tpu.memref_slice %arg8[%dma_wait3A_172, %dma_wait3A_173, %dma_wait3A_174] : memref<2x80x128xf32, #tpu.memory_space<vmem>> -> memref<1x80x128xf32, #tpu.memory_space<vmem>>
      %dma_wait3A_176 = tpu.memref_squeeze %dma_wait3A_175 : memref<1x80x128xf32, #tpu.memory_space<vmem>> -> memref<80x128xf32, #tpu.memory_space<vmem>>
      %dma_wait3A_177 = arith.constant 0 : i32
      %dma_wait3A_178 = tpu.memref_slice %arg11[%mul3A_7, %dma_wait3A_177] : memref<10240x128xf32, #tpu.memory_space<vmem_shared>> -> memref<80x128xf32, #tpu.memory_space<vmem_shared>>
      %dma_wait3A_179 = arith.constant 0 : i32
      %dma_wait3A_180 = tpu.memref_slice %arg11[%mul3A_7, %dma_wait3A_179] : memref<10240x128xf32, #tpu.memory_space<vmem_shared>> -> memref<80x128xf32, #tpu.memory_space<vmem_shared>>
      %dma_wait3A_181 = arith.constant 0 : i32
      %dma_wait3A_182 = arith.constant 0 : i32
      %dma_wait3A_183 = tpu.memref_slice %arg8[%dma_wait3A_172, %dma_wait3A_181, %dma_wait3A_182] : memref<2x80x128xf32, #tpu.memory_space<vmem>> -> memref<1x80x128xf32, #tpu.memory_space<vmem>>
      %dma_wait3A_184 = tpu.memref_squeeze %dma_wait3A_183 : memref<1x80x128xf32, #tpu.memory_space<vmem>> -> memref<80x128xf32, #tpu.memory_space<vmem>>
      tpu.wait_dma2 semaphore(%arg12 : memref<!tpu.dma_semaphore, #tpu.memory_space<semaphore_mem>>) src(%dma_wait3A_184 : memref<80x128xf32, #tpu.memory_space<vmem>>) dst(%dma_wait3A_180 : memref<80x128xf32, #tpu.memory_space<vmem_shared>>)
    }
    %scan3A_19 = arith.constant 8 : i32
    %barrier3A = arith.constant 0 : index
    tpu.barrier barrier_id(%barrier3A)
    %mul3A_20 = arith.constant 125 : i32
    %mul3A_21 = arith.muli %add3A, %mul3A_20 : i32
    %mul3A_22 = arith.constant 80 : i32
    %mul3A_23 = arith.muli %mul3A_21, %mul3A_22 : i32
    %add3A_24 = arith.constant 320000 : i32
    %add3A_25 = arith.addi %add3A_24, %mul3A_23 : i32
    %run_scoped3A = arith.constant 0 : i32
    "tpu.region"() ({
      %run_scoped3A_171 = tpu.sem_alloc : memref<!tpu.dma_semaphore, #tpu.memory_space<semaphore_mem>>
      %dma_start3A_172 = arith.constant 0 : i32
      %dma_start3A_173 = tpu.memref_slice %arg6[%run_scoped3A, %dma_start3A_172] : memref<2x80xi32, #tpu.memory_space<vmem>> -> memref<1x80xi32, #tpu.memory_space<vmem>>
      %dma_start3A_174 = tpu.memref_squeeze %dma_start3A_173 : memref<1x80xi32, #tpu.memory_space<vmem>> -> memref<80xi32, #tpu.memory_space<vmem>>
      %dma_start3A_175 = tpu.memref_slice %arg4[%add3A_25] : memref<640000xi32, #tpu.memory_space<hbm>> -> memref<80xi32, #tpu.memory_space<hbm>>
      %dma_start3A_176 = arith.constant 0 : i32
      %dma_start3A_177 = tpu.memref_slice %arg6[%run_scoped3A, %dma_start3A_176] : memref<2x80xi32, #tpu.memory_space<vmem>> -> memref<1x80xi32, #tpu.memory_space<vmem>>
      %dma_start3A_178 = tpu.memref_squeeze %dma_start3A_177 : memref<1x80xi32, #tpu.memory_space<vmem>> -> memref<80xi32, #tpu.memory_space<vmem>>
      %dma_start3A_179 = tpu.memref_slice %arg4[%add3A_25] : memref<640000xi32, #tpu.memory_space<hbm>> -> memref<80xi32, #tpu.memory_space<hbm>>
      tpu.enqueue_dma source(%dma_start3A_179 : memref<80xi32, #tpu.memory_space<hbm>>) target(%dma_start3A_178 : memref<80xi32, #tpu.memory_space<vmem>>) target_semaphore(%run_scoped3A_171 : memref<!tpu.dma_semaphore, #tpu.memory_space<semaphore_mem>>)
      %dma_wait3A_180 = arith.constant 0 : i32
      %dma_wait3A_181 = tpu.memref_slice %arg6[%run_scoped3A, %dma_wait3A_180] : memref<2x80xi32, #tpu.memory_space<vmem>> -> memref<1x80xi32, #tpu.memory_space<vmem>>
      %dma_wait3A_182 = tpu.memref_squeeze %dma_wait3A_181 : memref<1x80xi32, #tpu.memory_space<vmem>> -> memref<80xi32, #tpu.memory_space<vmem>>
      %dma_wait3A_183 = tpu.memref_slice %arg4[%add3A_25] : memref<640000xi32, #tpu.memory_space<hbm>> -> memref<80xi32, #tpu.memory_space<hbm>>
      %dma_wait3A_184 = arith.constant 0 : i32
      %dma_wait3A_185 = tpu.memref_slice %arg6[%run_scoped3A, %dma_wait3A_184] : memref<2x80xi32, #tpu.memory_space<vmem>> -> memref<1x80xi32, #tpu.memory_space<vmem>>
      %dma_wait3A_186 = tpu.memref_squeeze %dma_wait3A_185 : memref<1x80xi32, #tpu.memory_space<vmem>> -> memref<80xi32, #tpu.memory_space<vmem>>
      %dma_wait3A_187 = tpu.memref_slice %arg4[%add3A_25] : memref<640000xi32, #tpu.memory_space<hbm>> -> memref<80xi32, #tpu.memory_space<hbm>>
      tpu.wait_dma2 semaphore(%run_scoped3A_171 : memref<!tpu.dma_semaphore, #tpu.memory_space<semaphore_mem>>) src(%dma_wait3A_187 : memref<80xi32, #tpu.memory_space<hbm>>) dst(%dma_wait3A_186 : memref<80xi32, #tpu.memory_space<vmem>>)
      tpu.yield
    }) : () -> ()
    %add3A_26 = arith.constant 320000 : i32
    %add3A_27 = arith.addi %add3A_26, %mul3A_23 : i32
    %add3A_28 = arith.constant 80 : i32
    %add3A_29 = arith.addi %add3A_27, %add3A_28 : i32
    %dma_start3A = arith.constant 1 : i32
    %dma_start3A_30 = arith.constant 0 : i32
    %dma_start3A_31 = tpu.memref_slice %arg6[%dma_start3A, %dma_start3A_30] : memref<2x80xi32, #tpu.memory_space<vmem>> -> memref<1x80xi32, #tpu.memory_space<vmem>>
    %dma_start3A_32 = tpu.memref_squeeze %dma_start3A_31 : memref<1x80xi32, #tpu.memory_space<vmem>> -> memref<80xi32, #tpu.memory_space<vmem>>
    %dma_start3A_33 = tpu.memref_slice %arg4[%add3A_29] : memref<640000xi32, #tpu.memory_space<hbm>> -> memref<80xi32, #tpu.memory_space<hbm>>
    %dma_start3A_34 = arith.constant 0 : i32
    %dma_start3A_35 = tpu.memref_slice %arg6[%dma_start3A, %dma_start3A_34] : memref<2x80xi32, #tpu.memory_space<vmem>> -> memref<1x80xi32, #tpu.memory_space<vmem>>
    %dma_start3A_36 = tpu.memref_squeeze %dma_start3A_35 : memref<1x80xi32, #tpu.memory_space<vmem>> -> memref<80xi32, #tpu.memory_space<vmem>>
    %dma_start3A_37 = tpu.memref_slice %arg4[%add3A_29] : memref<640000xi32, #tpu.memory_space<hbm>> -> memref<80xi32, #tpu.memory_space<hbm>>
    tpu.enqueue_dma source(%dma_start3A_37 : memref<80xi32, #tpu.memory_space<hbm>>) target(%dma_start3A_36 : memref<80xi32, #tpu.memory_space<vmem>>) target_semaphore(%arg17 : memref<!tpu.dma_semaphore, #tpu.memory_space<semaphore_mem>>)
    %add3A_38 = arith.constant 0 : i32
    %add3A_39 = arith.addi %mul3A_23, %add3A_38 : i32
    %dma_start3A_40 = arith.constant 0 : i32
    %dma_start3A_41 = arith.constant 0 : i32
    %dma_start3A_42 = tpu.memref_slice %arg7[%dma_start3A_40, %dma_start3A_41] : memref<2x80xi32, #tpu.memory_space<vmem>> -> memref<1x80xi32, #tpu.memory_space<vmem>>
    %dma_start3A_43 = tpu.memref_squeeze %dma_start3A_42 : memref<1x80xi32, #tpu.memory_space<vmem>> -> memref<80xi32, #tpu.memory_space<vmem>>
    %dma_start3A_44 = tpu.memref_slice %arg4[%add3A_39] : memref<640000xi32, #tpu.memory_space<hbm>> -> memref<80xi32, #tpu.memory_space<hbm>>
    %dma_start3A_45 = arith.constant 0 : i32
    %dma_start3A_46 = tpu.memref_slice %arg7[%dma_start3A_40, %dma_start3A_45] : memref<2x80xi32, #tpu.memory_space<vmem>> -> memref<1x80xi32, #tpu.memory_space<vmem>>
    %dma_start3A_47 = tpu.memref_squeeze %dma_start3A_46 : memref<1x80xi32, #tpu.memory_space<vmem>> -> memref<80xi32, #tpu.memory_space<vmem>>
    %dma_start3A_48 = tpu.memref_slice %arg4[%add3A_39] : memref<640000xi32, #tpu.memory_space<hbm>> -> memref<80xi32, #tpu.memory_space<hbm>>
    tpu.enqueue_dma source(%dma_start3A_48 : memref<80xi32, #tpu.memory_space<hbm>>) target(%dma_start3A_47 : memref<80xi32, #tpu.memory_space<vmem>>) target_semaphore(%arg18 : memref<!tpu.dma_semaphore, #tpu.memory_space<semaphore_mem>>)
    %dma_start3A_49 = arith.constant 0 : i32
    %dma_start3A_50 = arith.constant 0 : i32
    %dma_start3A_51 = arith.constant 0 : i32
    %dma_start3A_52 = arith.constant 0 : i32
    %dma_start3A_53 = tpu.memref_slice %arg8[%dma_start3A_50, %dma_start3A_51, %dma_start3A_52] : memref<2x80x128xf32, #tpu.memory_space<vmem>> -> memref<1x80x128xf32, #tpu.memory_space<vmem>>
    %dma_start3A_54 = tpu.memref_squeeze %dma_start3A_53 : memref<1x80x128xf32, #tpu.memory_space<vmem>> -> memref<80x128xf32, #tpu.memory_space<vmem>>
    %dma_start3A_55 = arith.constant 0 : i32
    %dma_start3A_56 = tpu.memref_slice %arg6[%dma_start3A_49, %dma_start3A_55] : memref<2x80xi32, #tpu.memory_space<vmem>> -> memref<1x80xi32, #tpu.memory_space<vmem>>
    %dma_start3A_57 = tpu.memref_squeeze %dma_start3A_56 : memref<1x80xi32, #tpu.memory_space<vmem>> -> memref<80xi32, #tpu.memory_space<vmem>>
    %dma_start3A_58 = arith.constant 0 : i32
    %dma_start3A_59 = arith.constant 0 : i32
    %dma_start3A_60 = tpu.memref_slice %arg2[%dma_start3A_58, %dma_start3A_59] : memref<10000x128xf32, #tpu.memory_space<hbm>> -> memref<10000x128xf32, #tpu.memory_space<hbm>>
    tpu.enqueue_indirect_dma source(%dma_start3A_60 : memref<10000x128xf32, #tpu.memory_space<hbm>>) target(%dma_start3A_54 : memref<80x128xf32, #tpu.memory_space<vmem>>) offsets(%dma_start3A_57 : memref<80xi32, #tpu.memory_space<vmem>>) semaphore(%arg12 : memref<!tpu.dma_semaphore, #tpu.memory_space<semaphore_mem>>)
    %add3A_61 = arith.constant 0 : i32
    %add3A_62 = arith.addi %mul3A_23, %add3A_61 : i32
    %dma_start3A_63 = arith.constant 0 : i32
    %dma_start3A_64 = tpu.memref_slice %arg3[%add3A_62, %dma_start3A_63] : memref<320000x128xf32, #tpu.memory_space<hbm>> -> memref<80x128xf32, #tpu.memory_space<hbm>>
    %dma_start3A_65 = arith.constant 0 : i32
    %dma_start3A_66 = tpu.memref_slice %arg3[%add3A_62, %dma_start3A_65] : memref<320000x128xf32, #tpu.memory_space<hbm>> -> memref<80x128xf32, #tpu.memory_space<hbm>>
    tpu.enqueue_dma source(%dma_start3A_66 : memref<80x128xf32, #tpu.memory_space<hbm>>) target(%arg9 : memref<80x128xf32, #tpu.memory_space<vmem>>) target_semaphore(%arg12 : memref<!tpu.dma_semaphore, #tpu.memory_space<semaphore_mem>>)
    %scan3A_67 = arith.constant 0 : i32
    %scan3A_68 = arith.constant 0 : i32
    %scan3A_69 = arith.constant 62 : i32
    %scan3A_70 = arith.addi %scan3A_68, %scan3A_69 : i32
    %scan3A_71 = arith.constant 1 : i32
    scf.for %scan3A_171 = %scan3A_68 to %scan3A_70 step %scan3A_71  : i32 {
      %mul3A_172 = arith.constant 2 : i32
      %mul3A_173 = arith.muli %mul3A_172, %scan3A_171 : i32
      %add3A_174 = arith.constant 1 : i32
      %add3A_175 = arith.addi %mul3A_173, %add3A_174 : i32
      %lt3A_176 = arith.constant 125 : i32
      %lt3A_177 = arith.cmpi slt, %add3A_175, %lt3A_176 : i32
      %convert_element_type3A_178 = arith.extui %lt3A_177 : i1 to i32
      %cond3A_179 = arith.constant 0 : i32
      %cond3A_180 = arith.cmpi ne, %convert_element_type3A_178, %cond3A_179 : i32
      scf.if %cond3A_180 {
        %ge3A = arith.constant 1 : i32
        %ge3A_300 = arith.cmpi sge, %mul3A_173, %ge3A : i32
        %convert_element_type3A_301 = arith.extui %ge3A_300 : i1 to i32
        %cond3A_302 = arith.constant 0 : i32
        %cond3A_303 = arith.cmpi ne, %convert_element_type3A_301, %cond3A_302 : i32
        scf.if %cond3A_303 {
          %dma_wait3A_350 = arith.constant 1 : i32
          %dma_wait3A_351 = arith.constant 1 : i32
          %dma_wait3A_352 = arith.constant 0 : i32
          %dma_wait3A_353 = arith.constant 0 : i32
          %dma_wait3A_354 = tpu.memref_slice %arg8[%dma_wait3A_350, %dma_wait3A_352, %dma_wait3A_353] : memref<2x80x128xf32, #tpu.memory_space<vmem>> -> memref<1x80x128xf32, #tpu.memory_space<vmem>>
          %dma_wait3A_355 = tpu.memref_squeeze %dma_wait3A_354 : memref<1x80x128xf32, #tpu.memory_space<vmem>> -> memref<80x128xf32, #tpu.memory_space<vmem>>
          %dma_wait3A_356 = arith.constant 0 : i32
          %dma_wait3A_357 = tpu.memref_slice %arg7[%dma_wait3A_351, %dma_wait3A_356] : memref<2x80xi32, #tpu.memory_space<vmem>> -> memref<1x80xi32, #tpu.memory_space<vmem>>
          %dma_wait3A_358 = tpu.memref_squeeze %dma_wait3A_357 : memref<1x80xi32, #tpu.memory_space<vmem>> -> memref<80xi32, #tpu.memory_space<vmem>>
          %dma_wait3A_359 = arith.constant 0 : i32
          %dma_wait3A_360 = arith.constant 0 : i32
          %dma_wait3A_361 = tpu.memref_slice %arg11[%dma_wait3A_359, %dma_wait3A_360] : memref<10240x128xf32, #tpu.memory_space<vmem_shared>> -> memref<10240x128xf32, #tpu.memory_space<vmem_shared>>
          tpu.wait_indirect_dma semaphore(%arg15 : memref<!tpu.dma_semaphore, #tpu.memory_space<semaphore_mem>>) src(%dma_wait3A_355 : memref<80x128xf32, #tpu.memory_space<vmem>>) dst(%dma_wait3A_361 : memref<10240x128xf32, #tpu.memory_space<vmem_shared>>)
        } else {
        }
        %dma_wait3A_304 = arith.constant 1 : i32
        %dma_wait3A_305 = arith.constant 0 : i32
        %dma_wait3A_306 = tpu.memref_slice %arg6[%dma_wait3A_304, %dma_wait3A_305] : memref<2x80xi32, #tpu.memory_space<vmem>> -> memref<1x80xi32, #tpu.memory_space<vmem>>
        %dma_wait3A_307 = tpu.memref_squeeze %dma_wait3A_306 : memref<1x80xi32, #tpu.memory_space<vmem>> -> memref<80xi32, #tpu.memory_space<vmem>>
        %dma_wait3A_308 = arith.constant 0 : i32
        %dma_wait3A_309 = tpu.memref_slice %arg4[%dma_wait3A_308] : memref<640000xi32, #tpu.memory_space<hbm>> -> memref<80xi32, #tpu.memory_space<hbm>>
        %dma_wait3A_310 = arith.constant 0 : i32
        %dma_wait3A_311 = tpu.memref_slice %arg6[%dma_wait3A_304, %dma_wait3A_310] : memref<2x80xi32, #tpu.memory_space<vmem>> -> memref<1x80xi32, #tpu.memory_space<vmem>>
        %dma_wait3A_312 = tpu.memref_squeeze %dma_wait3A_311 : memref<1x80xi32, #tpu.memory_space<vmem>> -> memref<80xi32, #tpu.memory_space<vmem>>
        %dma_wait3A_313 = arith.constant 0 : i32
        %dma_wait3A_314 = tpu.memref_slice %arg4[%dma_wait3A_313] : memref<640000xi32, #tpu.memory_space<hbm>> -> memref<80xi32, #tpu.memory_space<hbm>>
        tpu.wait_dma2 semaphore(%arg17 : memref<!tpu.dma_semaphore, #tpu.memory_space<semaphore_mem>>) src(%dma_wait3A_314 : memref<80xi32, #tpu.memory_space<hbm>>) dst(%dma_wait3A_312 : memref<80xi32, #tpu.memory_space<vmem>>)
        %add3A_315 = arith.constant 1 : i32
        %add3A_316 = arith.addi %mul3A_173, %add3A_315 : i32
        %dma_start3A_317 = arith.constant 1 : i32
        %dma_start3A_318 = arith.constant 1 : i32
        %dma_start3A_319 = arith.constant 0 : i32
        %dma_start3A_320 = arith.constant 0 : i32
        %dma_start3A_321 = tpu.memref_slice %arg8[%dma_start3A_318, %dma_start3A_319, %dma_start3A_320] : memref<2x80x128xf32, #tpu.memory_space<vmem>> -> memref<1x80x128xf32, #tpu.memory_space<vmem>>
        %dma_start3A_322 = tpu.memref_squeeze %dma_start3A_321 : memref<1x80x128xf32, #tpu.memory_space<vmem>> -> memref<80x128xf32, #tpu.memory_space<vmem>>
        %dma_start3A_323 = arith.constant 0 : i32
        %dma_start3A_324 = tpu.memref_slice %arg6[%dma_start3A_317, %dma_start3A_323] : memref<2x80xi32, #tpu.memory_space<vmem>> -> memref<1x80xi32, #tpu.memory_space<vmem>>
        %dma_start3A_325 = tpu.memref_squeeze %dma_start3A_324 : memref<1x80xi32, #tpu.memory_space<vmem>> -> memref<80xi32, #tpu.memory_space<vmem>>
        %dma_start3A_326 = arith.constant 0 : i32
        %dma_start3A_327 = arith.constant 0 : i32
        %dma_start3A_328 = tpu.memref_slice %arg2[%dma_start3A_326, %dma_start3A_327] : memref<10000x128xf32, #tpu.memory_space<hbm>> -> memref<10000x128xf32, #tpu.memory_space<hbm>>
        tpu.enqueue_indirect_dma source(%dma_start3A_328 : memref<10000x128xf32, #tpu.memory_space<hbm>>) target(%dma_start3A_322 : memref<80x128xf32, #tpu.memory_space<vmem>>) offsets(%dma_start3A_325 : memref<80xi32, #tpu.memory_space<vmem>>) semaphore(%arg13 : memref<!tpu.dma_semaphore, #tpu.memory_space<semaphore_mem>>)
        %mul3A_329 = arith.constant 80 : i32
        %mul3A_330 = arith.muli %add3A_316, %mul3A_329 : i32
        %add3A_331 = arith.addi %mul3A_23, %mul3A_330 : i32
        %dma_start3A_332 = arith.constant 0 : i32
        %dma_start3A_333 = tpu.memref_slice %arg3[%add3A_331, %dma_start3A_332] : memref<320000x128xf32, #tpu.memory_space<hbm>> -> memref<80x128xf32, #tpu.memory_space<hbm>>
        %dma_start3A_334 = arith.constant 0 : i32
        %dma_start3A_335 = tpu.memref_slice %arg3[%add3A_331, %dma_start3A_334] : memref<320000x128xf32, #tpu.memory_space<hbm>> -> memref<80x128xf32, #tpu.memory_space<hbm>>
        tpu.enqueue_dma source(%dma_start3A_335 : memref<80x128xf32, #tpu.memory_space<hbm>>) target(%arg10 : memref<80x128xf32, #tpu.memory_space<vmem>>) target_semaphore(%arg13 : memref<!tpu.dma_semaphore, #tpu.memory_space<semaphore_mem>>)
        %add3A_336 = arith.constant 1 : i32
        %add3A_337 = arith.addi %mul3A_173, %add3A_336 : i32
        %mul3A_338 = arith.constant 80 : i32
        %mul3A_339 = arith.muli %add3A_337, %mul3A_338 : i32
        %add3A_340 = arith.addi %mul3A_23, %mul3A_339 : i32
        %dma_start3A_341 = arith.constant 1 : i32
        %dma_start3A_342 = arith.constant 0 : i32
        %dma_start3A_343 = tpu.memref_slice %arg7[%dma_start3A_341, %dma_start3A_342] : memref<2x80xi32, #tpu.memory_space<vmem>> -> memref<1x80xi32, #tpu.memory_space<vmem>>
        %dma_start3A_344 = tpu.memref_squeeze %dma_start3A_343 : memref<1x80xi32, #tpu.memory_space<vmem>> -> memref<80xi32, #tpu.memory_space<vmem>>
        %dma_start3A_345 = tpu.memref_slice %arg4[%add3A_340] : memref<640000xi32, #tpu.memory_space<hbm>> -> memref<80xi32, #tpu.memory_space<hbm>>
        %dma_start3A_346 = arith.constant 0 : i32
        %dma_start3A_347 = tpu.memref_slice %arg7[%dma_start3A_341, %dma_start3A_346] : memref<2x80xi32, #tpu.memory_space<vmem>> -> memref<1x80xi32, #tpu.memory_space<vmem>>
        %dma_start3A_348 = tpu.memref_squeeze %dma_start3A_347 : memref<1x80xi32, #tpu.memory_space<vmem>> -> memref<80xi32, #tpu.memory_space<vmem>>
        %dma_start3A_349 = tpu.memref_slice %arg4[%add3A_340] : memref<640000xi32, #tpu.memory_space<hbm>> -> memref<80xi32, #tpu.memory_space<hbm>>
        tpu.enqueue_dma source(%dma_start3A_349 : memref<80xi32, #tpu.memory_space<hbm>>) target(%dma_start3A_348 : memref<80xi32, #tpu.memory_space<vmem>>) target_semaphore(%arg19 : memref<!tpu.dma_semaphore, #tpu.memory_space<semaphore_mem>>)
      } else {
      }
      %dma_wait3A_181 = arith.constant 0 : i32
      %dma_wait3A_182 = arith.constant 0 : i32
      %dma_wait3A_183 = arith.constant 0 : i32
      %dma_wait3A_184 = arith.constant 0 : i32
      %dma_wait3A_185 = tpu.memref_slice %arg8[%dma_wait3A_182, %dma_wait3A_183, %dma_wait3A_184] : memref<2x80x128xf32, #tpu.memory_space<vmem>> -> memref<1x80x128xf32, #tpu.memory_space<vmem>>
      %dma_wait3A_186 = tpu.memref_squeeze %dma_wait3A_185 : memref<1x80x128xf32, #tpu.memory_space<vmem>> -> memref<80x128xf32, #tpu.memory_space<vmem>>
      %dma_wait3A_187 = arith.constant 0 : i32
      %dma_wait3A_188 = tpu.memref_slice %arg6[%dma_wait3A_181, %dma_wait3A_187] : memref<2x80xi32, #tpu.memory_space<vmem>> -> memref<1x80xi32, #tpu.memory_space<vmem>>
      %dma_wait3A_189 = tpu.memref_squeeze %dma_wait3A_188 : memref<1x80xi32, #tpu.memory_space<vmem>> -> memref<80xi32, #tpu.memory_space<vmem>>
      %dma_wait3A_190 = arith.constant 0 : i32
      %dma_wait3A_191 = arith.constant 0 : i32
      %dma_wait3A_192 = tpu.memref_slice %arg2[%dma_wait3A_190, %dma_wait3A_191] : memref<10000x128xf32, #tpu.memory_space<hbm>> -> memref<10000x128xf32, #tpu.memory_space<hbm>>
      tpu.wait_indirect_dma semaphore(%arg12 : memref<!tpu.dma_semaphore, #tpu.memory_space<semaphore_mem>>) src(%dma_wait3A_192 : memref<10000x128xf32, #tpu.memory_space<hbm>>) dst(%dma_wait3A_186 : memref<80x128xf32, #tpu.memory_space<vmem>>)
      %dma_wait3A_193 = arith.constant 0 : i32
      %dma_wait3A_194 = arith.constant 0 : i32
      %dma_wait3A_195 = tpu.memref_slice %arg3[%dma_wait3A_193, %dma_wait3A_194] : memref<320000x128xf32, #tpu.memory_space<hbm>> -> memref<80x128xf32, #tpu.memory_space<hbm>>
      %dma_wait3A_196 = arith.constant 0 : i32
      %dma_wait3A_197 = arith.constant 0 : i32
      %dma_wait3A_198 = tpu.memref_slice %arg3[%dma_wait3A_196, %dma_wait3A_197] : memref<320000x128xf32, #tpu.memory_space<hbm>> -> memref<80x128xf32, #tpu.memory_space<hbm>>
      tpu.wait_dma2 semaphore(%arg12 : memref<!tpu.dma_semaphore, #tpu.memory_space<semaphore_mem>>) src(%dma_wait3A_198 : memref<80x128xf32, #tpu.memory_space<hbm>>) dst(%arg9 : memref<80x128xf32, #tpu.memory_space<vmem>>)
      %add3A_199 = arith.constant 2 : i32
      %add3A_200 = arith.addi %mul3A_173, %add3A_199 : i32
      %lt3A_201 = arith.constant 125 : i32
      %lt3A_202 = arith.cmpi slt, %add3A_200, %lt3A_201 : i32
      %convert_element_type3A_203 = arith.extui %lt3A_202 : i1 to i32
      %cond3A_204 = arith.constant 0 : i32
      %cond3A_205 = arith.cmpi ne, %convert_element_type3A_203, %cond3A_204 : i32
      scf.if %cond3A_205 {
        %add3A_300 = arith.constant 2 : i32
        %add3A_301 = arith.addi %mul3A_173, %add3A_300 : i32
        %add3A_302 = arith.constant 320000 : i32
        %add3A_303 = arith.addi %add3A_302, %mul3A_23 : i32
        %mul3A_304 = arith.constant 80 : i32
        %mul3A_305 = arith.muli %add3A_301, %mul3A_304 : i32
        %add3A_306 = arith.addi %add3A_303, %mul3A_305 : i32
        %dma_start3A_307 = arith.constant 0 : i32
        %dma_start3A_308 = arith.constant 0 : i32
        %dma_start3A_309 = tpu.memref_slice %arg6[%dma_start3A_307, %dma_start3A_308] : memref<2x80xi32, #tpu.memory_space<vmem>> -> memref<1x80xi32, #tpu.memory_space<vmem>>
        %dma_start3A_310 = tpu.memref_squeeze %dma_start3A_309 : memref<1x80xi32, #tpu.memory_space<vmem>> -> memref<80xi32, #tpu.memory_space<vmem>>
        %dma_start3A_311 = tpu.memref_slice %arg4[%add3A_306] : memref<640000xi32, #tpu.memory_space<hbm>> -> memref<80xi32, #tpu.memory_space<hbm>>
        %dma_start3A_312 = arith.constant 0 : i32
        %dma_start3A_313 = tpu.memref_slice %arg6[%dma_start3A_307, %dma_start3A_312] : memref<2x80xi32, #tpu.memory_space<vmem>> -> memref<1x80xi32, #tpu.memory_space<vmem>>
        %dma_start3A_314 = tpu.memref_squeeze %dma_start3A_313 : memref<1x80xi32, #tpu.memory_space<vmem>> -> memref<80xi32, #tpu.memory_space<vmem>>
        %dma_start3A_315 = tpu.memref_slice %arg4[%add3A_306] : memref<640000xi32, #tpu.memory_space<hbm>> -> memref<80xi32, #tpu.memory_space<hbm>>
        tpu.enqueue_dma source(%dma_start3A_315 : memref<80xi32, #tpu.memory_space<hbm>>) target(%dma_start3A_314 : memref<80xi32, #tpu.memory_space<vmem>>) target_semaphore(%arg16 : memref<!tpu.dma_semaphore, #tpu.memory_space<semaphore_mem>>)
      } else {
      }
      %scan3A_206 = arith.constant 0 : i32
      %scan3A_207 = arith.constant 0 : i32
      %scan3A_208 = arith.constant 40 : i32
      %scan3A_209 = arith.addi %scan3A_207, %scan3A_208 : i32
      %scan3A_210 = arith.constant 1 : i32
      scf.for %scan3A_300 = %scan3A_207 to %scan3A_209 step %scan3A_210  : i32 {
        %mul3A_301 = arith.constant 2 : i32
        %mul3A_302 = arith.muli %mul3A_301, %scan3A_300 : i32
        %add3A_303 = arith.constant 0 : i32
        %add3A_304 = arith.addi %mul3A_302, %add3A_303 : i32
        %get3A = arith.constant 0 : i32
        %get3A_305 = arith.index_cast %get3A : i32 to index
        %get3A_306 = arith.index_cast %add3A_304 : i32 to index
        %get3A_307 = arith.constant 0 : index
        %get3A_308 = tpu.vector_load %arg8[%get3A_305, %get3A_306, %get3A_307] {strides = array<i32>} : memref<2x80x128xf32, #tpu.memory_space<vmem>>, vector<1x1x16xf32>,
        %get3A_309 = vector.shape_cast %get3A_308 : vector<1x1x16xf32> to vector<16xf32>
        %get3A_310 = arith.index_cast %add3A_304 : i32 to index
        %get3A_311 = arith.constant 0 : index
        %get3A_312 = tpu.vector_load %arg9[%get3A_310, %get3A_311] {strides = array<i32>} : memref<80x128xf32, #tpu.memory_space<vmem>>, vector<1x16xf32>,
        %get3A_313 = vector.shape_cast %get3A_312 : vector<1x16xf32> to vector<16xf32>
        %mul3A_314 = arith.mulf %get3A_309, %get3A_313 : vector<16xf32>
        %swap3A = arith.constant 0 : i32
        %swap3A_315 = arith.index_cast %swap3A : i32 to index
        %swap3A_316 = arith.index_cast %add3A_304 : i32 to index
        %swap3A_317 = arith.constant 0 : index
        %swap3A_318 = tpu.vector_load %arg8[%swap3A_315, %swap3A_316, %swap3A_317] {strides = array<i32>} : memref<2x80x128xf32, #tpu.memory_space<vmem>>, vector<1x1x16xf32>,
        %swap3A_319 = vector.shape_cast %swap3A_318 : vector<1x1x16xf32> to vector<16xf32>
        %swap3A_320 = vector.shape_cast %mul3A_314 : vector<16xf32> to vector<1x1x16xf32>
        tpu.vector_store %arg8[%swap3A_315, %swap3A_316, %swap3A_317], %swap3A_320 {strides = array<i32>} : memref<2x80x128xf32, #tpu.memory_space<vmem>>, vector<1x1x16xf32>,
        %get3A_321 = arith.constant 0 : i32
        %get3A_322 = arith.index_cast %get3A_321 : i32 to index
        %get3A_323 = arith.index_cast %add3A_304 : i32 to index
        %get3A_324 = arith.constant 16 : index
        %get3A_325 = tpu.vector_load %arg8[%get3A_322, %get3A_323, %get3A_324] {strides = array<i32>} : memref<2x80x128xf32, #tpu.memory_space<vmem>>, vector<1x1x16xf32>,
        %get3A_326 = vector.shape_cast %get3A_325 : vector<1x1x16xf32> to vector<16xf32>
        %get3A_327 = arith.index_cast %add3A_304 : i32 to index
        %get3A_328 = arith.constant 16 : index
        %get3A_329 = tpu.vector_load %arg9[%get3A_327, %get3A_328] {strides = array<i32>} : memref<80x128xf32, #tpu.memory_space<vmem>>, vector<1x16xf32>,
        %get3A_330 = vector.shape_cast %get3A_329 : vector<1x16xf32> to vector<16xf32>
        %mul3A_331 = arith.mulf %get3A_326, %get3A_330 : vector<16xf32>
        %swap3A_332 = arith.constant 0 : i32
        %swap3A_333 = arith.index_cast %swap3A_332 : i32 to index
        %swap3A_334 = arith.index_cast %add3A_304 : i32 to index
        %swap3A_335 = arith.constant 16 : index
        %swap3A_336 = tpu.vector_load %arg8[%swap3A_333, %swap3A_334, %swap3A_335] {strides = array<i32>} : memref<2x80x128xf32, #tpu.memory_space<vmem>>, vector<1x1x16xf32>,
        %swap3A_337 = vector.shape_cast %swap3A_336 : vector<1x1x16xf32> to vector<16xf32>
        %swap3A_338 = vector.shape_cast %mul3A_331 : vector<16xf32> to vector<1x1x16xf32>
        tpu.vector_store %arg8[%swap3A_333, %swap3A_334, %swap3A_335], %swap3A_338 {strides = array<i32>} : memref<2x80x128xf32, #tpu.memory_space<vmem>>, vector<1x1x16xf32>,
        %get3A_339 = arith.constant 0 : i32
        %get3A_340 = arith.index_cast %get3A_339 : i32 to index
        %get3A_341 = arith.index_cast %add3A_304 : i32 to index
        %get3A_342 = arith.constant 32 : index
        %get3A_343 = tpu.vector_load %arg8[%get3A_340, %get3A_341, %get3A_342] {strides = array<i32>} : memref<2x80x128xf32, #tpu.memory_space<vmem>>, vector<1x1x16xf32>,
        %get3A_344 = vector.shape_cast %get3A_343 : vector<1x1x16xf32> to vector<16xf32>
        %get3A_345 = arith.index_cast %add3A_304 : i32 to index
        %get3A_346 = arith.constant 32 : index
        %get3A_347 = tpu.vector_load %arg9[%get3A_345, %get3A_346] {strides = array<i32>} : memref<80x128xf32, #tpu.memory_space<vmem>>, vector<1x16xf32>,
        %get3A_348 = vector.shape_cast %get3A_347 : vector<1x16xf32> to vector<16xf32>
        %mul3A_349 = arith.mulf %get3A_344, %get3A_348 : vector<16xf32>
        %swap3A_350 = arith.constant 0 : i32
        %swap3A_351 = arith.index_cast %swap3A_350 : i32 to index
        %swap3A_352 = arith.index_cast %add3A_304 : i32 to index
        %swap3A_353 = arith.constant 32 : index
        %swap3A_354 = tpu.vector_load %arg8[%swap3A_351, %swap3A_352, %swap3A_353] {strides = array<i32>} : memref<2x80x128xf32, #tpu.memory_space<vmem>>, vector<1x1x16xf32>,
        %swap3A_355 = vector.shape_cast %swap3A_354 : vector<1x1x16xf32> to vector<16xf32>
        %swap3A_356 = vector.shape_cast %mul3A_349 : vector<16xf32> to vector<1x1x16xf32>
        tpu.vector_store %arg8[%swap3A_351, %swap3A_352, %swap3A_353], %swap3A_356 {strides = array<i32>} : memref<2x80x128xf32, #tpu.memory_space<vmem>>, vector<1x1x16xf32>,
        %get3A_357 = arith.constant 0 : i32
        %get3A_358 = arith.index_cast %get3A_357 : i32 to index
        %get3A_359 = arith.index_cast %add3A_304 : i32 to index
        %get3A_360 = arith.constant 48 : index
        %get3A_361 = tpu.vector_load %arg8[%get3A_358, %get3A_359, %get3A_360] {strides = array<i32>} : memref<2x80x128xf32, #tpu.memory_space<vmem>>, vector<1x1x16xf32>,
        %get3A_362 = vector.shape_cast %get3A_361 : vector<1x1x16xf32> to vector<16xf32>
        %get3A_363 = arith.index_cast %add3A_304 : i32 to index
        %get3A_364 = arith.constant 48 : index
        %get3A_365 = tpu.vector_load %arg9[%get3A_363, %get3A_364] {strides = array<i32>} : memref<80x128xf32, #tpu.memory_space<vmem>>, vector<1x16xf32>,
        %get3A_366 = vector.shape_cast %get3A_365 : vector<1x16xf32> to vector<16xf32>
        %mul3A_367 = arith.mulf %get3A_362, %get3A_366 : vector<16xf32>
        %swap3A_368 = arith.constant 0 : i32
        %swap3A_369 = arith.index_cast %swap3A_368 : i32 to index
        %swap3A_370 = arith.index_cast %add3A_304 : i32 to index
        %swap3A_371 = arith.constant 48 : index
        %swap3A_372 = tpu.vector_load %arg8[%swap3A_369, %swap3A_370, %swap3A_371] {strides = array<i32>} : memref<2x80x128xf32, #tpu.memory_space<vmem>>, vector<1x1x16xf32>,
        %swap3A_373 = vector.shape_cast %swap3A_372 : vector<1x1x16xf32> to vector<16xf32>
        %swap3A_374 = vector.shape_cast %mul3A_367 : vector<16xf32> to vector<1x1x16xf32>
        tpu.vector_store %arg8[%swap3A_369, %swap3A_370, %swap3A_371], %swap3A_374 {strides = array<i32>} : memref<2x80x128xf32, #tpu.memory_space<vmem>>, vector<1x1x16xf32>,
        %get3A_375 = arith.constant 0 : i32
        %get3A_376 = arith.index_cast %get3A_375 : i32 to index
        %get3A_377 = arith.index_cast %add3A_304 : i32 to index
        %get3A_378 = arith.constant 64 : index
        %get3A_379 = tpu.vector_load %arg8[%get3A_376, %get3A_377, %get3A_378] {strides = array<i32>} : memref<2x80x128xf32, #tpu.memory_space<vmem>>, vector<1x1x16xf32>,
        %get3A_380 = vector.shape_cast %get3A_379 : vector<1x1x16xf32> to vector<16xf32>
        %get3A_381 = arith.index_cast %add3A_304 : i32 to index
        %get3A_382 = arith.constant 64 : index
        %get3A_383 = tpu.vector_load %arg9[%get3A_381, %get3A_382] {strides = array<i32>} : memref<80x128xf32, #tpu.memory_space<vmem>>, vector<1x16xf32>,
        %get3A_384 = vector.shape_cast %get3A_383 : vector<1x16xf32> to vector<16xf32>
        %mul3A_385 = arith.mulf %get3A_380, %get3A_384 : vector<16xf32>
        %swap3A_386 = arith.constant 0 : i32
        %swap3A_387 = arith.index_cast %swap3A_386 : i32 to index
        %swap3A_388 = arith.index_cast %add3A_304 : i32 to index
        %swap3A_389 = arith.constant 64 : index
        %swap3A_390 = tpu.vector_load %arg8[%swap3A_387, %swap3A_388, %swap3A_389] {strides = array<i32>} : memref<2x80x128xf32, #tpu.memory_space<vmem>>, vector<1x1x16xf32>,
        %swap3A_391 = vector.shape_cast %swap3A_390 : vector<1x1x16xf32> to vector<16xf32>
        %swap3A_392 = vector.shape_cast %mul3A_385 : vector<16xf32> to vector<1x1x16xf32>
        tpu.vector_store %arg8[%swap3A_387, %swap3A_388, %swap3A_389], %swap3A_392 {strides = array<i32>} : memref<2x80x128xf32, #tpu.memory_space<vmem>>, vector<1x1x16xf32>,
        %get3A_393 = arith.constant 0 : i32
        %get3A_394 = arith.index_cast %get3A_393 : i32 to index
        %get3A_395 = arith.index_cast %add3A_304 : i32 to index
        %get3A_396 = arith.constant 80 : index
        %get3A_397 = tpu.vector_load %arg8[%get3A_394, %get3A_395, %get3A_396] {strides = array<i32>} : memref<2x80x128xf32, #tpu.memory_space<vmem>>, vector<1x1x16xf32>,
        %get3A_398 = vector.shape_cast %get3A_397 : vector<1x1x16xf32> to vector<16xf32>
        %get3A_399 = arith.index_cast %add3A_304 : i32 to index
        %get3A_400 = arith.constant 80 : index
        %get3A_401 = tpu.vector_load %arg9[%get3A_399, %get3A_400] {strides = array<i32>} : memref<80x128xf32, #tpu.memory_space<vmem>>, vector<1x16xf32>,
        %get3A_402 = vector.shape_cast %get3A_401 : vector<1x16xf32> to vector<16xf32>
        %mul3A_403 = arith.mulf %get3A_398, %get3A_402 : vector<16xf32>
        %swap3A_404 = arith.constant 0 : i32
        %swap3A_405 = arith.index_cast %swap3A_404 : i32 to index
        %swap3A_406 = arith.index_cast %add3A_304 : i32 to index
        %swap3A_407 = arith.constant 80 : index
        %swap3A_408 = tpu.vector_load %arg8[%swap3A_405, %swap3A_406, %swap3A_407] {strides = array<i32>} : memref<2x80x128xf32, #tpu.memory_space<vmem>>, vector<1x1x16xf32>,
        %swap3A_409 = vector.shape_cast %swap3A_408 : vector<1x1x16xf32> to vector<16xf32>
        %swap3A_410 = vector.shape_cast %mul3A_403 : vector<16xf32> to vector<1x1x16xf32>
        tpu.vector_store %arg8[%swap3A_405, %swap3A_406, %swap3A_407], %swap3A_410 {strides = array<i32>} : memref<2x80x128xf32, #tpu.memory_space<vmem>>, vector<1x1x16xf32>,
        %get3A_411 = arith.constant 0 : i32
        %get3A_412 = arith.index_cast %get3A_411 : i32 to index
        %get3A_413 = arith.index_cast %add3A_304 : i32 to index
        %get3A_414 = arith.constant 96 : index
        %get3A_415 = tpu.vector_load %arg8[%get3A_412, %get3A_413, %get3A_414] {strides = array<i32>} : memref<2x80x128xf32, #tpu.memory_space<vmem>>, vector<1x1x16xf32>,
        %get3A_416 = vector.shape_cast %get3A_415 : vector<1x1x16xf32> to vector<16xf32>
        %get3A_417 = arith.index_cast %add3A_304 : i32 to index
        %get3A_418 = arith.constant 96 : index
        %get3A_419 = tpu.vector_load %arg9[%get3A_417, %get3A_418] {strides = array<i32>} : memref<80x128xf32, #tpu.memory_space<vmem>>, vector<1x16xf32>,
        %get3A_420 = vector.shape_cast %get3A_419 : vector<1x16xf32> to vector<16xf32>
        %mul3A_421 = arith.mulf %get3A_416, %get3A_420 : vector<16xf32>
        %swap3A_422 = arith.constant 0 : i32
        %swap3A_423 = arith.index_cast %swap3A_422 : i32 to index
        %swap3A_424 = arith.index_cast %add3A_304 : i32 to index
        %swap3A_425 = arith.constant 96 : index
        %swap3A_426 = tpu.vector_load %arg8[%swap3A_423, %swap3A_424, %swap3A_425] {strides = array<i32>} : memref<2x80x128xf32, #tpu.memory_space<vmem>>, vector<1x1x16xf32>,
        %swap3A_427 = vector.shape_cast %swap3A_426 : vector<1x1x16xf32> to vector<16xf32>
        %swap3A_428 = vector.shape_cast %mul3A_421 : vector<16xf32> to vector<1x1x16xf32>
        tpu.vector_store %arg8[%swap3A_423, %swap3A_424, %swap3A_425], %swap3A_428 {strides = array<i32>} : memref<2x80x128xf32, #tpu.memory_space<vmem>>, vector<1x1x16xf32>,
        %get3A_429 = arith.constant 0 : i32
        %get3A_430 = arith.index_cast %get3A_429 : i32 to index
        %get3A_431 = arith.index_cast %add3A_304 : i32 to index
        %get3A_432 = arith.constant 112 : index
        %get3A_433 = tpu.vector_load %arg8[%get3A_430, %get3A_431, %get3A_432] {strides = array<i32>} : memref<2x80x128xf32, #tpu.memory_space<vmem>>, vector<1x1x16xf32>,
        %get3A_434 = vector.shape_cast %get3A_433 : vector<1x1x16xf32> to vector<16xf32>
        %get3A_435 = arith.index_cast %add3A_304 : i32 to index
        %get3A_436 = arith.constant 112 : index
        %get3A_437 = tpu.vector_load %arg9[%get3A_435, %get3A_436] {strides = array<i32>} : memref<80x128xf32, #tpu.memory_space<vmem>>, vector<1x16xf32>,
        %get3A_438 = vector.shape_cast %get3A_437 : vector<1x16xf32> to vector<16xf32>
        %mul3A_439 = arith.mulf %get3A_434, %get3A_438 : vector<16xf32>
        %swap3A_440 = arith.constant 0 : i32
        %swap3A_441 = arith.index_cast %swap3A_440 : i32 to index
        %swap3A_442 = arith.index_cast %add3A_304 : i32 to index
        %swap3A_443 = arith.constant 112 : index
        %swap3A_444 = tpu.vector_load %arg8[%swap3A_441, %swap3A_442, %swap3A_443] {strides = array<i32>} : memref<2x80x128xf32, #tpu.memory_space<vmem>>, vector<1x1x16xf32>,
        %swap3A_445 = vector.shape_cast %swap3A_444 : vector<1x1x16xf32> to vector<16xf32>
        %swap3A_446 = vector.shape_cast %mul3A_439 : vector<16xf32> to vector<1x1x16xf32>
        tpu.vector_store %arg8[%swap3A_441, %swap3A_442, %swap3A_443], %swap3A_446 {strides = array<i32>} : memref<2x80x128xf32, #tpu.memory_space<vmem>>, vector<1x1x16xf32>,
        %mul3A_447 = arith.constant 2 : i32
        %mul3A_448 = arith.muli %mul3A_447, %scan3A_300 : i32
        %add3A_449 = arith.constant 1 : i32
        %add3A_450 = arith.addi %mul3A_448, %add3A_449 : i32
        %get3A_451 = arith.constant 0 : i32
        %get3A_452 = arith.index_cast %get3A_451 : i32 to index
        %get3A_453 = arith.index_cast %add3A_450 : i32 to index
        %get3A_454 = arith.constant 0 : index
        %get3A_455 = tpu.vector_load %arg8[%get3A_452, %get3A_453, %get3A_454] {strides = array<i32>} : memref<2x80x128xf32, #tpu.memory_space<vmem>>, vector<1x1x16xf32>,
        %get3A_456 = vector.shape_cast %get3A_455 : vector<1x1x16xf32> to vector<16xf32>
        %get3A_457 = arith.index_cast %add3A_450 : i32 to index
        %get3A_458 = arith.constant 0 : index
        %get3A_459 = tpu.vector_load %arg9[%get3A_457, %get3A_458] {strides = array<i32>} : memref<80x128xf32, #tpu.memory_space<vmem>>, vector<1x16xf32>,
        %get3A_460 = vector.shape_cast %get3A_459 : vector<1x16xf32> to vector<16xf32>
        %mul3A_461 = arith.mulf %get3A_456, %get3A_460 : vector<16xf32>
        %swap3A_462 = arith.constant 0 : i32
        %swap3A_463 = arith.index_cast %swap3A_462 : i32 to index
        %swap3A_464 = arith.index_cast %add3A_450 : i32 to index
        %swap3A_465 = arith.constant 0 : index
        %swap3A_466 = tpu.vector_load %arg8[%swap3A_463, %swap3A_464, %swap3A_465] {strides = array<i32>} : memref<2x80x128xf32, #tpu.memory_space<vmem>>, vector<1x1x16xf32>,
        %swap3A_467 = vector.shape_cast %swap3A_466 : vector<1x1x16xf32> to vector<16xf32>
        %swap3A_468 = vector.shape_cast %mul3A_461 : vector<16xf32> to vector<1x1x16xf32>
        tpu.vector_store %arg8[%swap3A_463, %swap3A_464, %swap3A_465], %swap3A_468 {strides = array<i32>} : memref<2x80x128xf32, #tpu.memory_space<vmem>>, vector<1x1x16xf32>,
        %get3A_469 = arith.constant 0 : i32
        %get3A_470 = arith.index_cast %get3A_469 : i32 to index
        %get3A_471 = arith.index_cast %add3A_450 : i32 to index
        %get3A_472 = arith.constant 16 : index
        %get3A_473 = tpu.vector_load %arg8[%get3A_470, %get3A_471, %get3A_472] {strides = array<i32>} : memref<2x80x128xf32, #tpu.memory_space<vmem>>, vector<1x1x16xf32>,
        %get3A_474 = vector.shape_cast %get3A_473 : vector<1x1x16xf32> to vector<16xf32>
        %get3A_475 = arith.index_cast %add3A_450 : i32 to index
        %get3A_476 = arith.constant 16 : index
        %get3A_477 = tpu.vector_load %arg9[%get3A_475, %get3A_476] {strides = array<i32>} : memref<80x128xf32, #tpu.memory_space<vmem>>, vector<1x16xf32>,
        %get3A_478 = vector.shape_cast %get3A_477 : vector<1x16xf32> to vector<16xf32>
        %mul3A_479 = arith.mulf %get3A_474, %get3A_478 : vector<16xf32>
        %swap3A_480 = arith.constant 0 : i32
        %swap3A_481 = arith.index_cast %swap3A_480 : i32 to index
        %swap3A_482 = arith.index_cast %add3A_450 : i32 to index
        %swap3A_483 = arith.constant 16 : index
        %swap3A_484 = tpu.vector_load %arg8[%swap3A_481, %swap3A_482, %swap3A_483] {strides = array<i32>} : memref<2x80x128xf32, #tpu.memory_space<vmem>>, vector<1x1x16xf32>,
        %swap3A_485 = vector.shape_cast %swap3A_484 : vector<1x1x16xf32> to vector<16xf32>
        %swap3A_486 = vector.shape_cast %mul3A_479 : vector<16xf32> to vector<1x1x16xf32>
        tpu.vector_store %arg8[%swap3A_481, %swap3A_482, %swap3A_483], %swap3A_486 {strides = array<i32>} : memref<2x80x128xf32, #tpu.memory_space<vmem>>, vector<1x1x16xf32>,
        %get3A_487 = arith.constant 0 : i32
        %get3A_488 = arith.index_cast %get3A_487 : i32 to index
        %get3A_489 = arith.index_cast %add3A_450 : i32 to index
        %get3A_490 = arith.constant 32 : index
        %get3A_491 = tpu.vector_load %arg8[%get3A_488, %get3A_489, %get3A_490] {strides = array<i32>} : memref<2x80x128xf32, #tpu.memory_space<vmem>>, vector<1x1x16xf32>,
        %get3A_492 = vector.shape_cast %get3A_491 : vector<1x1x16xf32> to vector<16xf32>
        %get3A_493 = arith.index_cast %add3A_450 : i32 to index
        %get3A_494 = arith.constant 32 : index
        %get3A_495 = tpu.vector_load %arg9[%get3A_493, %get3A_494] {strides = array<i32>} : memref<80x128xf32, #tpu.memory_space<vmem>>, vector<1x16xf32>,
        %get3A_496 = vector.shape_cast %get3A_495 : vector<1x16xf32> to vector<16xf32>
        %mul3A_497 = arith.mulf %get3A_492, %get3A_496 : vector<16xf32>
        %swap3A_498 = arith.constant 0 : i32
        %swap3A_499 = arith.index_cast %swap3A_498 : i32 to index
        %swap3A_500 = arith.index_cast %add3A_450 : i32 to index
        %swap3A_501 = arith.constant 32 : index
        %swap3A_502 = tpu.vector_load %arg8[%swap3A_499, %swap3A_500, %swap3A_501] {strides = array<i32>} : memref<2x80x128xf32, #tpu.memory_space<vmem>>, vector<1x1x16xf32>,
        %swap3A_503 = vector.shape_cast %swap3A_502 : vector<1x1x16xf32> to vector<16xf32>
        %swap3A_504 = vector.shape_cast %mul3A_497 : vector<16xf32> to vector<1x1x16xf32>
        tpu.vector_store %arg8[%swap3A_499, %swap3A_500, %swap3A_501], %swap3A_504 {strides = array<i32>} : memref<2x80x128xf32, #tpu.memory_space<vmem>>, vector<1x1x16xf32>,
        %get3A_505 = arith.constant 0 : i32
        %get3A_506 = arith.index_cast %get3A_505 : i32 to index
        %get3A_507 = arith.index_cast %add3A_450 : i32 to index
        %get3A_508 = arith.constant 48 : index
        %get3A_509 = tpu.vector_load %arg8[%get3A_506, %get3A_507, %get3A_508] {strides = array<i32>} : memref<2x80x128xf32, #tpu.memory_space<vmem>>, vector<1x1x16xf32>,
        %get3A_510 = vector.shape_cast %get3A_509 : vector<1x1x16xf32> to vector<16xf32>
        %get3A_511 = arith.index_cast %add3A_450 : i32 to index
        %get3A_512 = arith.constant 48 : index
        %get3A_513 = tpu.vector_load %arg9[%get3A_511, %get3A_512] {strides = array<i32>} : memref<80x128xf32, #tpu.memory_space<vmem>>, vector<1x16xf32>,
        %get3A_514 = vector.shape_cast %get3A_513 : vector<1x16xf32> to vector<16xf32>
        %mul3A_515 = arith.mulf %get3A_510, %get3A_514 : vector<16xf32>
        %swap3A_516 = arith.constant 0 : i32
        %swap3A_517 = arith.index_cast %swap3A_516 : i32 to index
        %swap3A_518 = arith.index_cast %add3A_450 : i32 to index
        %swap3A_519 = arith.constant 48 : index
        %swap3A_520 = tpu.vector_load %arg8[%swap3A_517, %swap3A_518, %swap3A_519] {strides = array<i32>} : memref<2x80x128xf32, #tpu.memory_space<vmem>>, vector<1x1x16xf32>,
        %swap3A_521 = vector.shape_cast %swap3A_520 : vector<1x1x16xf32> to vector<16xf32>
        %swap3A_522 = vector.shape_cast %mul3A_515 : vector<16xf32> to vector<1x1x16xf32>
        tpu.vector_store %arg8[%swap3A_517, %swap3A_518, %swap3A_519], %swap3A_522 {strides = array<i32>} : memref<2x80x128xf32, #tpu.memory_space<vmem>>, vector<1x1x16xf32>,
        %get3A_523 = arith.constant 0 : i32
        %get3A_524 = arith.index_cast %get3A_523 : i32 to index
        %get3A_525 = arith.index_cast %add3A_450 : i32 to index
        %get3A_526 = arith.constant 64 : index
        %get3A_527 = tpu.vector_load %arg8[%get3A_524, %get3A_525, %get3A_526] {strides = array<i32>} : memref<2x80x128xf32, #tpu.memory_space<vmem>>, vector<1x1x16xf32>,
        %get3A_528 = vector.shape_cast %get3A_527 : vector<1x1x16xf32> to vector<16xf32>
        %get3A_529 = arith.index_cast %add3A_450 : i32 to index
        %get3A_530 = arith.constant 64 : index
        %get3A_531 = tpu.vector_load %arg9[%get3A_529, %get3A_530] {strides = array<i32>} : memref<80x128xf32, #tpu.memory_space<vmem>>, vector<1x16xf32>,
        %get3A_532 = vector.shape_cast %get3A_531 : vector<1x16xf32> to vector<16xf32>
        %mul3A_533 = arith.mulf %get3A_528, %get3A_532 : vector<16xf32>
        %swap3A_534 = arith.constant 0 : i32
        %swap3A_535 = arith.index_cast %swap3A_534 : i32 to index
        %swap3A_536 = arith.index_cast %add3A_450 : i32 to index
        %swap3A_537 = arith.constant 64 : index
        %swap3A_538 = tpu.vector_load %arg8[%swap3A_535, %swap3A_536, %swap3A_537] {strides = array<i32>} : memref<2x80x128xf32, #tpu.memory_space<vmem>>, vector<1x1x16xf32>,
        %swap3A_539 = vector.shape_cast %swap3A_538 : vector<1x1x16xf32> to vector<16xf32>
        %swap3A_540 = vector.shape_cast %mul3A_533 : vector<16xf32> to vector<1x1x16xf32>
        tpu.vector_store %arg8[%swap3A_535, %swap3A_536, %swap3A_537], %swap3A_540 {strides = array<i32>} : memref<2x80x128xf32, #tpu.memory_space<vmem>>, vector<1x1x16xf32>,
        %get3A_541 = arith.constant 0 : i32
        %get3A_542 = arith.index_cast %get3A_541 : i32 to index
        %get3A_543 = arith.index_cast %add3A_450 : i32 to index
        %get3A_544 = arith.constant 80 : index
        %get3A_545 = tpu.vector_load %arg8[%get3A_542, %get3A_543, %get3A_544] {strides = array<i32>} : memref<2x80x128xf32, #tpu.memory_space<vmem>>, vector<1x1x16xf32>,
        %get3A_546 = vector.shape_cast %get3A_545 : vector<1x1x16xf32> to vector<16xf32>
        %get3A_547 = arith.index_cast %add3A_450 : i32 to index
        %get3A_548 = arith.constant 80 : index
        %get3A_549 = tpu.vector_load %arg9[%get3A_547, %get3A_548] {strides = array<i32>} : memref<80x128xf32, #tpu.memory_space<vmem>>, vector<1x16xf32>,
        %get3A_550 = vector.shape_cast %get3A_549 : vector<1x16xf32> to vector<16xf32>
        %mul3A_551 = arith.mulf %get3A_546, %get3A_550 : vector<16xf32>
        %swap3A_552 = arith.constant 0 : i32
        %swap3A_553 = arith.index_cast %swap3A_552 : i32 to index
        %swap3A_554 = arith.index_cast %add3A_450 : i32 to index
        %swap3A_555 = arith.constant 80 : index
        %swap3A_556 = tpu.vector_load %arg8[%swap3A_553, %swap3A_554, %swap3A_555] {strides = array<i32>} : memref<2x80x128xf32, #tpu.memory_space<vmem>>, vector<1x1x16xf32>,
        %swap3A_557 = vector.shape_cast %swap3A_556 : vector<1x1x16xf32> to vector<16xf32>
        %swap3A_558 = vector.shape_cast %mul3A_551 : vector<16xf32> to vector<1x1x16xf32>
        tpu.vector_store %arg8[%swap3A_553, %swap3A_554, %swap3A_555], %swap3A_558 {strides = array<i32>} : memref<2x80x128xf32, #tpu.memory_space<vmem>>, vector<1x1x16xf32>,
        %get3A_559 = arith.constant 0 : i32
        %get3A_560 = arith.index_cast %get3A_559 : i32 to index
        %get3A_561 = arith.index_cast %add3A_450 : i32 to index
        %get3A_562 = arith.constant 96 : index
        %get3A_563 = tpu.vector_load %arg8[%get3A_560, %get3A_561, %get3A_562] {strides = array<i32>} : memref<2x80x128xf32, #tpu.memory_space<vmem>>, vector<1x1x16xf32>,
        %get3A_564 = vector.shape_cast %get3A_563 : vector<1x1x16xf32> to vector<16xf32>
        %get3A_565 = arith.index_cast %add3A_450 : i32 to index
        %get3A_566 = arith.constant 96 : index
        %get3A_567 = tpu.vector_load %arg9[%get3A_565, %get3A_566] {strides = array<i32>} : memref<80x128xf32, #tpu.memory_space<vmem>>, vector<1x16xf32>,
        %get3A_568 = vector.shape_cast %get3A_567 : vector<1x16xf32> to vector<16xf32>
        %mul3A_569 = arith.mulf %get3A_564, %get3A_568 : vector<16xf32>
        %swap3A_570 = arith.constant 0 : i32
        %swap3A_571 = arith.index_cast %swap3A_570 : i32 to index
        %swap3A_572 = arith.index_cast %add3A_450 : i32 to index
        %swap3A_573 = arith.constant 96 : index
        %swap3A_574 = tpu.vector_load %arg8[%swap3A_571, %swap3A_572, %swap3A_573] {strides = array<i32>} : memref<2x80x128xf32, #tpu.memory_space<vmem>>, vector<1x1x16xf32>,
        %swap3A_575 = vector.shape_cast %swap3A_574 : vector<1x1x16xf32> to vector<16xf32>
        %swap3A_576 = vector.shape_cast %mul3A_569 : vector<16xf32> to vector<1x1x16xf32>
        tpu.vector_store %arg8[%swap3A_571, %swap3A_572, %swap3A_573], %swap3A_576 {strides = array<i32>} : memref<2x80x128xf32, #tpu.memory_space<vmem>>, vector<1x1x16xf32>,
        %get3A_577 = arith.constant 0 : i32
        %get3A_578 = arith.index_cast %get3A_577 : i32 to index
        %get3A_579 = arith.index_cast %add3A_450 : i32 to index
        %get3A_580 = arith.constant 112 : index
        %get3A_581 = tpu.vector_load %arg8[%get3A_578, %get3A_579, %get3A_580] {strides = array<i32>} : memref<2x80x128xf32, #tpu.memory_space<vmem>>, vector<1x1x16xf32>,
        %get3A_582 = vector.shape_cast %get3A_581 : vector<1x1x16xf32> to vector<16xf32>
        %get3A_583 = arith.index_cast %add3A_450 : i32 to index
        %get3A_584 = arith.constant 112 : index
        %get3A_585 = tpu.vector_load %arg9[%get3A_583, %get3A_584] {strides = array<i32>} : memref<80x128xf32, #tpu.memory_space<vmem>>, vector<1x16xf32>,
        %get3A_586 = vector.shape_cast %get3A_585 : vector<1x16xf32> to vector<16xf32>
        %mul3A_587 = arith.mulf %get3A_582, %get3A_586 : vector<16xf32>
        %swap3A_588 = arith.constant 0 : i32
        %swap3A_589 = arith.index_cast %swap3A_588 : i32 to index
        %swap3A_590 = arith.index_cast %add3A_450 : i32 to index
        %swap3A_591 = arith.constant 112 : index
        %swap3A_592 = tpu.vector_load %arg8[%swap3A_589, %swap3A_590, %swap3A_591] {strides = array<i32>} : memref<2x80x128xf32, #tpu.memory_space<vmem>>, vector<1x1x16xf32>,
        %swap3A_593 = vector.shape_cast %swap3A_592 : vector<1x1x16xf32> to vector<16xf32>
        %swap3A_594 = vector.shape_cast %mul3A_587 : vector<16xf32> to vector<1x1x16xf32>
        tpu.vector_store %arg8[%swap3A_589, %swap3A_590, %swap3A_591], %swap3A_594 {strides = array<i32>} : memref<2x80x128xf32, #tpu.memory_space<vmem>>, vector<1x1x16xf32>,
      }
      %scan3A_211 = arith.constant 40 : i32
      %dma_wait3A_212 = arith.constant 0 : i32
      %dma_wait3A_213 = arith.constant 0 : i32
      %dma_wait3A_214 = tpu.memref_slice %arg7[%dma_wait3A_212, %dma_wait3A_213] : memref<2x80xi32, #tpu.memory_space<vmem>> -> memref<1x80xi32, #tpu.memory_space<vmem>>
      %dma_wait3A_215 = tpu.memref_squeeze %dma_wait3A_214 : memref<1x80xi32, #tpu.memory_space<vmem>> -> memref<80xi32, #tpu.memory_space<vmem>>
      %dma_wait3A_216 = arith.constant 0 : i32
      %dma_wait3A_217 = tpu.memref_slice %arg4[%dma_wait3A_216] : memref<640000xi32, #tpu.memory_space<hbm>> -> memref<80xi32, #tpu.memory_space<hbm>>
      %dma_wait3A_218 = arith.constant 0 : i32
      %dma_wait3A_219 = tpu.memref_slice %arg7[%dma_wait3A_212, %dma_wait3A_218] : memref<2x80xi32, #tpu.memory_space<vmem>> -> memref<1x80xi32, #tpu.memory_space<vmem>>
      %dma_wait3A_220 = tpu.memref_squeeze %dma_wait3A_219 : memref<1x80xi32, #tpu.memory_space<vmem>> -> memref<80xi32, #tpu.memory_space<vmem>>
      %dma_wait3A_221 = arith.constant 0 : i32
      %dma_wait3A_222 = tpu.memref_slice %arg4[%dma_wait3A_221] : memref<640000xi32, #tpu.memory_space<hbm>> -> memref<80xi32, #tpu.memory_space<hbm>>
      tpu.wait_dma2 semaphore(%arg18 : memref<!tpu.dma_semaphore, #tpu.memory_space<semaphore_mem>>) src(%dma_wait3A_222 : memref<80xi32, #tpu.memory_space<hbm>>) dst(%dma_wait3A_220 : memref<80xi32, #tpu.memory_space<vmem>>)
      %dma_start3A_223 = arith.constant 0 : i32
      %dma_start3A_224 = arith.constant 0 : i32
      %dma_start3A_225 = arith.constant 0 : i32
      %dma_start3A_226 = arith.constant 0 : i32
      %dma_start3A_227 = tpu.memref_slice %arg8[%dma_start3A_223, %dma_start3A_225, %dma_start3A_226] : memref<2x80x128xf32, #tpu.memory_space<vmem>> -> memref<1x80x128xf32, #tpu.memory_space<vmem>>
      %dma_start3A_228 = tpu.memref_squeeze %dma_start3A_227 : memref<1x80x128xf32, #tpu.memory_space<vmem>> -> memref<80x128xf32, #tpu.memory_space<vmem>>
      %dma_start3A_229 = arith.constant 0 : i32
      %dma_start3A_230 = tpu.memref_slice %arg7[%dma_start3A_224, %dma_start3A_229] : memref<2x80xi32, #tpu.memory_space<vmem>> -> memref<1x80xi32, #tpu.memory_space<vmem>>
      %dma_start3A_231 = tpu.memref_squeeze %dma_start3A_230 : memref<1x80xi32, #tpu.memory_space<vmem>> -> memref<80xi32, #tpu.memory_space<vmem>>
      %dma_start3A_232 = arith.constant 0 : i32
      %dma_start3A_233 = arith.constant 0 : i32
      %dma_start3A_234 = tpu.memref_slice %arg11[%dma_start3A_232, %dma_start3A_233] : memref<10240x128xf32, #tpu.memory_space<vmem_shared>> -> memref<10240x128xf32, #tpu.memory_space<vmem_shared>>
      tpu.enqueue_indirect_dma source(%dma_start3A_228 : memref<80x128xf32, #tpu.memory_space<vmem>>) target(%dma_start3A_234 : memref<10240x128xf32, #tpu.memory_space<vmem_shared>>) offsets(%dma_start3A_231 : memref<80xi32, #tpu.memory_space<vmem>>) semaphore(%arg14 : memref<!tpu.dma_semaphore, #tpu.memory_space<semaphore_mem>>) {add = true}
      %mul3A_235 = arith.constant 2 : i32
      %mul3A_236 = arith.muli %mul3A_235, %scan3A_171 : i32
      %add3A_237 = arith.constant 1 : i32
      %add3A_238 = arith.addi %mul3A_236, %add3A_237 : i32
      %add3A_239 = arith.constant 1 : i32
      %add3A_240 = arith.addi %add3A_238, %add3A_239 : i32
      %lt3A_241 = arith.constant 125 : i32
      %lt3A_242 = arith.cmpi slt, %add3A_240, %lt3A_241 : i32
      %convert_element_type3A_243 = arith.extui %lt3A_242 : i1 to i32
      %cond3A_244 = arith.constant 0 : i32
      %cond3A_245 = arith.cmpi ne, %convert_element_type3A_243, %cond3A_244 : i32
      scf.if %cond3A_245 {
        %ge3A = arith.constant 1 : i32
        %ge3A_300 = arith.cmpi sge, %add3A_238, %ge3A : i32
        %convert_element_type3A_301 = arith.extui %ge3A_300 : i1 to i32
        %cond3A_302 = arith.constant 0 : i32
        %cond3A_303 = arith.cmpi ne, %convert_element_type3A_301, %cond3A_302 : i32
        scf.if %cond3A_303 {
          %dma_wait3A_350 = arith.constant 0 : i32
          %dma_wait3A_351 = arith.constant 0 : i32
          %dma_wait3A_352 = arith.constant 0 : i32
          %dma_wait3A_353 = arith.constant 0 : i32
          %dma_wait3A_354 = tpu.memref_slice %arg8[%dma_wait3A_350, %dma_wait3A_352, %dma_wait3A_353] : memref<2x80x128xf32, #tpu.memory_space<vmem>> -> memref<1x80x128xf32, #tpu.memory_space<vmem>>
          %dma_wait3A_355 = tpu.memref_squeeze %dma_wait3A_354 : memref<1x80x128xf32, #tpu.memory_space<vmem>> -> memref<80x128xf32, #tpu.memory_space<vmem>>
          %dma_wait3A_356 = arith.constant 0 : i32
          %dma_wait3A_357 = tpu.memref_slice %arg7[%dma_wait3A_351, %dma_wait3A_356] : memref<2x80xi32, #tpu.memory_space<vmem>> -> memref<1x80xi32, #tpu.memory_space<vmem>>
          %dma_wait3A_358 = tpu.memref_squeeze %dma_wait3A_357 : memref<1x80xi32, #tpu.memory_space<vmem>> -> memref<80xi32, #tpu.memory_space<vmem>>
          %dma_wait3A_359 = arith.constant 0 : i32
          %dma_wait3A_360 = arith.constant 0 : i32
          %dma_wait3A_361 = tpu.memref_slice %arg11[%dma_wait3A_359, %dma_wait3A_360] : memref<10240x128xf32, #tpu.memory_space<vmem_shared>> -> memref<10240x128xf32, #tpu.memory_space<vmem_shared>>
          tpu.wait_indirect_dma semaphore(%arg14 : memref<!tpu.dma_semaphore, #tpu.memory_space<semaphore_mem>>) src(%dma_wait3A_355 : memref<80x128xf32, #tpu.memory_space<vmem>>) dst(%dma_wait3A_361 : memref<10240x128xf32, #tpu.memory_space<vmem_shared>>)
        } else {
        }
        %dma_wait3A_304 = arith.constant 0 : i32
        %dma_wait3A_305 = arith.constant 0 : i32
        %dma_wait3A_306 = tpu.memref_slice %arg6[%dma_wait3A_304, %dma_wait3A_305] : memref<2x80xi32, #tpu.memory_space<vmem>> -> memref<1x80xi32, #tpu.memory_space<vmem>>
        %dma_wait3A_307 = tpu.memref_squeeze %dma_wait3A_306 : memref<1x80xi32, #tpu.memory_space<vmem>> -> memref<80xi32, #tpu.memory_space<vmem>>
        %dma_wait3A_308 = arith.constant 0 : i32
        %dma_wait3A_309 = tpu.memref_slice %arg4[%dma_wait3A_308] : memref<640000xi32, #tpu.memory_space<hbm>> -> memref<80xi32, #tpu.memory_space<hbm>>
        %dma_wait3A_310 = arith.constant 0 : i32
        %dma_wait3A_311 = tpu.memref_slice %arg6[%dma_wait3A_304, %dma_wait3A_310] : memref<2x80xi32, #tpu.memory_space<vmem>> -> memref<1x80xi32, #tpu.memory_space<vmem>>
        %dma_wait3A_312 = tpu.memref_squeeze %dma_wait3A_311 : memref<1x80xi32, #tpu.memory_space<vmem>> -> memref<80xi32, #tpu.memory_space<vmem>>
        %dma_wait3A_313 = arith.constant 0 : i32
        %dma_wait3A_314 = tpu.memref_slice %arg4[%dma_wait3A_313] : memref<640000xi32, #tpu.memory_space<hbm>> -> memref<80xi32, #tpu.memory_space<hbm>>
        tpu.wait_dma2 semaphore(%arg16 : memref<!tpu.dma_semaphore, #tpu.memory_space<semaphore_mem>>) src(%dma_wait3A_314 : memref<80xi32, #tpu.memory_space<hbm>>) dst(%dma_wait3A_312 : memref<80xi32, #tpu.memory_space<vmem>>)
        %add3A_315 = arith.constant 1 : i32
        %add3A_316 = arith.addi %add3A_238, %add3A_315 : i32
        %dma_start3A_317 = arith.constant 0 : i32
        %dma_start3A_318 = arith.constant 0 : i32
        %dma_start3A_319 = arith.constant 0 : i32
        %dma_start3A_320 = arith.constant 0 : i32
        %dma_start3A_321 = tpu.memref_slice %arg8[%dma_start3A_318, %dma_start3A_319, %dma_start3A_320] : memref<2x80x128xf32, #tpu.memory_space<vmem>> -> memref<1x80x128xf32, #tpu.memory_space<vmem>>
        %dma_start3A_322 = tpu.memref_squeeze %dma_start3A_321 : memref<1x80x128xf32, #tpu.memory_space<vmem>> -> memref<80x128xf32, #tpu.memory_space<vmem>>
        %dma_start3A_323 = arith.constant 0 : i32
        %dma_start3A_324 = tpu.memref_slice %arg6[%dma_start3A_317, %dma_start3A_323] : memref<2x80xi32, #tpu.memory_space<vmem>> -> memref<1x80xi32, #tpu.memory_space<vmem>>
        %dma_start3A_325 = tpu.memref_squeeze %dma_start3A_324 : memref<1x80xi32, #tpu.memory_space<vmem>> -> memref<80xi32, #tpu.memory_space<vmem>>
        %dma_start3A_326 = arith.constant 0 : i32
        %dma_start3A_327 = arith.constant 0 : i32
        %dma_start3A_328 = tpu.memref_slice %arg2[%dma_start3A_326, %dma_start3A_327] : memref<10000x128xf32, #tpu.memory_space<hbm>> -> memref<10000x128xf32, #tpu.memory_space<hbm>>
        tpu.enqueue_indirect_dma source(%dma_start3A_328 : memref<10000x128xf32, #tpu.memory_space<hbm>>) target(%dma_start3A_322 : memref<80x128xf32, #tpu.memory_space<vmem>>) offsets(%dma_start3A_325 : memref<80xi32, #tpu.memory_space<vmem>>) semaphore(%arg12 : memref<!tpu.dma_semaphore, #tpu.memory_space<semaphore_mem>>)
        %mul3A_329 = arith.constant 80 : i32
        %mul3A_330 = arith.muli %add3A_316, %mul3A_329 : i32
        %add3A_331 = arith.addi %mul3A_23, %mul3A_330 : i32
        %dma_start3A_332 = arith.constant 0 : i32
        %dma_start3A_333 = tpu.memref_slice %arg3[%add3A_331, %dma_start3A_332] : memref<320000x128xf32, #tpu.memory_space<hbm>> -> memref<80x128xf32, #tpu.memory_space<hbm>>
        %dma_start3A_334 = arith.constant 0 : i32
        %dma_start3A_335 = tpu.memref_slice %arg3[%add3A_331, %dma_start3A_334] : memref<320000x128xf32, #tpu.memory_space<hbm>> -> memref<80x128xf32, #tpu.memory_space<hbm>>
        tpu.enqueue_dma source(%dma_start3A_335 : memref<80x128xf32, #tpu.memory_space<hbm>>) target(%arg9 : memref<80x128xf32, #tpu.memory_space<vmem>>) target_semaphore(%arg12 : memref<!tpu.dma_semaphore, #tpu.memory_space<semaphore_mem>>)
        %add3A_336 = arith.constant 1 : i32
        %add3A_337 = arith.addi %add3A_238, %add3A_336 : i32
        %mul3A_338 = arith.constant 80 : i32
        %mul3A_339 = arith.muli %add3A_337, %mul3A_338 : i32
        %add3A_340 = arith.addi %mul3A_23, %mul3A_339 : i32
        %dma_start3A_341 = arith.constant 0 : i32
        %dma_start3A_342 = arith.constant 0 : i32
        %dma_start3A_343 = tpu.memref_slice %arg7[%dma_start3A_341, %dma_start3A_342] : memref<2x80xi32, #tpu.memory_space<vmem>> -> memref<1x80xi32, #tpu.memory_space<vmem>>
        %dma_start3A_344 = tpu.memref_squeeze %dma_start3A_343 : memref<1x80xi32, #tpu.memory_space<vmem>> -> memref<80xi32, #tpu.memory_space<vmem>>
        %dma_start3A_345 = tpu.memref_slice %arg4[%add3A_340] : memref<640000xi32, #tpu.memory_space<hbm>> -> memref<80xi32, #tpu.memory_space<hbm>>
        %dma_start3A_346 = arith.constant 0 : i32
        %dma_start3A_347 = tpu.memref_slice %arg7[%dma_start3A_341, %dma_start3A_346] : memref<2x80xi32, #tpu.memory_space<vmem>> -> memref<1x80xi32, #tpu.memory_space<vmem>>
        %dma_start3A_348 = tpu.memref_squeeze %dma_start3A_347 : memref<1x80xi32, #tpu.memory_space<vmem>> -> memref<80xi32, #tpu.memory_space<vmem>>
        %dma_start3A_349 = tpu.memref_slice %arg4[%add3A_340] : memref<640000xi32, #tpu.memory_space<hbm>> -> memref<80xi32, #tpu.memory_space<hbm>>
        tpu.enqueue_dma source(%dma_start3A_349 : memref<80xi32, #tpu.memory_space<hbm>>) target(%dma_start3A_348 : memref<80xi32, #tpu.memory_space<vmem>>) target_semaphore(%arg18 : memref<!tpu.dma_semaphore, #tpu.memory_space<semaphore_mem>>)
      } else {
      }
      %dma_wait3A_246 = arith.constant 1 : i32
      %dma_wait3A_247 = arith.constant 1 : i32
      %dma_wait3A_248 = arith.constant 0 : i32
      %dma_wait3A_249 = arith.constant 0 : i32
      %dma_wait3A_250 = tpu.memref_slice %arg8[%dma_wait3A_247, %dma_wait3A_248, %dma_wait3A_249] : memref<2x80x128xf32, #tpu.memory_space<vmem>> -> memref<1x80x128xf32, #tpu.memory_space<vmem>>
      %dma_wait3A_251 = tpu.memref_squeeze %dma_wait3A_250 : memref<1x80x128xf32, #tpu.memory_space<vmem>> -> memref<80x128xf32, #tpu.memory_space<vmem>>
      %dma_wait3A_252 = arith.constant 0 : i32
      %dma_wait3A_253 = tpu.memref_slice %arg6[%dma_wait3A_246, %dma_wait3A_252] : memref<2x80xi32, #tpu.memory_space<vmem>> -> memref<1x80xi32, #tpu.memory_space<vmem>>
      %dma_wait3A_254 = tpu.memref_squeeze %dma_wait3A_253 : memref<1x80xi32, #tpu.memory_space<vmem>> -> memref<80xi32, #tpu.memory_space<vmem>>
      %dma_wait3A_255 = arith.constant 0 : i32
      %dma_wait3A_256 = arith.constant 0 : i32
      %dma_wait3A_257 = tpu.memref_slice %arg2[%dma_wait3A_255, %dma_wait3A_256] : memref<10000x128xf32, #tpu.memory_space<hbm>> -> memref<10000x128xf32, #tpu.memory_space<hbm>>
      tpu.wait_indirect_dma semaphore(%arg13 : memref<!tpu.dma_semaphore, #tpu.memory_space<semaphore_mem>>) src(%dma_wait3A_257 : memref<10000x128xf32, #tpu.memory_space<hbm>>) dst(%dma_wait3A_251 : memref<80x128xf32, #tpu.memory_space<vmem>>)
      %dma_wait3A_258 = arith.constant 0 : i32
      %dma_wait3A_259 = arith.constant 0 : i32
      %dma_wait3A_260 = tpu.memref_slice %arg3[%dma_wait3A_258, %dma_wait3A_259] : memref<320000x128xf32, #tpu.memory_space<hbm>> -> memref<80x128xf32, #tpu.memory_space<hbm>>
      %dma_wait3A_261 = arith.constant 0 : i32
      %dma_wait3A_262 = arith.constant 0 : i32
      %dma_wait3A_263 = tpu.memref_slice %arg3[%dma_wait3A_261, %dma_wait3A_262] : memref<320000x128xf32, #tpu.memory_space<hbm>> -> memref<80x128xf32, #tpu.memory_space<hbm>>
      tpu.wait_dma2 semaphore(%arg13 : memref<!tpu.dma_semaphore, #tpu.memory_space<semaphore_mem>>) src(%dma_wait3A_263 : memref<80x128xf32, #tpu.memory_space<hbm>>) dst(%arg10 : memref<80x128xf32, #tpu.memory_space<vmem>>)
      %add3A_264 = arith.constant 2 : i32
      %add3A_265 = arith.addi %add3A_238, %add3A_264 : i32
      %lt3A_266 = arith.constant 125 : i32
      %lt3A_267 = arith.cmpi slt, %add3A_265, %lt3A_266 : i32
      %convert_element_type3A_268 = arith.extui %lt3A_267 : i1 to i32
      %cond3A_269 = arith.constant 0 : i32
      %cond3A_270 = arith.cmpi ne, %convert_element_type3A_268, %cond3A_269 : i32
      scf.if %cond3A_270 {
        %add3A_300 = arith.constant 2 : i32
        %add3A_301 = arith.addi %add3A_238, %add3A_300 : i32
        %add3A_302 = arith.constant 320000 : i32
        %add3A_303 = arith.addi %add3A_302, %mul3A_23 : i32
        %mul3A_304 = arith.constant 80 : i32
        %mul3A_305 = arith.muli %add3A_301, %mul3A_304 : i32
        %add3A_306 = arith.addi %add3A_303, %mul3A_305 : i32
        %dma_start3A_307 = arith.constant 1 : i32
        %dma_start3A_308 = arith.constant 0 : i32
        %dma_start3A_309 = tpu.memref_slice %arg6[%dma_start3A_307, %dma_start3A_308] : memref<2x80xi32, #tpu.memory_space<vmem>> -> memref<1x80xi32, #tpu.memory_space<vmem>>
        %dma_start3A_310 = tpu.memref_squeeze %dma_start3A_309 : memref<1x80xi32, #tpu.memory_space<vmem>> -> memref<80xi32, #tpu.memory_space<vmem>>
        %dma_start3A_311 = tpu.memref_slice %arg4[%add3A_306] : memref<640000xi32, #tpu.memory_space<hbm>> -> memref<80xi32, #tpu.memory_space<hbm>>
        %dma_start3A_312 = arith.constant 0 : i32
        %dma_start3A_313 = tpu.memref_slice %arg6[%dma_start3A_307, %dma_start3A_312] : memref<2x80xi32, #tpu.memory_space<vmem>> -> memref<1x80xi32, #tpu.memory_space<vmem>>
        %dma_start3A_314 = tpu.memref_squeeze %dma_start3A_313 : memref<1x80xi32, #tpu.memory_space<vmem>> -> memref<80xi32, #tpu.memory_space<vmem>>
        %dma_start3A_315 = tpu.memref_slice %arg4[%add3A_306] : memref<640000xi32, #tpu.memory_space<hbm>> -> memref<80xi32, #tpu.memory_space<hbm>>
        tpu.enqueue_dma source(%dma_start3A_315 : memref<80xi32, #tpu.memory_space<hbm>>) target(%dma_start3A_314 : memref<80xi32, #tpu.memory_space<vmem>>) target_semaphore(%arg17 : memref<!tpu.dma_semaphore, #tpu.memory_space<semaphore_mem>>)
      } else {
      }
      %scan3A_271 = arith.constant 0 : i32
      %scan3A_272 = arith.constant 0 : i32
      %scan3A_273 = arith.constant 40 : i32
      %scan3A_274 = arith.addi %scan3A_272, %scan3A_273 : i32
      %scan3A_275 = arith.constant 1 : i32
      scf.for %scan3A_300 = %scan3A_272 to %scan3A_274 step %scan3A_275  : i32 {
        %mul3A_301 = arith.constant 2 : i32
        %mul3A_302 = arith.muli %mul3A_301, %scan3A_300 : i32
        %add3A_303 = arith.constant 0 : i32
        %add3A_304 = arith.addi %mul3A_302, %add3A_303 : i32
        %get3A = arith.constant 1 : i32
        %get3A_305 = arith.index_cast %get3A : i32 to index
        %get3A_306 = arith.index_cast %add3A_304 : i32 to index
        %get3A_307 = arith.constant 0 : index
        %get3A_308 = tpu.vector_load %arg8[%get3A_305, %get3A_306, %get3A_307] {strides = array<i32>} : memref<2x80x128xf32, #tpu.memory_space<vmem>>, vector<1x1x16xf32>,
        %get3A_309 = vector.shape_cast %get3A_308 : vector<1x1x16xf32> to vector<16xf32>
        %get3A_310 = arith.index_cast %add3A_304 : i32 to index
        %get3A_311 = arith.constant 0 : index
        %get3A_312 = tpu.vector_load %arg10[%get3A_310, %get3A_311] {strides = array<i32>} : memref<80x128xf32, #tpu.memory_space<vmem>>, vector<1x16xf32>,
        %get3A_313 = vector.shape_cast %get3A_312 : vector<1x16xf32> to vector<16xf32>
        %mul3A_314 = arith.mulf %get3A_309, %get3A_313 : vector<16xf32>
        %swap3A = arith.constant 1 : i32
        %swap3A_315 = arith.index_cast %swap3A : i32 to index
        %swap3A_316 = arith.index_cast %add3A_304 : i32 to index
        %swap3A_317 = arith.constant 0 : index
        %swap3A_318 = tpu.vector_load %arg8[%swap3A_315, %swap3A_316, %swap3A_317] {strides = array<i32>} : memref<2x80x128xf32, #tpu.memory_space<vmem>>, vector<1x1x16xf32>,
        %swap3A_319 = vector.shape_cast %swap3A_318 : vector<1x1x16xf32> to vector<16xf32>
        %swap3A_320 = vector.shape_cast %mul3A_314 : vector<16xf32> to vector<1x1x16xf32>
        tpu.vector_store %arg8[%swap3A_315, %swap3A_316, %swap3A_317], %swap3A_320 {strides = array<i32>} : memref<2x80x128xf32, #tpu.memory_space<vmem>>, vector<1x1x16xf32>,
        %get3A_321 = arith.constant 1 : i32
        %get3A_322 = arith.index_cast %get3A_321 : i32 to index
        %get3A_323 = arith.index_cast %add3A_304 : i32 to index
        %get3A_324 = arith.constant 16 : index
        %get3A_325 = tpu.vector_load %arg8[%get3A_322, %get3A_323, %get3A_324] {strides = array<i32>} : memref<2x80x128xf32, #tpu.memory_space<vmem>>, vector<1x1x16xf32>,
        %get3A_326 = vector.shape_cast %get3A_325 : vector<1x1x16xf32> to vector<16xf32>
        %get3A_327 = arith.index_cast %add3A_304 : i32 to index
        %get3A_328 = arith.constant 16 : index
        %get3A_329 = tpu.vector_load %arg10[%get3A_327, %get3A_328] {strides = array<i32>} : memref<80x128xf32, #tpu.memory_space<vmem>>, vector<1x16xf32>,
        %get3A_330 = vector.shape_cast %get3A_329 : vector<1x16xf32> to vector<16xf32>
        %mul3A_331 = arith.mulf %get3A_326, %get3A_330 : vector<16xf32>
        %swap3A_332 = arith.constant 1 : i32
        %swap3A_333 = arith.index_cast %swap3A_332 : i32 to index
        %swap3A_334 = arith.index_cast %add3A_304 : i32 to index
        %swap3A_335 = arith.constant 16 : index
        %swap3A_336 = tpu.vector_load %arg8[%swap3A_333, %swap3A_334, %swap3A_335] {strides = array<i32>} : memref<2x80x128xf32, #tpu.memory_space<vmem>>, vector<1x1x16xf32>,
        %swap3A_337 = vector.shape_cast %swap3A_336 : vector<1x1x16xf32> to vector<16xf32>
        %swap3A_338 = vector.shape_cast %mul3A_331 : vector<16xf32> to vector<1x1x16xf32>
        tpu.vector_store %arg8[%swap3A_333, %swap3A_334, %swap3A_335], %swap3A_338 {strides = array<i32>} : memref<2x80x128xf32, #tpu.memory_space<vmem>>, vector<1x1x16xf32>,
        %get3A_339 = arith.constant 1 : i32
        %get3A_340 = arith.index_cast %get3A_339 : i32 to index
        %get3A_341 = arith.index_cast %add3A_304 : i32 to index
        %get3A_342 = arith.constant 32 : index
        %get3A_343 = tpu.vector_load %arg8[%get3A_340, %get3A_341, %get3A_342] {strides = array<i32>} : memref<2x80x128xf32, #tpu.memory_space<vmem>>, vector<1x1x16xf32>,
        %get3A_344 = vector.shape_cast %get3A_343 : vector<1x1x16xf32> to vector<16xf32>
        %get3A_345 = arith.index_cast %add3A_304 : i32 to index
        %get3A_346 = arith.constant 32 : index
        %get3A_347 = tpu.vector_load %arg10[%get3A_345, %get3A_346] {strides = array<i32>} : memref<80x128xf32, #tpu.memory_space<vmem>>, vector<1x16xf32>,
        %get3A_348 = vector.shape_cast %get3A_347 : vector<1x16xf32> to vector<16xf32>
        %mul3A_349 = arith.mulf %get3A_344, %get3A_348 : vector<16xf32>
        %swap3A_350 = arith.constant 1 : i32
        %swap3A_351 = arith.index_cast %swap3A_350 : i32 to index
        %swap3A_352 = arith.index_cast %add3A_304 : i32 to index
        %swap3A_353 = arith.constant 32 : index
        %swap3A_354 = tpu.vector_load %arg8[%swap3A_351, %swap3A_352, %swap3A_353] {strides = array<i32>} : memref<2x80x128xf32, #tpu.memory_space<vmem>>, vector<1x1x16xf32>,
        %swap3A_355 = vector.shape_cast %swap3A_354 : vector<1x1x16xf32> to vector<16xf32>
        %swap3A_356 = vector.shape_cast %mul3A_349 : vector<16xf32> to vector<1x1x16xf32>
        tpu.vector_store %arg8[%swap3A_351, %swap3A_352, %swap3A_353], %swap3A_356 {strides = array<i32>} : memref<2x80x128xf32, #tpu.memory_space<vmem>>, vector<1x1x16xf32>,
        %get3A_357 = arith.constant 1 : i32
        %get3A_358 = arith.index_cast %get3A_357 : i32 to index
        %get3A_359 = arith.index_cast %add3A_304 : i32 to index
        %get3A_360 = arith.constant 48 : index
        %get3A_361 = tpu.vector_load %arg8[%get3A_358, %get3A_359, %get3A_360] {strides = array<i32>} : memref<2x80x128xf32, #tpu.memory_space<vmem>>, vector<1x1x16xf32>,
        %get3A_362 = vector.shape_cast %get3A_361 : vector<1x1x16xf32> to vector<16xf32>
        %get3A_363 = arith.index_cast %add3A_304 : i32 to index
        %get3A_364 = arith.constant 48 : index
        %get3A_365 = tpu.vector_load %arg10[%get3A_363, %get3A_364] {strides = array<i32>} : memref<80x128xf32, #tpu.memory_space<vmem>>, vector<1x16xf32>,
        %get3A_366 = vector.shape_cast %get3A_365 : vector<1x16xf32> to vector<16xf32>
        %mul3A_367 = arith.mulf %get3A_362, %get3A_366 : vector<16xf32>
        %swap3A_368 = arith.constant 1 : i32
        %swap3A_369 = arith.index_cast %swap3A_368 : i32 to index
        %swap3A_370 = arith.index_cast %add3A_304 : i32 to index
        %swap3A_371 = arith.constant 48 : index
        %swap3A_372 = tpu.vector_load %arg8[%swap3A_369, %swap3A_370, %swap3A_371] {strides = array<i32>} : memref<2x80x128xf32, #tpu.memory_space<vmem>>, vector<1x1x16xf32>,
        %swap3A_373 = vector.shape_cast %swap3A_372 : vector<1x1x16xf32> to vector<16xf32>
        %swap3A_374 = vector.shape_cast %mul3A_367 : vector<16xf32> to vector<1x1x16xf32>
        tpu.vector_store %arg8[%swap3A_369, %swap3A_370, %swap3A_371], %swap3A_374 {strides = array<i32>} : memref<2x80x128xf32, #tpu.memory_space<vmem>>, vector<1x1x16xf32>,
        %get3A_375 = arith.constant 1 : i32
        %get3A_376 = arith.index_cast %get3A_375 : i32 to index
        %get3A_377 = arith.index_cast %add3A_304 : i32 to index
        %get3A_378 = arith.constant 64 : index
        %get3A_379 = tpu.vector_load %arg8[%get3A_376, %get3A_377, %get3A_378] {strides = array<i32>} : memref<2x80x128xf32, #tpu.memory_space<vmem>>, vector<1x1x16xf32>,
        %get3A_380 = vector.shape_cast %get3A_379 : vector<1x1x16xf32> to vector<16xf32>
        %get3A_381 = arith.index_cast %add3A_304 : i32 to index
        %get3A_382 = arith.constant 64 : index
        %get3A_383 = tpu.vector_load %arg10[%get3A_381, %get3A_382] {strides = array<i32>} : memref<80x128xf32, #tpu.memory_space<vmem>>, vector<1x16xf32>,
        %get3A_384 = vector.shape_cast %get3A_383 : vector<1x16xf32> to vector<16xf32>
        %mul3A_385 = arith.mulf %get3A_380, %get3A_384 : vector<16xf32>
        %swap3A_386 = arith.constant 1 : i32
        %swap3A_387 = arith.index_cast %swap3A_386 : i32 to index
        %swap3A_388 = arith.index_cast %add3A_304 : i32 to index
        %swap3A_389 = arith.constant 64 : index
        %swap3A_390 = tpu.vector_load %arg8[%swap3A_387, %swap3A_388, %swap3A_389] {strides = array<i32>} : memref<2x80x128xf32, #tpu.memory_space<vmem>>, vector<1x1x16xf32>,
        %swap3A_391 = vector.shape_cast %swap3A_390 : vector<1x1x16xf32> to vector<16xf32>
        %swap3A_392 = vector.shape_cast %mul3A_385 : vector<16xf32> to vector<1x1x16xf32>
        tpu.vector_store %arg8[%swap3A_387, %swap3A_388, %swap3A_389], %swap3A_392 {strides = array<i32>} : memref<2x80x128xf32, #tpu.memory_space<vmem>>, vector<1x1x16xf32>,
        %get3A_393 = arith.constant 1 : i32
        %get3A_394 = arith.index_cast %get3A_393 : i32 to index
        %get3A_395 = arith.index_cast %add3A_304 : i32 to index
        %get3A_396 = arith.constant 80 : index
        %get3A_397 = tpu.vector_load %arg8[%get3A_394, %get3A_395, %get3A_396] {strides = array<i32>} : memref<2x80x128xf32, #tpu.memory_space<vmem>>, vector<1x1x16xf32>,
        %get3A_398 = vector.shape_cast %get3A_397 : vector<1x1x16xf32> to vector<16xf32>
        %get3A_399 = arith.index_cast %add3A_304 : i32 to index
        %get3A_400 = arith.constant 80 : index
        %get3A_401 = tpu.vector_load %arg10[%get3A_399, %get3A_400] {strides = array<i32>} : memref<80x128xf32, #tpu.memory_space<vmem>>, vector<1x16xf32>,
        %get3A_402 = vector.shape_cast %get3A_401 : vector<1x16xf32> to vector<16xf32>
        %mul3A_403 = arith.mulf %get3A_398, %get3A_402 : vector<16xf32>
        %swap3A_404 = arith.constant 1 : i32
        %swap3A_405 = arith.index_cast %swap3A_404 : i32 to index
        %swap3A_406 = arith.index_cast %add3A_304 : i32 to index
        %swap3A_407 = arith.constant 80 : index
        %swap3A_408 = tpu.vector_load %arg8[%swap3A_405, %swap3A_406, %swap3A_407] {strides = array<i32>} : memref<2x80x128xf32, #tpu.memory_space<vmem>>, vector<1x1x16xf32>,
        %swap3A_409 = vector.shape_cast %swap3A_408 : vector<1x1x16xf32> to vector<16xf32>
        %swap3A_410 = vector.shape_cast %mul3A_403 : vector<16xf32> to vector<1x1x16xf32>
        tpu.vector_store %arg8[%swap3A_405, %swap3A_406, %swap3A_407], %swap3A_410 {strides = array<i32>} : memref<2x80x128xf32, #tpu.memory_space<vmem>>, vector<1x1x16xf32>,
        %get3A_411 = arith.constant 1 : i32
        %get3A_412 = arith.index_cast %get3A_411 : i32 to index
        %get3A_413 = arith.index_cast %add3A_304 : i32 to index
        %get3A_414 = arith.constant 96 : index
        %get3A_415 = tpu.vector_load %arg8[%get3A_412, %get3A_413, %get3A_414] {strides = array<i32>} : memref<2x80x128xf32, #tpu.memory_space<vmem>>, vector<1x1x16xf32>,
        %get3A_416 = vector.shape_cast %get3A_415 : vector<1x1x16xf32> to vector<16xf32>
        %get3A_417 = arith.index_cast %add3A_304 : i32 to index
        %get3A_418 = arith.constant 96 : index
        %get3A_419 = tpu.vector_load %arg10[%get3A_417, %get3A_418] {strides = array<i32>} : memref<80x128xf32, #tpu.memory_space<vmem>>, vector<1x16xf32>,
        %get3A_420 = vector.shape_cast %get3A_419 : vector<1x16xf32> to vector<16xf32>
        %mul3A_421 = arith.mulf %get3A_416, %get3A_420 : vector<16xf32>
        %swap3A_422 = arith.constant 1 : i32
        %swap3A_423 = arith.index_cast %swap3A_422 : i32 to index
        %swap3A_424 = arith.index_cast %add3A_304 : i32 to index
        %swap3A_425 = arith.constant 96 : index
        %swap3A_426 = tpu.vector_load %arg8[%swap3A_423, %swap3A_424, %swap3A_425] {strides = array<i32>} : memref<2x80x128xf32, #tpu.memory_space<vmem>>, vector<1x1x16xf32>,
        %swap3A_427 = vector.shape_cast %swap3A_426 : vector<1x1x16xf32> to vector<16xf32>
        %swap3A_428 = vector.shape_cast %mul3A_421 : vector<16xf32> to vector<1x1x16xf32>
        tpu.vector_store %arg8[%swap3A_423, %swap3A_424, %swap3A_425], %swap3A_428 {strides = array<i32>} : memref<2x80x128xf32, #tpu.memory_space<vmem>>, vector<1x1x16xf32>,
        %get3A_429 = arith.constant 1 : i32
        %get3A_430 = arith.index_cast %get3A_429 : i32 to index
        %get3A_431 = arith.index_cast %add3A_304 : i32 to index
        %get3A_432 = arith.constant 112 : index
        %get3A_433 = tpu.vector_load %arg8[%get3A_430, %get3A_431, %get3A_432] {strides = array<i32>} : memref<2x80x128xf32, #tpu.memory_space<vmem>>, vector<1x1x16xf32>,
        %get3A_434 = vector.shape_cast %get3A_433 : vector<1x1x16xf32> to vector<16xf32>
        %get3A_435 = arith.index_cast %add3A_304 : i32 to index
        %get3A_436 = arith.constant 112 : index
        %get3A_437 = tpu.vector_load %arg10[%get3A_435, %get3A_436] {strides = array<i32>} : memref<80x128xf32, #tpu.memory_space<vmem>>, vector<1x16xf32>,
        %get3A_438 = vector.shape_cast %get3A_437 : vector<1x16xf32> to vector<16xf32>
        %mul3A_439 = arith.mulf %get3A_434, %get3A_438 : vector<16xf32>
        %swap3A_440 = arith.constant 1 : i32
        %swap3A_441 = arith.index_cast %swap3A_440 : i32 to index
        %swap3A_442 = arith.index_cast %add3A_304 : i32 to index
        %swap3A_443 = arith.constant 112 : index
        %swap3A_444 = tpu.vector_load %arg8[%swap3A_441, %swap3A_442, %swap3A_443] {strides = array<i32>} : memref<2x80x128xf32, #tpu.memory_space<vmem>>, vector<1x1x16xf32>,
        %swap3A_445 = vector.shape_cast %swap3A_444 : vector<1x1x16xf32> to vector<16xf32>
        %swap3A_446 = vector.shape_cast %mul3A_439 : vector<16xf32> to vector<1x1x16xf32>
        tpu.vector_store %arg8[%swap3A_441, %swap3A_442, %swap3A_443], %swap3A_446 {strides = array<i32>} : memref<2x80x128xf32, #tpu.memory_space<vmem>>, vector<1x1x16xf32>,
        %mul3A_447 = arith.constant 2 : i32
        %mul3A_448 = arith.muli %mul3A_447, %scan3A_300 : i32
        %add3A_449 = arith.constant 1 : i32
        %add3A_450 = arith.addi %mul3A_448, %add3A_449 : i32
        %get3A_451 = arith.constant 1 : i32
        %get3A_452 = arith.index_cast %get3A_451 : i32 to index
        %get3A_453 = arith.index_cast %add3A_450 : i32 to index
        %get3A_454 = arith.constant 0 : index
        %get3A_455 = tpu.vector_load %arg8[%get3A_452, %get3A_453, %get3A_454] {strides = array<i32>} : memref<2x80x128xf32, #tpu.memory_space<vmem>>, vector<1x1x16xf32>,
        %get3A_456 = vector.shape_cast %get3A_455 : vector<1x1x16xf32> to vector<16xf32>
        %get3A_457 = arith.index_cast %add3A_450 : i32 to index
        %get3A_458 = arith.constant 0 : index
        %get3A_459 = tpu.vector_load %arg10[%get3A_457, %get3A_458] {strides = array<i32>} : memref<80x128xf32, #tpu.memory_space<vmem>>, vector<1x16xf32>,
        %get3A_460 = vector.shape_cast %get3A_459 : vector<1x16xf32> to vector<16xf32>
        %mul3A_461 = arith.mulf %get3A_456, %get3A_460 : vector<16xf32>
        %swap3A_462 = arith.constant 1 : i32
        %swap3A_463 = arith.index_cast %swap3A_462 : i32 to index
        %swap3A_464 = arith.index_cast %add3A_450 : i32 to index
        %swap3A_465 = arith.constant 0 : index
        %swap3A_466 = tpu.vector_load %arg8[%swap3A_463, %swap3A_464, %swap3A_465] {strides = array<i32>} : memref<2x80x128xf32, #tpu.memory_space<vmem>>, vector<1x1x16xf32>,
        %swap3A_467 = vector.shape_cast %swap3A_466 : vector<1x1x16xf32> to vector<16xf32>
        %swap3A_468 = vector.shape_cast %mul3A_461 : vector<16xf32> to vector<1x1x16xf32>
        tpu.vector_store %arg8[%swap3A_463, %swap3A_464, %swap3A_465], %swap3A_468 {strides = array<i32>} : memref<2x80x128xf32, #tpu.memory_space<vmem>>, vector<1x1x16xf32>,
        %get3A_469 = arith.constant 1 : i32
        %get3A_470 = arith.index_cast %get3A_469 : i32 to index
        %get3A_471 = arith.index_cast %add3A_450 : i32 to index
        %get3A_472 = arith.constant 16 : index
        %get3A_473 = tpu.vector_load %arg8[%get3A_470, %get3A_471, %get3A_472] {strides = array<i32>} : memref<2x80x128xf32, #tpu.memory_space<vmem>>, vector<1x1x16xf32>,
        %get3A_474 = vector.shape_cast %get3A_473 : vector<1x1x16xf32> to vector<16xf32>
        %get3A_475 = arith.index_cast %add3A_450 : i32 to index
        %get3A_476 = arith.constant 16 : index
        %get3A_477 = tpu.vector_load %arg10[%get3A_475, %get3A_476] {strides = array<i32>} : memref<80x128xf32, #tpu.memory_space<vmem>>, vector<1x16xf32>,
        %get3A_478 = vector.shape_cast %get3A_477 : vector<1x16xf32> to vector<16xf32>
        %mul3A_479 = arith.mulf %get3A_474, %get3A_478 : vector<16xf32>
        %swap3A_480 = arith.constant 1 : i32
        %swap3A_481 = arith.index_cast %swap3A_480 : i32 to index
        %swap3A_482 = arith.index_cast %add3A_450 : i32 to index
        %swap3A_483 = arith.constant 16 : index
        %swap3A_484 = tpu.vector_load %arg8[%swap3A_481, %swap3A_482, %swap3A_483] {strides = array<i32>} : memref<2x80x128xf32, #tpu.memory_space<vmem>>, vector<1x1x16xf32>,
        %swap3A_485 = vector.shape_cast %swap3A_484 : vector<1x1x16xf32> to vector<16xf32>
        %swap3A_486 = vector.shape_cast %mul3A_479 : vector<16xf32> to vector<1x1x16xf32>
        tpu.vector_store %arg8[%swap3A_481, %swap3A_482, %swap3A_483], %swap3A_486 {strides = array<i32>} : memref<2x80x128xf32, #tpu.memory_space<vmem>>, vector<1x1x16xf32>,
        %get3A_487 = arith.constant 1 : i32
        %get3A_488 = arith.index_cast %get3A_487 : i32 to index
        %get3A_489 = arith.index_cast %add3A_450 : i32 to index
        %get3A_490 = arith.constant 32 : index
        %get3A_491 = tpu.vector_load %arg8[%get3A_488, %get3A_489, %get3A_490] {strides = array<i32>} : memref<2x80x128xf32, #tpu.memory_space<vmem>>, vector<1x1x16xf32>,
        %get3A_492 = vector.shape_cast %get3A_491 : vector<1x1x16xf32> to vector<16xf32>
        %get3A_493 = arith.index_cast %add3A_450 : i32 to index
        %get3A_494 = arith.constant 32 : index
        %get3A_495 = tpu.vector_load %arg10[%get3A_493, %get3A_494] {strides = array<i32>} : memref<80x128xf32, #tpu.memory_space<vmem>>, vector<1x16xf32>,
        %get3A_496 = vector.shape_cast %get3A_495 : vector<1x16xf32> to vector<16xf32>
        %mul3A_497 = arith.mulf %get3A_492, %get3A_496 : vector<16xf32>
        %swap3A_498 = arith.constant 1 : i32
        %swap3A_499 = arith.index_cast %swap3A_498 : i32 to index
        %swap3A_500 = arith.index_cast %add3A_450 : i32 to index
        %swap3A_501 = arith.constant 32 : index
        %swap3A_502 = tpu.vector_load %arg8[%swap3A_499, %swap3A_500, %swap3A_501] {strides = array<i32>} : memref<2x80x128xf32, #tpu.memory_space<vmem>>, vector<1x1x16xf32>,
        %swap3A_503 = vector.shape_cast %swap3A_502 : vector<1x1x16xf32> to vector<16xf32>
        %swap3A_504 = vector.shape_cast %mul3A_497 : vector<16xf32> to vector<1x1x16xf32>
        tpu.vector_store %arg8[%swap3A_499, %swap3A_500, %swap3A_501], %swap3A_504 {strides = array<i32>} : memref<2x80x128xf32, #tpu.memory_space<vmem>>, vector<1x1x16xf32>,
        %get3A_505 = arith.constant 1 : i32
        %get3A_506 = arith.index_cast %get3A_505 : i32 to index
        %get3A_507 = arith.index_cast %add3A_450 : i32 to index
        %get3A_508 = arith.constant 48 : index
        %get3A_509 = tpu.vector_load %arg8[%get3A_506, %get3A_507, %get3A_508] {strides = array<i32>} : memref<2x80x128xf32, #tpu.memory_space<vmem>>, vector<1x1x16xf32>,
        %get3A_510 = vector.shape_cast %get3A_509 : vector<1x1x16xf32> to vector<16xf32>
        %get3A_511 = arith.index_cast %add3A_450 : i32 to index
        %get3A_512 = arith.constant 48 : index
        %get3A_513 = tpu.vector_load %arg10[%get3A_511, %get3A_512] {strides = array<i32>} : memref<80x128xf32, #tpu.memory_space<vmem>>, vector<1x16xf32>,
        %get3A_514 = vector.shape_cast %get3A_513 : vector<1x16xf32> to vector<16xf32>
        %mul3A_515 = arith.mulf %get3A_510, %get3A_514 : vector<16xf32>
        %swap3A_516 = arith.constant 1 : i32
        %swap3A_517 = arith.index_cast %swap3A_516 : i32 to index
        %swap3A_518 = arith.index_cast %add3A_450 : i32 to index
        %swap3A_519 = arith.constant 48 : index
        %swap3A_520 = tpu.vector_load %arg8[%swap3A_517, %swap3A_518, %swap3A_519] {strides = array<i32>} : memref<2x80x128xf32, #tpu.memory_space<vmem>>, vector<1x1x16xf32>,
        %swap3A_521 = vector.shape_cast %swap3A_520 : vector<1x1x16xf32> to vector<16xf32>
        %swap3A_522 = vector.shape_cast %mul3A_515 : vector<16xf32> to vector<1x1x16xf32>
        tpu.vector_store %arg8[%swap3A_517, %swap3A_518, %swap3A_519], %swap3A_522 {strides = array<i32>} : memref<2x80x128xf32, #tpu.memory_space<vmem>>, vector<1x1x16xf32>,
        %get3A_523 = arith.constant 1 : i32
        %get3A_524 = arith.index_cast %get3A_523 : i32 to index
        %get3A_525 = arith.index_cast %add3A_450 : i32 to index
        %get3A_526 = arith.constant 64 : index
        %get3A_527 = tpu.vector_load %arg8[%get3A_524, %get3A_525, %get3A_526] {strides = array<i32>} : memref<2x80x128xf32, #tpu.memory_space<vmem>>, vector<1x1x16xf32>,
        %get3A_528 = vector.shape_cast %get3A_527 : vector<1x1x16xf32> to vector<16xf32>
        %get3A_529 = arith.index_cast %add3A_450 : i32 to index
        %get3A_530 = arith.constant 64 : index
        %get3A_531 = tpu.vector_load %arg10[%get3A_529, %get3A_530] {strides = array<i32>} : memref<80x128xf32, #tpu.memory_space<vmem>>, vector<1x16xf32>,
        %get3A_532 = vector.shape_cast %get3A_531 : vector<1x16xf32> to vector<16xf32>
        %mul3A_533 = arith.mulf %get3A_528, %get3A_532 : vector<16xf32>
        %swap3A_534 = arith.constant 1 : i32
        %swap3A_535 = arith.index_cast %swap3A_534 : i32 to index
        %swap3A_536 = arith.index_cast %add3A_450 : i32 to index
        %swap3A_537 = arith.constant 64 : index
        %swap3A_538 = tpu.vector_load %arg8[%swap3A_535, %swap3A_536, %swap3A_537] {strides = array<i32>} : memref<2x80x128xf32, #tpu.memory_space<vmem>>, vector<1x1x16xf32>,
        %swap3A_539 = vector.shape_cast %swap3A_538 : vector<1x1x16xf32> to vector<16xf32>
        %swap3A_540 = vector.shape_cast %mul3A_533 : vector<16xf32> to vector<1x1x16xf32>
        tpu.vector_store %arg8[%swap3A_535, %swap3A_536, %swap3A_537], %swap3A_540 {strides = array<i32>} : memref<2x80x128xf32, #tpu.memory_space<vmem>>, vector<1x1x16xf32>,
        %get3A_541 = arith.constant 1 : i32
        %get3A_542 = arith.index_cast %get3A_541 : i32 to index
        %get3A_543 = arith.index_cast %add3A_450 : i32 to index
        %get3A_544 = arith.constant 80 : index
        %get3A_545 = tpu.vector_load %arg8[%get3A_542, %get3A_543, %get3A_544] {strides = array<i32>} : memref<2x80x128xf32, #tpu.memory_space<vmem>>, vector<1x1x16xf32>,
        %get3A_546 = vector.shape_cast %get3A_545 : vector<1x1x16xf32> to vector<16xf32>
        %get3A_547 = arith.index_cast %add3A_450 : i32 to index
        %get3A_548 = arith.constant 80 : index
        %get3A_549 = tpu.vector_load %arg10[%get3A_547, %get3A_548] {strides = array<i32>} : memref<80x128xf32, #tpu.memory_space<vmem>>, vector<1x16xf32>,
        %get3A_550 = vector.shape_cast %get3A_549 : vector<1x16xf32> to vector<16xf32>
        %mul3A_551 = arith.mulf %get3A_546, %get3A_550 : vector<16xf32>
        %swap3A_552 = arith.constant 1 : i32
        %swap3A_553 = arith.index_cast %swap3A_552 : i32 to index
        %swap3A_554 = arith.index_cast %add3A_450 : i32 to index
        %swap3A_555 = arith.constant 80 : index
        %swap3A_556 = tpu.vector_load %arg8[%swap3A_553, %swap3A_554, %swap3A_555] {strides = array<i32>} : memref<2x80x128xf32, #tpu.memory_space<vmem>>, vector<1x1x16xf32>,
        %swap3A_557 = vector.shape_cast %swap3A_556 : vector<1x1x16xf32> to vector<16xf32>
        %swap3A_558 = vector.shape_cast %mul3A_551 : vector<16xf32> to vector<1x1x16xf32>
        tpu.vector_store %arg8[%swap3A_553, %swap3A_554, %swap3A_555], %swap3A_558 {strides = array<i32>} : memref<2x80x128xf32, #tpu.memory_space<vmem>>, vector<1x1x16xf32>,
        %get3A_559 = arith.constant 1 : i32
        %get3A_560 = arith.index_cast %get3A_559 : i32 to index
        %get3A_561 = arith.index_cast %add3A_450 : i32 to index
        %get3A_562 = arith.constant 96 : index
        %get3A_563 = tpu.vector_load %arg8[%get3A_560, %get3A_561, %get3A_562] {strides = array<i32>} : memref<2x80x128xf32, #tpu.memory_space<vmem>>, vector<1x1x16xf32>,
        %get3A_564 = vector.shape_cast %get3A_563 : vector<1x1x16xf32> to vector<16xf32>
        %get3A_565 = arith.index_cast %add3A_450 : i32 to index
        %get3A_566 = arith.constant 96 : index
        %get3A_567 = tpu.vector_load %arg10[%get3A_565, %get3A_566] {strides = array<i32>} : memref<80x128xf32, #tpu.memory_space<vmem>>, vector<1x16xf32>,
        %get3A_568 = vector.shape_cast %get3A_567 : vector<1x16xf32> to vector<16xf32>
        %mul3A_569 = arith.mulf %get3A_564, %get3A_568 : vector<16xf32>
        %swap3A_570 = arith.constant 1 : i32
        %swap3A_571 = arith.index_cast %swap3A_570 : i32 to index
        %swap3A_572 = arith.index_cast %add3A_450 : i32 to index
        %swap3A_573 = arith.constant 96 : index
        %swap3A_574 = tpu.vector_load %arg8[%swap3A_571, %swap3A_572, %swap3A_573] {strides = array<i32>} : memref<2x80x128xf32, #tpu.memory_space<vmem>>, vector<1x1x16xf32>,
        %swap3A_575 = vector.shape_cast %swap3A_574 : vector<1x1x16xf32> to vector<16xf32>
        %swap3A_576 = vector.shape_cast %mul3A_569 : vector<16xf32> to vector<1x1x16xf32>
        tpu.vector_store %arg8[%swap3A_571, %swap3A_572, %swap3A_573], %swap3A_576 {strides = array<i32>} : memref<2x80x128xf32, #tpu.memory_space<vmem>>, vector<1x1x16xf32>,
        %get3A_577 = arith.constant 1 : i32
        %get3A_578 = arith.index_cast %get3A_577 : i32 to index
        %get3A_579 = arith.index_cast %add3A_450 : i32 to index
        %get3A_580 = arith.constant 112 : index
        %get3A_581 = tpu.vector_load %arg8[%get3A_578, %get3A_579, %get3A_580] {strides = array<i32>} : memref<2x80x128xf32, #tpu.memory_space<vmem>>, vector<1x1x16xf32>,
        %get3A_582 = vector.shape_cast %get3A_581 : vector<1x1x16xf32> to vector<16xf32>
        %get3A_583 = arith.index_cast %add3A_450 : i32 to index
        %get3A_584 = arith.constant 112 : index
        %get3A_585 = tpu.vector_load %arg10[%get3A_583, %get3A_584] {strides = array<i32>} : memref<80x128xf32, #tpu.memory_space<vmem>>, vector<1x16xf32>,
        %get3A_586 = vector.shape_cast %get3A_585 : vector<1x16xf32> to vector<16xf32>
        %mul3A_587 = arith.mulf %get3A_582, %get3A_586 : vector<16xf32>
        %swap3A_588 = arith.constant 1 : i32
        %swap3A_589 = arith.index_cast %swap3A_588 : i32 to index
        %swap3A_590 = arith.index_cast %add3A_450 : i32 to index
        %swap3A_591 = arith.constant 112 : index
        %swap3A_592 = tpu.vector_load %arg8[%swap3A_589, %swap3A_590, %swap3A_591] {strides = array<i32>} : memref<2x80x128xf32, #tpu.memory_space<vmem>>, vector<1x1x16xf32>,
        %swap3A_593 = vector.shape_cast %swap3A_592 : vector<1x1x16xf32> to vector<16xf32>
        %swap3A_594 = vector.shape_cast %mul3A_587 : vector<16xf32> to vector<1x1x16xf32>
        tpu.vector_store %arg8[%swap3A_589, %swap3A_590, %swap3A_591], %swap3A_594 {strides = array<i32>} : memref<2x80x128xf32, #tpu.memory_space<vmem>>, vector<1x1x16xf32>,
      }
      %scan3A_276 = arith.constant 40 : i32
      %dma_wait3A_277 = arith.constant 1 : i32
      %dma_wait3A_278 = arith.constant 0 : i32
      %dma_wait3A_279 = tpu.memref_slice %arg7[%dma_wait3A_277, %dma_wait3A_278] : memref<2x80xi32, #tpu.memory_space<vmem>> -> memref<1x80xi32, #tpu.memory_space<vmem>>
      %dma_wait3A_280 = tpu.memref_squeeze %dma_wait3A_279 : memref<1x80xi32, #tpu.memory_space<vmem>> -> memref<80xi32, #tpu.memory_space<vmem>>
      %dma_wait3A_281 = arith.constant 0 : i32
      %dma_wait3A_282 = tpu.memref_slice %arg4[%dma_wait3A_281] : memref<640000xi32, #tpu.memory_space<hbm>> -> memref<80xi32, #tpu.memory_space<hbm>>
      %dma_wait3A_283 = arith.constant 0 : i32
      %dma_wait3A_284 = tpu.memref_slice %arg7[%dma_wait3A_277, %dma_wait3A_283] : memref<2x80xi32, #tpu.memory_space<vmem>> -> memref<1x80xi32, #tpu.memory_space<vmem>>
      %dma_wait3A_285 = tpu.memref_squeeze %dma_wait3A_284 : memref<1x80xi32, #tpu.memory_space<vmem>> -> memref<80xi32, #tpu.memory_space<vmem>>
      %dma_wait3A_286 = arith.constant 0 : i32
      %dma_wait3A_287 = tpu.memref_slice %arg4[%dma_wait3A_286] : memref<640000xi32, #tpu.memory_space<hbm>> -> memref<80xi32, #tpu.memory_space<hbm>>
      tpu.wait_dma2 semaphore(%arg19 : memref<!tpu.dma_semaphore, #tpu.memory_space<semaphore_mem>>) src(%dma_wait3A_287 : memref<80xi32, #tpu.memory_space<hbm>>) dst(%dma_wait3A_285 : memref<80xi32, #tpu.memory_space<vmem>>)
      %dma_start3A_288 = arith.constant 1 : i32
      %dma_start3A_289 = arith.constant 1 : i32
      %dma_start3A_290 = arith.constant 0 : i32
      %dma_start3A_291 = arith.constant 0 : i32
      %dma_start3A_292 = tpu.memref_slice %arg8[%dma_start3A_288, %dma_start3A_290, %dma_start3A_291] : memref<2x80x128xf32, #tpu.memory_space<vmem>> -> memref<1x80x128xf32, #tpu.memory_space<vmem>>
      %dma_start3A_293 = tpu.memref_squeeze %dma_start3A_292 : memref<1x80x128xf32, #tpu.memory_space<vmem>> -> memref<80x128xf32, #tpu.memory_space<vmem>>
      %dma_start3A_294 = arith.constant 0 : i32
      %dma_start3A_295 = tpu.memref_slice %arg7[%dma_start3A_289, %dma_start3A_294] : memref<2x80xi32, #tpu.memory_space<vmem>> -> memref<1x80xi32, #tpu.memory_space<vmem>>
      %dma_start3A_296 = tpu.memref_squeeze %dma_start3A_295 : memref<1x80xi32, #tpu.memory_space<vmem>> -> memref<80xi32, #tpu.memory_space<vmem>>
      %dma_start3A_297 = arith.constant 0 : i32
      %dma_start3A_298 = arith.constant 0 : i32
      %dma_start3A_299 = tpu.memref_slice %arg11[%dma_start3A_297, %dma_start3A_298] : memref<10240x128xf32, #tpu.memory_space<vmem_shared>> -> memref<10240x128xf32, #tpu.memory_space<vmem_shared>>
      tpu.enqueue_indirect_dma source(%dma_start3A_293 : memref<80x128xf32, #tpu.memory_space<vmem>>) target(%dma_start3A_299 : memref<10240x128xf32, #tpu.memory_space<vmem_shared>>) offsets(%dma_start3A_296 : memref<80xi32, #tpu.memory_space<vmem>>) semaphore(%arg15 : memref<!tpu.dma_semaphore, #tpu.memory_space<semaphore_mem>>) {add = true}
    }
    %scan3A_72 = arith.constant 62 : i32
    %add3A_73 = arith.constant 124 : i32
    %add3A_74 = arith.constant 1 : i32
    %add3A_75 = arith.addi %add3A_73, %add3A_74 : i32
    %lt3A = arith.constant 125 : i32
    %lt3A_76 = arith.cmpi slt, %add3A_75, %lt3A : i32
    %convert_element_type3A = arith.extui %lt3A_76 : i1 to i32
    %cond3A = arith.constant 124 : i32
    %cond3A_77 = arith.constant 0 : i32
    %cond3A_78 = arith.cmpi ne, %convert_element_type3A, %cond3A_77 : i32
    scf.if %cond3A_78 {
      %ge3A = arith.constant 1 : i32
      %ge3A_171 = arith.cmpi sge, %cond3A, %ge3A : i32
      %convert_element_type3A_172 = arith.extui %ge3A_171 : i1 to i32
      %cond3A_173 = arith.constant 0 : i32
      %cond3A_174 = arith.cmpi ne, %convert_element_type3A_172, %cond3A_173 : i32
      scf.if %cond3A_174 {
        %dma_wait3A_221 = arith.constant 1 : i32
        %dma_wait3A_222 = arith.constant 1 : i32
        %dma_wait3A_223 = arith.constant 0 : i32
        %dma_wait3A_224 = arith.constant 0 : i32
        %dma_wait3A_225 = tpu.memref_slice %arg8[%dma_wait3A_221, %dma_wait3A_223, %dma_wait3A_224] : memref<2x80x128xf32, #tpu.memory_space<vmem>> -> memref<1x80x128xf32, #tpu.memory_space<vmem>>
        %dma_wait3A_226 = tpu.memref_squeeze %dma_wait3A_225 : memref<1x80x128xf32, #tpu.memory_space<vmem>> -> memref<80x128xf32, #tpu.memory_space<vmem>>
        %dma_wait3A_227 = arith.constant 0 : i32
        %dma_wait3A_228 = tpu.memref_slice %arg7[%dma_wait3A_222, %dma_wait3A_227] : memref<2x80xi32, #tpu.memory_space<vmem>> -> memref<1x80xi32, #tpu.memory_space<vmem>>
        %dma_wait3A_229 = tpu.memref_squeeze %dma_wait3A_228 : memref<1x80xi32, #tpu.memory_space<vmem>> -> memref<80xi32, #tpu.memory_space<vmem>>
        %dma_wait3A_230 = arith.constant 0 : i32
        %dma_wait3A_231 = arith.constant 0 : i32
        %dma_wait3A_232 = tpu.memref_slice %arg11[%dma_wait3A_230, %dma_wait3A_231] : memref<10240x128xf32, #tpu.memory_space<vmem_shared>> -> memref<10240x128xf32, #tpu.memory_space<vmem_shared>>
        tpu.wait_indirect_dma semaphore(%arg15 : memref<!tpu.dma_semaphore, #tpu.memory_space<semaphore_mem>>) src(%dma_wait3A_226 : memref<80x128xf32, #tpu.memory_space<vmem>>) dst(%dma_wait3A_232 : memref<10240x128xf32, #tpu.memory_space<vmem_shared>>)
      } else {
      }
      %dma_wait3A_175 = arith.constant 1 : i32
      %dma_wait3A_176 = arith.constant 0 : i32
      %dma_wait3A_177 = tpu.memref_slice %arg6[%dma_wait3A_175, %dma_wait3A_176] : memref<2x80xi32, #tpu.memory_space<vmem>> -> memref<1x80xi32, #tpu.memory_space<vmem>>
      %dma_wait3A_178 = tpu.memref_squeeze %dma_wait3A_177 : memref<1x80xi32, #tpu.memory_space<vmem>> -> memref<80xi32, #tpu.memory_space<vmem>>
      %dma_wait3A_179 = arith.constant 0 : i32
      %dma_wait3A_180 = tpu.memref_slice %arg4[%dma_wait3A_179] : memref<640000xi32, #tpu.memory_space<hbm>> -> memref<80xi32, #tpu.memory_space<hbm>>
      %dma_wait3A_181 = arith.constant 0 : i32
      %dma_wait3A_182 = tpu.memref_slice %arg6[%dma_wait3A_175, %dma_wait3A_181] : memref<2x80xi32, #tpu.memory_space<vmem>> -> memref<1x80xi32, #tpu.memory_space<vmem>>
      %dma_wait3A_183 = tpu.memref_squeeze %dma_wait3A_182 : memref<1x80xi32, #tpu.memory_space<vmem>> -> memref<80xi32, #tpu.memory_space<vmem>>
      %dma_wait3A_184 = arith.constant 0 : i32
      %dma_wait3A_185 = tpu.memref_slice %arg4[%dma_wait3A_184] : memref<640000xi32, #tpu.memory_space<hbm>> -> memref<80xi32, #tpu.memory_space<hbm>>
      tpu.wait_dma2 semaphore(%arg17 : memref<!tpu.dma_semaphore, #tpu.memory_space<semaphore_mem>>) src(%dma_wait3A_185 : memref<80xi32, #tpu.memory_space<hbm>>) dst(%dma_wait3A_183 : memref<80xi32, #tpu.memory_space<vmem>>)
      %add3A_186 = arith.constant 1 : i32
      %add3A_187 = arith.addi %cond3A, %add3A_186 : i32
      %dma_start3A_188 = arith.constant 1 : i32
      %dma_start3A_189 = arith.constant 1 : i32
      %dma_start3A_190 = arith.constant 0 : i32
      %dma_start3A_191 = arith.constant 0 : i32
      %dma_start3A_192 = tpu.memref_slice %arg8[%dma_start3A_189, %dma_start3A_190, %dma_start3A_191] : memref<2x80x128xf32, #tpu.memory_space<vmem>> -> memref<1x80x128xf32, #tpu.memory_space<vmem>>
      %dma_start3A_193 = tpu.memref_squeeze %dma_start3A_192 : memref<1x80x128xf32, #tpu.memory_space<vmem>> -> memref<80x128xf32, #tpu.memory_space<vmem>>
      %dma_start3A_194 = arith.constant 0 : i32
      %dma_start3A_195 = tpu.memref_slice %arg6[%dma_start3A_188, %dma_start3A_194] : memref<2x80xi32, #tpu.memory_space<vmem>> -> memref<1x80xi32, #tpu.memory_space<vmem>>
      %dma_start3A_196 = tpu.memref_squeeze %dma_start3A_195 : memref<1x80xi32, #tpu.memory_space<vmem>> -> memref<80xi32, #tpu.memory_space<vmem>>
      %dma_start3A_197 = arith.constant 0 : i32
      %dma_start3A_198 = arith.constant 0 : i32
      %dma_start3A_199 = tpu.memref_slice %arg2[%dma_start3A_197, %dma_start3A_198] : memref<10000x128xf32, #tpu.memory_space<hbm>> -> memref<10000x128xf32, #tpu.memory_space<hbm>>
      tpu.enqueue_indirect_dma source(%dma_start3A_199 : memref<10000x128xf32, #tpu.memory_space<hbm>>) target(%dma_start3A_193 : memref<80x128xf32, #tpu.memory_space<vmem>>) offsets(%dma_start3A_196 : memref<80xi32, #tpu.memory_space<vmem>>) semaphore(%arg13 : memref<!tpu.dma_semaphore, #tpu.memory_space<semaphore_mem>>)
      %mul3A_200 = arith.constant 80 : i32
      %mul3A_201 = arith.muli %add3A_187, %mul3A_200 : i32
      %add3A_202 = arith.addi %mul3A_23, %mul3A_201 : i32
      %dma_start3A_203 = arith.constant 0 : i32
      %dma_start3A_204 = tpu.memref_slice %arg3[%add3A_202, %dma_start3A_203] : memref<320000x128xf32, #tpu.memory_space<hbm>> -> memref<80x128xf32, #tpu.memory_space<hbm>>
      %dma_start3A_205 = arith.constant 0 : i32
      %dma_start3A_206 = tpu.memref_slice %arg3[%add3A_202, %dma_start3A_205] : memref<320000x128xf32, #tpu.memory_space<hbm>> -> memref<80x128xf32, #tpu.memory_space<hbm>>
      tpu.enqueue_dma source(%dma_start3A_206 : memref<80x128xf32, #tpu.memory_space<hbm>>) target(%arg10 : memref<80x128xf32, #tpu.memory_space<vmem>>) target_semaphore(%arg13 : memref<!tpu.dma_semaphore, #tpu.memory_space<semaphore_mem>>)
      %add3A_207 = arith.constant 1 : i32
      %add3A_208 = arith.addi %cond3A, %add3A_207 : i32
      %mul3A_209 = arith.constant 80 : i32
      %mul3A_210 = arith.muli %add3A_208, %mul3A_209 : i32
      %add3A_211 = arith.addi %mul3A_23, %mul3A_210 : i32
      %dma_start3A_212 = arith.constant 1 : i32
      %dma_start3A_213 = arith.constant 0 : i32
      %dma_start3A_214 = tpu.memref_slice %arg7[%dma_start3A_212, %dma_start3A_213] : memref<2x80xi32, #tpu.memory_space<vmem>> -> memref<1x80xi32, #tpu.memory_space<vmem>>
      %dma_start3A_215 = tpu.memref_squeeze %dma_start3A_214 : memref<1x80xi32, #tpu.memory_space<vmem>> -> memref<80xi32, #tpu.memory_space<vmem>>
      %dma_start3A_216 = tpu.memref_slice %arg4[%add3A_211] : memref<640000xi32, #tpu.memory_space<hbm>> -> memref<80xi32, #tpu.memory_space<hbm>>
      %dma_start3A_217 = arith.constant 0 : i32
      %dma_start3A_218 = tpu.memref_slice %arg7[%dma_start3A_212, %dma_start3A_217] : memref<2x80xi32, #tpu.memory_space<vmem>> -> memref<1x80xi32, #tpu.memory_space<vmem>>
      %dma_start3A_219 = tpu.memref_squeeze %dma_start3A_218 : memref<1x80xi32, #tpu.memory_space<vmem>> -> memref<80xi32, #tpu.memory_space<vmem>>
      %dma_start3A_220 = tpu.memref_slice %arg4[%add3A_211] : memref<640000xi32, #tpu.memory_space<hbm>> -> memref<80xi32, #tpu.memory_space<hbm>>
      tpu.enqueue_dma source(%dma_start3A_220 : memref<80xi32, #tpu.memory_space<hbm>>) target(%dma_start3A_219 : memref<80xi32, #tpu.memory_space<vmem>>) target_semaphore(%arg19 : memref<!tpu.dma_semaphore, #tpu.memory_space<semaphore_mem>>)
    } else {
    }
    %dma_wait3A = arith.constant 0 : i32
    %dma_wait3A_79 = arith.constant 0 : i32
    %dma_wait3A_80 = arith.constant 0 : i32
    %dma_wait3A_81 = arith.constant 0 : i32
    %dma_wait3A_82 = tpu.memref_slice %arg8[%dma_wait3A_79, %dma_wait3A_80, %dma_wait3A_81] : memref<2x80x128xf32, #tpu.memory_space<vmem>> -> memref<1x80x128xf32, #tpu.memory_space<vmem>>
    %dma_wait3A_83 = tpu.memref_squeeze %dma_wait3A_82 : memref<1x80x128xf32, #tpu.memory_space<vmem>> -> memref<80x128xf32, #tpu.memory_space<vmem>>
    %dma_wait3A_84 = arith.constant 0 : i32
    %dma_wait3A_85 = tpu.memref_slice %arg6[%dma_wait3A, %dma_wait3A_84] : memref<2x80xi32, #tpu.memory_space<vmem>> -> memref<1x80xi32, #tpu.memory_space<vmem>>
    %dma_wait3A_86 = tpu.memref_squeeze %dma_wait3A_85 : memref<1x80xi32, #tpu.memory_space<vmem>> -> memref<80xi32, #tpu.memory_space<vmem>>
    %dma_wait3A_87 = arith.constant 0 : i32
    %dma_wait3A_88 = arith.constant 0 : i32
    %dma_wait3A_89 = tpu.memref_slice %arg2[%dma_wait3A_87, %dma_wait3A_88] : memref<10000x128xf32, #tpu.memory_space<hbm>> -> memref<10000x128xf32, #tpu.memory_space<hbm>>
    tpu.wait_indirect_dma semaphore(%arg12 : memref<!tpu.dma_semaphore, #tpu.memory_space<semaphore_mem>>) src(%dma_wait3A_89 : memref<10000x128xf32, #tpu.memory_space<hbm>>) dst(%dma_wait3A_83 : memref<80x128xf32, #tpu.memory_space<vmem>>)
    %dma_wait3A_90 = arith.constant 0 : i32
    %dma_wait3A_91 = arith.constant 0 : i32
    %dma_wait3A_92 = tpu.memref_slice %arg3[%dma_wait3A_90, %dma_wait3A_91] : memref<320000x128xf32, #tpu.memory_space<hbm>> -> memref<80x128xf32, #tpu.memory_space<hbm>>
    %dma_wait3A_93 = arith.constant 0 : i32
    %dma_wait3A_94 = arith.constant 0 : i32
    %dma_wait3A_95 = tpu.memref_slice %arg3[%dma_wait3A_93, %dma_wait3A_94] : memref<320000x128xf32, #tpu.memory_space<hbm>> -> memref<80x128xf32, #tpu.memory_space<hbm>>
    tpu.wait_dma2 semaphore(%arg12 : memref<!tpu.dma_semaphore, #tpu.memory_space<semaphore_mem>>) src(%dma_wait3A_95 : memref<80x128xf32, #tpu.memory_space<hbm>>) dst(%arg9 : memref<80x128xf32, #tpu.memory_space<vmem>>)
    %add3A_96 = arith.constant 124 : i32
    %add3A_97 = arith.constant 2 : i32
    %add3A_98 = arith.addi %add3A_96, %add3A_97 : i32
    %lt3A_99 = arith.constant 125 : i32
    %lt3A_100 = arith.cmpi slt, %add3A_98, %lt3A_99 : i32
    %convert_element_type3A_101 = arith.extui %lt3A_100 : i1 to i32
    %cond3A_102 = arith.constant 124 : i32
    %cond3A_103 = arith.constant 0 : i32
    %cond3A_104 = arith.cmpi ne, %convert_element_type3A_101, %cond3A_103 : i32
    scf.if %cond3A_104 {
      %add3A_171 = arith.constant 2 : i32
      %add3A_172 = arith.addi %cond3A_102, %add3A_171 : i32
      %add3A_173 = arith.constant 320000 : i32
      %add3A_174 = arith.addi %add3A_173, %mul3A_23 : i32
      %mul3A_175 = arith.constant 80 : i32
      %mul3A_176 = arith.muli %add3A_172, %mul3A_175 : i32
      %add3A_177 = arith.addi %add3A_174, %mul3A_176 : i32
      %dma_start3A_178 = arith.constant 0 : i32
      %dma_start3A_179 = arith.constant 0 : i32
      %dma_start3A_180 = tpu.memref_slice %arg6[%dma_start3A_178, %dma_start3A_179] : memref<2x80xi32, #tpu.memory_space<vmem>> -> memref<1x80xi32, #tpu.memory_space<vmem>>
      %dma_start3A_181 = tpu.memref_squeeze %dma_start3A_180 : memref<1x80xi32, #tpu.memory_space<vmem>> -> memref<80xi32, #tpu.memory_space<vmem>>
      %dma_start3A_182 = tpu.memref_slice %arg4[%add3A_177] : memref<640000xi32, #tpu.memory_space<hbm>> -> memref<80xi32, #tpu.memory_space<hbm>>
      %dma_start3A_183 = arith.constant 0 : i32
      %dma_start3A_184 = tpu.memref_slice %arg6[%dma_start3A_178, %dma_start3A_183] : memref<2x80xi32, #tpu.memory_space<vmem>> -> memref<1x80xi32, #tpu.memory_space<vmem>>
      %dma_start3A_185 = tpu.memref_squeeze %dma_start3A_184 : memref<1x80xi32, #tpu.memory_space<vmem>> -> memref<80xi32, #tpu.memory_space<vmem>>
      %dma_start3A_186 = tpu.memref_slice %arg4[%add3A_177] : memref<640000xi32, #tpu.memory_space<hbm>> -> memref<80xi32, #tpu.memory_space<hbm>>
      tpu.enqueue_dma source(%dma_start3A_186 : memref<80xi32, #tpu.memory_space<hbm>>) target(%dma_start3A_185 : memref<80xi32, #tpu.memory_space<vmem>>) target_semaphore(%arg16 : memref<!tpu.dma_semaphore, #tpu.memory_space<semaphore_mem>>)
    } else {
    }
    %scan3A_105 = arith.constant 0 : i32
    %scan3A_106 = arith.constant 0 : i32
    %scan3A_107 = arith.constant 40 : i32
    %scan3A_108 = arith.addi %scan3A_106, %scan3A_107 : i32
    %scan3A_109 = arith.constant 1 : i32
    scf.for %scan3A_171 = %scan3A_106 to %scan3A_108 step %scan3A_109  : i32 {
      %mul3A_172 = arith.constant 2 : i32
      %mul3A_173 = arith.muli %mul3A_172, %scan3A_171 : i32
      %add3A_174 = arith.constant 0 : i32
      %add3A_175 = arith.addi %mul3A_173, %add3A_174 : i32
      %get3A = arith.constant 0 : i32
      %get3A_176 = arith.index_cast %get3A : i32 to index
      %get3A_177 = arith.index_cast %add3A_175 : i32 to index
      %get3A_178 = arith.constant 0 : index
      %get3A_179 = tpu.vector_load %arg8[%get3A_176, %get3A_177, %get3A_178] {strides = array<i32>} : memref<2x80x128xf32, #tpu.memory_space<vmem>>, vector<1x1x16xf32>,
      %get3A_180 = vector.shape_cast %get3A_179 : vector<1x1x16xf32> to vector<16xf32>
      %get3A_181 = arith.index_cast %add3A_175 : i32 to index
      %get3A_182 = arith.constant 0 : index
      %get3A_183 = tpu.vector_load %arg9[%get3A_181, %get3A_182] {strides = array<i32>} : memref<80x128xf32, #tpu.memory_space<vmem>>, vector<1x16xf32>,
      %get3A_184 = vector.shape_cast %get3A_183 : vector<1x16xf32> to vector<16xf32>
      %mul3A_185 = arith.mulf %get3A_180, %get3A_184 : vector<16xf32>
      %swap3A = arith.constant 0 : i32
      %swap3A_186 = arith.index_cast %swap3A : i32 to index
      %swap3A_187 = arith.index_cast %add3A_175 : i32 to index
      %swap3A_188 = arith.constant 0 : index
      %swap3A_189 = tpu.vector_load %arg8[%swap3A_186, %swap3A_187, %swap3A_188] {strides = array<i32>} : memref<2x80x128xf32, #tpu.memory_space<vmem>>, vector<1x1x16xf32>,
      %swap3A_190 = vector.shape_cast %swap3A_189 : vector<1x1x16xf32> to vector<16xf32>
      %swap3A_191 = vector.shape_cast %mul3A_185 : vector<16xf32> to vector<1x1x16xf32>
      tpu.vector_store %arg8[%swap3A_186, %swap3A_187, %swap3A_188], %swap3A_191 {strides = array<i32>} : memref<2x80x128xf32, #tpu.memory_space<vmem>>, vector<1x1x16xf32>,
      %get3A_192 = arith.constant 0 : i32
      %get3A_193 = arith.index_cast %get3A_192 : i32 to index
      %get3A_194 = arith.index_cast %add3A_175 : i32 to index
      %get3A_195 = arith.constant 16 : index
      %get3A_196 = tpu.vector_load %arg8[%get3A_193, %get3A_194, %get3A_195] {strides = array<i32>} : memref<2x80x128xf32, #tpu.memory_space<vmem>>, vector<1x1x16xf32>,
      %get3A_197 = vector.shape_cast %get3A_196 : vector<1x1x16xf32> to vector<16xf32>
      %get3A_198 = arith.index_cast %add3A_175 : i32 to index
      %get3A_199 = arith.constant 16 : index
      %get3A_200 = tpu.vector_load %arg9[%get3A_198, %get3A_199] {strides = array<i32>} : memref<80x128xf32, #tpu.memory_space<vmem>>, vector<1x16xf32>,
      %get3A_201 = vector.shape_cast %get3A_200 : vector<1x16xf32> to vector<16xf32>
      %mul3A_202 = arith.mulf %get3A_197, %get3A_201 : vector<16xf32>
      %swap3A_203 = arith.constant 0 : i32
      %swap3A_204 = arith.index_cast %swap3A_203 : i32 to index
      %swap3A_205 = arith.index_cast %add3A_175 : i32 to index
      %swap3A_206 = arith.constant 16 : index
      %swap3A_207 = tpu.vector_load %arg8[%swap3A_204, %swap3A_205, %swap3A_206] {strides = array<i32>} : memref<2x80x128xf32, #tpu.memory_space<vmem>>, vector<1x1x16xf32>,
      %swap3A_208 = vector.shape_cast %swap3A_207 : vector<1x1x16xf32> to vector<16xf32>
      %swap3A_209 = vector.shape_cast %mul3A_202 : vector<16xf32> to vector<1x1x16xf32>
      tpu.vector_store %arg8[%swap3A_204, %swap3A_205, %swap3A_206], %swap3A_209 {strides = array<i32>} : memref<2x80x128xf32, #tpu.memory_space<vmem>>, vector<1x1x16xf32>,
      %get3A_210 = arith.constant 0 : i32
      %get3A_211 = arith.index_cast %get3A_210 : i32 to index
      %get3A_212 = arith.index_cast %add3A_175 : i32 to index
      %get3A_213 = arith.constant 32 : index
      %get3A_214 = tpu.vector_load %arg8[%get3A_211, %get3A_212, %get3A_213] {strides = array<i32>} : memref<2x80x128xf32, #tpu.memory_space<vmem>>, vector<1x1x16xf32>,
      %get3A_215 = vector.shape_cast %get3A_214 : vector<1x1x16xf32> to vector<16xf32>
      %get3A_216 = arith.index_cast %add3A_175 : i32 to index
      %get3A_217 = arith.constant 32 : index
      %get3A_218 = tpu.vector_load %arg9[%get3A_216, %get3A_217] {strides = array<i32>} : memref<80x128xf32, #tpu.memory_space<vmem>>, vector<1x16xf32>,
      %get3A_219 = vector.shape_cast %get3A_218 : vector<1x16xf32> to vector<16xf32>
      %mul3A_220 = arith.mulf %get3A_215, %get3A_219 : vector<16xf32>
      %swap3A_221 = arith.constant 0 : i32
      %swap3A_222 = arith.index_cast %swap3A_221 : i32 to index
      %swap3A_223 = arith.index_cast %add3A_175 : i32 to index
      %swap3A_224 = arith.constant 32 : index
      %swap3A_225 = tpu.vector_load %arg8[%swap3A_222, %swap3A_223, %swap3A_224] {strides = array<i32>} : memref<2x80x128xf32, #tpu.memory_space<vmem>>, vector<1x1x16xf32>,
      %swap3A_226 = vector.shape_cast %swap3A_225 : vector<1x1x16xf32> to vector<16xf32>
      %swap3A_227 = vector.shape_cast %mul3A_220 : vector<16xf32> to vector<1x1x16xf32>
      tpu.vector_store %arg8[%swap3A_222, %swap3A_223, %swap3A_224], %swap3A_227 {strides = array<i32>} : memref<2x80x128xf32, #tpu.memory_space<vmem>>, vector<1x1x16xf32>,
      %get3A_228 = arith.constant 0 : i32
      %get3A_229 = arith.index_cast %get3A_228 : i32 to index
      %get3A_230 = arith.index_cast %add3A_175 : i32 to index
      %get3A_231 = arith.constant 48 : index
      %get3A_232 = tpu.vector_load %arg8[%get3A_229, %get3A_230, %get3A_231] {strides = array<i32>} : memref<2x80x128xf32, #tpu.memory_space<vmem>>, vector<1x1x16xf32>,
      %get3A_233 = vector.shape_cast %get3A_232 : vector<1x1x16xf32> to vector<16xf32>
      %get3A_234 = arith.index_cast %add3A_175 : i32 to index
      %get3A_235 = arith.constant 48 : index
      %get3A_236 = tpu.vector_load %arg9[%get3A_234, %get3A_235] {strides = array<i32>} : memref<80x128xf32, #tpu.memory_space<vmem>>, vector<1x16xf32>,
      %get3A_237 = vector.shape_cast %get3A_236 : vector<1x16xf32> to vector<16xf32>
      %mul3A_238 = arith.mulf %get3A_233, %get3A_237 : vector<16xf32>
      %swap3A_239 = arith.constant 0 : i32
      %swap3A_240 = arith.index_cast %swap3A_239 : i32 to index
      %swap3A_241 = arith.index_cast %add3A_175 : i32 to index
      %swap3A_242 = arith.constant 48 : index
      %swap3A_243 = tpu.vector_load %arg8[%swap3A_240, %swap3A_241, %swap3A_242] {strides = array<i32>} : memref<2x80x128xf32, #tpu.memory_space<vmem>>, vector<1x1x16xf32>,
      %swap3A_244 = vector.shape_cast %swap3A_243 : vector<1x1x16xf32> to vector<16xf32>
      %swap3A_245 = vector.shape_cast %mul3A_238 : vector<16xf32> to vector<1x1x16xf32>
      tpu.vector_store %arg8[%swap3A_240, %swap3A_241, %swap3A_242], %swap3A_245 {strides = array<i32>} : memref<2x80x128xf32, #tpu.memory_space<vmem>>, vector<1x1x16xf32>,
      %get3A_246 = arith.constant 0 : i32
      %get3A_247 = arith.index_cast %get3A_246 : i32 to index
      %get3A_248 = arith.index_cast %add3A_175 : i32 to index
      %get3A_249 = arith.constant 64 : index
      %get3A_250 = tpu.vector_load %arg8[%get3A_247, %get3A_248, %get3A_249] {strides = array<i32>} : memref<2x80x128xf32, #tpu.memory_space<vmem>>, vector<1x1x16xf32>,
      %get3A_251 = vector.shape_cast %get3A_250 : vector<1x1x16xf32> to vector<16xf32>
      %get3A_252 = arith.index_cast %add3A_175 : i32 to index
      %get3A_253 = arith.constant 64 : index
      %get3A_254 = tpu.vector_load %arg9[%get3A_252, %get3A_253] {strides = array<i32>} : memref<80x128xf32, #tpu.memory_space<vmem>>, vector<1x16xf32>,
      %get3A_255 = vector.shape_cast %get3A_254 : vector<1x16xf32> to vector<16xf32>
      %mul3A_256 = arith.mulf %get3A_251, %get3A_255 : vector<16xf32>
      %swap3A_257 = arith.constant 0 : i32
      %swap3A_258 = arith.index_cast %swap3A_257 : i32 to index
      %swap3A_259 = arith.index_cast %add3A_175 : i32 to index
      %swap3A_260 = arith.constant 64 : index
      %swap3A_261 = tpu.vector_load %arg8[%swap3A_258, %swap3A_259, %swap3A_260] {strides = array<i32>} : memref<2x80x128xf32, #tpu.memory_space<vmem>>, vector<1x1x16xf32>,
      %swap3A_262 = vector.shape_cast %swap3A_261 : vector<1x1x16xf32> to vector<16xf32>
      %swap3A_263 = vector.shape_cast %mul3A_256 : vector<16xf32> to vector<1x1x16xf32>
      tpu.vector_store %arg8[%swap3A_258, %swap3A_259, %swap3A_260], %swap3A_263 {strides = array<i32>} : memref<2x80x128xf32, #tpu.memory_space<vmem>>, vector<1x1x16xf32>,
      %get3A_264 = arith.constant 0 : i32
      %get3A_265 = arith.index_cast %get3A_264 : i32 to index
      %get3A_266 = arith.index_cast %add3A_175 : i32 to index
      %get3A_267 = arith.constant 80 : index
      %get3A_268 = tpu.vector_load %arg8[%get3A_265, %get3A_266, %get3A_267] {strides = array<i32>} : memref<2x80x128xf32, #tpu.memory_space<vmem>>, vector<1x1x16xf32>,
      %get3A_269 = vector.shape_cast %get3A_268 : vector<1x1x16xf32> to vector<16xf32>
      %get3A_270 = arith.index_cast %add3A_175 : i32 to index
      %get3A_271 = arith.constant 80 : index
      %get3A_272 = tpu.vector_load %arg9[%get3A_270, %get3A_271] {strides = array<i32>} : memref<80x128xf32, #tpu.memory_space<vmem>>, vector<1x16xf32>,
      %get3A_273 = vector.shape_cast %get3A_272 : vector<1x16xf32> to vector<16xf32>
      %mul3A_274 = arith.mulf %get3A_269, %get3A_273 : vector<16xf32>
      %swap3A_275 = arith.constant 0 : i32
      %swap3A_276 = arith.index_cast %swap3A_275 : i32 to index
      %swap3A_277 = arith.index_cast %add3A_175 : i32 to index
      %swap3A_278 = arith.constant 80 : index
      %swap3A_279 = tpu.vector_load %arg8[%swap3A_276, %swap3A_277, %swap3A_278] {strides = array<i32>} : memref<2x80x128xf32, #tpu.memory_space<vmem>>, vector<1x1x16xf32>,
      %swap3A_280 = vector.shape_cast %swap3A_279 : vector<1x1x16xf32> to vector<16xf32>
      %swap3A_281 = vector.shape_cast %mul3A_274 : vector<16xf32> to vector<1x1x16xf32>
      tpu.vector_store %arg8[%swap3A_276, %swap3A_277, %swap3A_278], %swap3A_281 {strides = array<i32>} : memref<2x80x128xf32, #tpu.memory_space<vmem>>, vector<1x1x16xf32>,
      %get3A_282 = arith.constant 0 : i32
      %get3A_283 = arith.index_cast %get3A_282 : i32 to index
      %get3A_284 = arith.index_cast %add3A_175 : i32 to index
      %get3A_285 = arith.constant 96 : index
      %get3A_286 = tpu.vector_load %arg8[%get3A_283, %get3A_284, %get3A_285] {strides = array<i32>} : memref<2x80x128xf32, #tpu.memory_space<vmem>>, vector<1x1x16xf32>,
      %get3A_287 = vector.shape_cast %get3A_286 : vector<1x1x16xf32> to vector<16xf32>
      %get3A_288 = arith.index_cast %add3A_175 : i32 to index
      %get3A_289 = arith.constant 96 : index
      %get3A_290 = tpu.vector_load %arg9[%get3A_288, %get3A_289] {strides = array<i32>} : memref<80x128xf32, #tpu.memory_space<vmem>>, vector<1x16xf32>,
      %get3A_291 = vector.shape_cast %get3A_290 : vector<1x16xf32> to vector<16xf32>
      %mul3A_292 = arith.mulf %get3A_287, %get3A_291 : vector<16xf32>
      %swap3A_293 = arith.constant 0 : i32
      %swap3A_294 = arith.index_cast %swap3A_293 : i32 to index
      %swap3A_295 = arith.index_cast %add3A_175 : i32 to index
      %swap3A_296 = arith.constant 96 : index
      %swap3A_297 = tpu.vector_load %arg8[%swap3A_294, %swap3A_295, %swap3A_296] {strides = array<i32>} : memref<2x80x128xf32, #tpu.memory_space<vmem>>, vector<1x1x16xf32>,
      %swap3A_298 = vector.shape_cast %swap3A_297 : vector<1x1x16xf32> to vector<16xf32>
      %swap3A_299 = vector.shape_cast %mul3A_292 : vector<16xf32> to vector<1x1x16xf32>
      tpu.vector_store %arg8[%swap3A_294, %swap3A_295, %swap3A_296], %swap3A_299 {strides = array<i32>} : memref<2x80x128xf32, #tpu.memory_space<vmem>>, vector<1x1x16xf32>,
      %get3A_300 = arith.constant 0 : i32
      %get3A_301 = arith.index_cast %get3A_300 : i32 to index
      %get3A_302 = arith.index_cast %add3A_175 : i32 to index
      %get3A_303 = arith.constant 112 : index
      %get3A_304 = tpu.vector_load %arg8[%get3A_301, %get3A_302, %get3A_303] {strides = array<i32>} : memref<2x80x128xf32, #tpu.memory_space<vmem>>, vector<1x1x16xf32>,
      %get3A_305 = vector.shape_cast %get3A_304 : vector<1x1x16xf32> to vector<16xf32>
      %get3A_306 = arith.index_cast %add3A_175 : i32 to index
      %get3A_307 = arith.constant 112 : index
      %get3A_308 = tpu.vector_load %arg9[%get3A_306, %get3A_307] {strides = array<i32>} : memref<80x128xf32, #tpu.memory_space<vmem>>, vector<1x16xf32>,
      %get3A_309 = vector.shape_cast %get3A_308 : vector<1x16xf32> to vector<16xf32>
      %mul3A_310 = arith.mulf %get3A_305, %get3A_309 : vector<16xf32>
      %swap3A_311 = arith.constant 0 : i32
      %swap3A_312 = arith.index_cast %swap3A_311 : i32 to index
      %swap3A_313 = arith.index_cast %add3A_175 : i32 to index
      %swap3A_314 = arith.constant 112 : index
      %swap3A_315 = tpu.vector_load %arg8[%swap3A_312, %swap3A_313, %swap3A_314] {strides = array<i32>} : memref<2x80x128xf32, #tpu.memory_space<vmem>>, vector<1x1x16xf32>,
      %swap3A_316 = vector.shape_cast %swap3A_315 : vector<1x1x16xf32> to vector<16xf32>
      %swap3A_317 = vector.shape_cast %mul3A_310 : vector<16xf32> to vector<1x1x16xf32>
      tpu.vector_store %arg8[%swap3A_312, %swap3A_313, %swap3A_314], %swap3A_317 {strides = array<i32>} : memref<2x80x128xf32, #tpu.memory_space<vmem>>, vector<1x1x16xf32>,
      %mul3A_318 = arith.constant 2 : i32
      %mul3A_319 = arith.muli %mul3A_318, %scan3A_171 : i32
      %add3A_320 = arith.constant 1 : i32
      %add3A_321 = arith.addi %mul3A_319, %add3A_320 : i32
      %get3A_322 = arith.constant 0 : i32
      %get3A_323 = arith.index_cast %get3A_322 : i32 to index
      %get3A_324 = arith.index_cast %add3A_321 : i32 to index
      %get3A_325 = arith.constant 0 : index
      %get3A_326 = tpu.vector_load %arg8[%get3A_323, %get3A_324, %get3A_325] {strides = array<i32>} : memref<2x80x128xf32, #tpu.memory_space<vmem>>, vector<1x1x16xf32>,
      %get3A_327 = vector.shape_cast %get3A_326 : vector<1x1x16xf32> to vector<16xf32>
      %get3A_328 = arith.index_cast %add3A_321 : i32 to index
      %get3A_329 = arith.constant 0 : index
      %get3A_330 = tpu.vector_load %arg9[%get3A_328, %get3A_329] {strides = array<i32>} : memref<80x128xf32, #tpu.memory_space<vmem>>, vector<1x16xf32>,
      %get3A_331 = vector.shape_cast %get3A_330 : vector<1x16xf32> to vector<16xf32>
      %mul3A_332 = arith.mulf %get3A_327, %get3A_331 : vector<16xf32>
      %swap3A_333 = arith.constant 0 : i32
      %swap3A_334 = arith.index_cast %swap3A_333 : i32 to index
      %swap3A_335 = arith.index_cast %add3A_321 : i32 to index
      %swap3A_336 = arith.constant 0 : index
      %swap3A_337 = tpu.vector_load %arg8[%swap3A_334, %swap3A_335, %swap3A_336] {strides = array<i32>} : memref<2x80x128xf32, #tpu.memory_space<vmem>>, vector<1x1x16xf32>,
      %swap3A_338 = vector.shape_cast %swap3A_337 : vector<1x1x16xf32> to vector<16xf32>
      %swap3A_339 = vector.shape_cast %mul3A_332 : vector<16xf32> to vector<1x1x16xf32>
      tpu.vector_store %arg8[%swap3A_334, %swap3A_335, %swap3A_336], %swap3A_339 {strides = array<i32>} : memref<2x80x128xf32, #tpu.memory_space<vmem>>, vector<1x1x16xf32>,
      %get3A_340 = arith.constant 0 : i32
      %get3A_341 = arith.index_cast %get3A_340 : i32 to index
      %get3A_342 = arith.index_cast %add3A_321 : i32 to index
      %get3A_343 = arith.constant 16 : index
      %get3A_344 = tpu.vector_load %arg8[%get3A_341, %get3A_342, %get3A_343] {strides = array<i32>} : memref<2x80x128xf32, #tpu.memory_space<vmem>>, vector<1x1x16xf32>,
      %get3A_345 = vector.shape_cast %get3A_344 : vector<1x1x16xf32> to vector<16xf32>
      %get3A_346 = arith.index_cast %add3A_321 : i32 to index
      %get3A_347 = arith.constant 16 : index
      %get3A_348 = tpu.vector_load %arg9[%get3A_346, %get3A_347] {strides = array<i32>} : memref<80x128xf32, #tpu.memory_space<vmem>>, vector<1x16xf32>,
      %get3A_349 = vector.shape_cast %get3A_348 : vector<1x16xf32> to vector<16xf32>
      %mul3A_350 = arith.mulf %get3A_345, %get3A_349 : vector<16xf32>
      %swap3A_351 = arith.constant 0 : i32
      %swap3A_352 = arith.index_cast %swap3A_351 : i32 to index
      %swap3A_353 = arith.index_cast %add3A_321 : i32 to index
      %swap3A_354 = arith.constant 16 : index
      %swap3A_355 = tpu.vector_load %arg8[%swap3A_352, %swap3A_353, %swap3A_354] {strides = array<i32>} : memref<2x80x128xf32, #tpu.memory_space<vmem>>, vector<1x1x16xf32>,
      %swap3A_356 = vector.shape_cast %swap3A_355 : vector<1x1x16xf32> to vector<16xf32>
      %swap3A_357 = vector.shape_cast %mul3A_350 : vector<16xf32> to vector<1x1x16xf32>
      tpu.vector_store %arg8[%swap3A_352, %swap3A_353, %swap3A_354], %swap3A_357 {strides = array<i32>} : memref<2x80x128xf32, #tpu.memory_space<vmem>>, vector<1x1x16xf32>,
      %get3A_358 = arith.constant 0 : i32
      %get3A_359 = arith.index_cast %get3A_358 : i32 to index
      %get3A_360 = arith.index_cast %add3A_321 : i32 to index
      %get3A_361 = arith.constant 32 : index
      %get3A_362 = tpu.vector_load %arg8[%get3A_359, %get3A_360, %get3A_361] {strides = array<i32>} : memref<2x80x128xf32, #tpu.memory_space<vmem>>, vector<1x1x16xf32>,
      %get3A_363 = vector.shape_cast %get3A_362 : vector<1x1x16xf32> to vector<16xf32>
      %get3A_364 = arith.index_cast %add3A_321 : i32 to index
      %get3A_365 = arith.constant 32 : index
      %get3A_366 = tpu.vector_load %arg9[%get3A_364, %get3A_365] {strides = array<i32>} : memref<80x128xf32, #tpu.memory_space<vmem>>, vector<1x16xf32>,
      %get3A_367 = vector.shape_cast %get3A_366 : vector<1x16xf32> to vector<16xf32>
      %mul3A_368 = arith.mulf %get3A_363, %get3A_367 : vector<16xf32>
      %swap3A_369 = arith.constant 0 : i32
      %swap3A_370 = arith.index_cast %swap3A_369 : i32 to index
      %swap3A_371 = arith.index_cast %add3A_321 : i32 to index
      %swap3A_372 = arith.constant 32 : index
      %swap3A_373 = tpu.vector_load %arg8[%swap3A_370, %swap3A_371, %swap3A_372] {strides = array<i32>} : memref<2x80x128xf32, #tpu.memory_space<vmem>>, vector<1x1x16xf32>,
      %swap3A_374 = vector.shape_cast %swap3A_373 : vector<1x1x16xf32> to vector<16xf32>
      %swap3A_375 = vector.shape_cast %mul3A_368 : vector<16xf32> to vector<1x1x16xf32>
      tpu.vector_store %arg8[%swap3A_370, %swap3A_371, %swap3A_372], %swap3A_375 {strides = array<i32>} : memref<2x80x128xf32, #tpu.memory_space<vmem>>, vector<1x1x16xf32>,
      %get3A_376 = arith.constant 0 : i32
      %get3A_377 = arith.index_cast %get3A_376 : i32 to index
      %get3A_378 = arith.index_cast %add3A_321 : i32 to index
      %get3A_379 = arith.constant 48 : index
      %get3A_380 = tpu.vector_load %arg8[%get3A_377, %get3A_378, %get3A_379] {strides = array<i32>} : memref<2x80x128xf32, #tpu.memory_space<vmem>>, vector<1x1x16xf32>,
      %get3A_381 = vector.shape_cast %get3A_380 : vector<1x1x16xf32> to vector<16xf32>
      %get3A_382 = arith.index_cast %add3A_321 : i32 to index
      %get3A_383 = arith.constant 48 : index
      %get3A_384 = tpu.vector_load %arg9[%get3A_382, %get3A_383] {strides = array<i32>} : memref<80x128xf32, #tpu.memory_space<vmem>>, vector<1x16xf32>,
      %get3A_385 = vector.shape_cast %get3A_384 : vector<1x16xf32> to vector<16xf32>
      %mul3A_386 = arith.mulf %get3A_381, %get3A_385 : vector<16xf32>
      %swap3A_387 = arith.constant 0 : i32
      %swap3A_388 = arith.index_cast %swap3A_387 : i32 to index
      %swap3A_389 = arith.index_cast %add3A_321 : i32 to index
      %swap3A_390 = arith.constant 48 : index
      %swap3A_391 = tpu.vector_load %arg8[%swap3A_388, %swap3A_389, %swap3A_390] {strides = array<i32>} : memref<2x80x128xf32, #tpu.memory_space<vmem>>, vector<1x1x16xf32>,
      %swap3A_392 = vector.shape_cast %swap3A_391 : vector<1x1x16xf32> to vector<16xf32>
      %swap3A_393 = vector.shape_cast %mul3A_386 : vector<16xf32> to vector<1x1x16xf32>
      tpu.vector_store %arg8[%swap3A_388, %swap3A_389, %swap3A_390], %swap3A_393 {strides = array<i32>} : memref<2x80x128xf32, #tpu.memory_space<vmem>>, vector<1x1x16xf32>,
      %get3A_394 = arith.constant 0 : i32
      %get3A_395 = arith.index_cast %get3A_394 : i32 to index
      %get3A_396 = arith.index_cast %add3A_321 : i32 to index
      %get3A_397 = arith.constant 64 : index
      %get3A_398 = tpu.vector_load %arg8[%get3A_395, %get3A_396, %get3A_397] {strides = array<i32>} : memref<2x80x128xf32, #tpu.memory_space<vmem>>, vector<1x1x16xf32>,
      %get3A_399 = vector.shape_cast %get3A_398 : vector<1x1x16xf32> to vector<16xf32>
      %get3A_400 = arith.index_cast %add3A_321 : i32 to index
      %get3A_401 = arith.constant 64 : index
      %get3A_402 = tpu.vector_load %arg9[%get3A_400, %get3A_401] {strides = array<i32>} : memref<80x128xf32, #tpu.memory_space<vmem>>, vector<1x16xf32>,
      %get3A_403 = vector.shape_cast %get3A_402 : vector<1x16xf32> to vector<16xf32>
      %mul3A_404 = arith.mulf %get3A_399, %get3A_403 : vector<16xf32>
      %swap3A_405 = arith.constant 0 : i32
      %swap3A_406 = arith.index_cast %swap3A_405 : i32 to index
      %swap3A_407 = arith.index_cast %add3A_321 : i32 to index
      %swap3A_408 = arith.constant 64 : index
      %swap3A_409 = tpu.vector_load %arg8[%swap3A_406, %swap3A_407, %swap3A_408] {strides = array<i32>} : memref<2x80x128xf32, #tpu.memory_space<vmem>>, vector<1x1x16xf32>,
      %swap3A_410 = vector.shape_cast %swap3A_409 : vector<1x1x16xf32> to vector<16xf32>
      %swap3A_411 = vector.shape_cast %mul3A_404 : vector<16xf32> to vector<1x1x16xf32>
      tpu.vector_store %arg8[%swap3A_406, %swap3A_407, %swap3A_408], %swap3A_411 {strides = array<i32>} : memref<2x80x128xf32, #tpu.memory_space<vmem>>, vector<1x1x16xf32>,
      %get3A_412 = arith.constant 0 : i32
      %get3A_413 = arith.index_cast %get3A_412 : i32 to index
      %get3A_414 = arith.index_cast %add3A_321 : i32 to index
      %get3A_415 = arith.constant 80 : index
      %get3A_416 = tpu.vector_load %arg8[%get3A_413, %get3A_414, %get3A_415] {strides = array<i32>} : memref<2x80x128xf32, #tpu.memory_space<vmem>>, vector<1x1x16xf32>,
      %get3A_417 = vector.shape_cast %get3A_416 : vector<1x1x16xf32> to vector<16xf32>
      %get3A_418 = arith.index_cast %add3A_321 : i32 to index
      %get3A_419 = arith.constant 80 : index
      %get3A_420 = tpu.vector_load %arg9[%get3A_418, %get3A_419] {strides = array<i32>} : memref<80x128xf32, #tpu.memory_space<vmem>>, vector<1x16xf32>,
      %get3A_421 = vector.shape_cast %get3A_420 : vector<1x16xf32> to vector<16xf32>
      %mul3A_422 = arith.mulf %get3A_417, %get3A_421 : vector<16xf32>
      %swap3A_423 = arith.constant 0 : i32
      %swap3A_424 = arith.index_cast %swap3A_423 : i32 to index
      %swap3A_425 = arith.index_cast %add3A_321 : i32 to index
      %swap3A_426 = arith.constant 80 : index
      %swap3A_427 = tpu.vector_load %arg8[%swap3A_424, %swap3A_425, %swap3A_426] {strides = array<i32>} : memref<2x80x128xf32, #tpu.memory_space<vmem>>, vector<1x1x16xf32>,
      %swap3A_428 = vector.shape_cast %swap3A_427 : vector<1x1x16xf32> to vector<16xf32>
      %swap3A_429 = vector.shape_cast %mul3A_422 : vector<16xf32> to vector<1x1x16xf32>
      tpu.vector_store %arg8[%swap3A_424, %swap3A_425, %swap3A_426], %swap3A_429 {strides = array<i32>} : memref<2x80x128xf32, #tpu.memory_space<vmem>>, vector<1x1x16xf32>,
      %get3A_430 = arith.constant 0 : i32
      %get3A_431 = arith.index_cast %get3A_430 : i32 to index
      %get3A_432 = arith.index_cast %add3A_321 : i32 to index
      %get3A_433 = arith.constant 96 : index
      %get3A_434 = tpu.vector_load %arg8[%get3A_431, %get3A_432, %get3A_433] {strides = array<i32>} : memref<2x80x128xf32, #tpu.memory_space<vmem>>, vector<1x1x16xf32>,
      %get3A_435 = vector.shape_cast %get3A_434 : vector<1x1x16xf32> to vector<16xf32>
      %get3A_436 = arith.index_cast %add3A_321 : i32 to index
      %get3A_437 = arith.constant 96 : index
      %get3A_438 = tpu.vector_load %arg9[%get3A_436, %get3A_437] {strides = array<i32>} : memref<80x128xf32, #tpu.memory_space<vmem>>, vector<1x16xf32>,
      %get3A_439 = vector.shape_cast %get3A_438 : vector<1x16xf32> to vector<16xf32>
      %mul3A_440 = arith.mulf %get3A_435, %get3A_439 : vector<16xf32>
      %swap3A_441 = arith.constant 0 : i32
      %swap3A_442 = arith.index_cast %swap3A_441 : i32 to index
      %swap3A_443 = arith.index_cast %add3A_321 : i32 to index
      %swap3A_444 = arith.constant 96 : index
      %swap3A_445 = tpu.vector_load %arg8[%swap3A_442, %swap3A_443, %swap3A_444] {strides = array<i32>} : memref<2x80x128xf32, #tpu.memory_space<vmem>>, vector<1x1x16xf32>,
      %swap3A_446 = vector.shape_cast %swap3A_445 : vector<1x1x16xf32> to vector<16xf32>
      %swap3A_447 = vector.shape_cast %mul3A_440 : vector<16xf32> to vector<1x1x16xf32>
      tpu.vector_store %arg8[%swap3A_442, %swap3A_443, %swap3A_444], %swap3A_447 {strides = array<i32>} : memref<2x80x128xf32, #tpu.memory_space<vmem>>, vector<1x1x16xf32>,
      %get3A_448 = arith.constant 0 : i32
      %get3A_449 = arith.index_cast %get3A_448 : i32 to index
      %get3A_450 = arith.index_cast %add3A_321 : i32 to index
      %get3A_451 = arith.constant 112 : index
      %get3A_452 = tpu.vector_load %arg8[%get3A_449, %get3A_450, %get3A_451] {strides = array<i32>} : memref<2x80x128xf32, #tpu.memory_space<vmem>>, vector<1x1x16xf32>,
      %get3A_453 = vector.shape_cast %get3A_452 : vector<1x1x16xf32> to vector<16xf32>
      %get3A_454 = arith.index_cast %add3A_321 : i32 to index
      %get3A_455 = arith.constant 112 : index
      %get3A_456 = tpu.vector_load %arg9[%get3A_454, %get3A_455] {strides = array<i32>} : memref<80x128xf32, #tpu.memory_space<vmem>>, vector<1x16xf32>,
      %get3A_457 = vector.shape_cast %get3A_456 : vector<1x16xf32> to vector<16xf32>
      %mul3A_458 = arith.mulf %get3A_453, %get3A_457 : vector<16xf32>
      %swap3A_459 = arith.constant 0 : i32
      %swap3A_460 = arith.index_cast %swap3A_459 : i32 to index
      %swap3A_461 = arith.index_cast %add3A_321 : i32 to index
      %swap3A_462 = arith.constant 112 : index
      %swap3A_463 = tpu.vector_load %arg8[%swap3A_460, %swap3A_461, %swap3A_462] {strides = array<i32>} : memref<2x80x128xf32, #tpu.memory_space<vmem>>, vector<1x1x16xf32>,
      %swap3A_464 = vector.shape_cast %swap3A_463 : vector<1x1x16xf32> to vector<16xf32>
      %swap3A_465 = vector.shape_cast %mul3A_458 : vector<16xf32> to vector<1x1x16xf32>
      tpu.vector_store %arg8[%swap3A_460, %swap3A_461, %swap3A_462], %swap3A_465 {strides = array<i32>} : memref<2x80x128xf32, #tpu.memory_space<vmem>>, vector<1x1x16xf32>,
    }
    %scan3A_110 = arith.constant 40 : i32
    %dma_wait3A_111 = arith.constant 0 : i32
    %dma_wait3A_112 = arith.constant 0 : i32
    %dma_wait3A_113 = tpu.memref_slice %arg7[%dma_wait3A_111, %dma_wait3A_112] : memref<2x80xi32, #tpu.memory_space<vmem>> -> memref<1x80xi32, #tpu.memory_space<vmem>>
    %dma_wait3A_114 = tpu.memref_squeeze %dma_wait3A_113 : memref<1x80xi32, #tpu.memory_space<vmem>> -> memref<80xi32, #tpu.memory_space<vmem>>
    %dma_wait3A_115 = arith.constant 0 : i32
    %dma_wait3A_116 = tpu.memref_slice %arg4[%dma_wait3A_115] : memref<640000xi32, #tpu.memory_space<hbm>> -> memref<80xi32, #tpu.memory_space<hbm>>
    %dma_wait3A_117 = arith.constant 0 : i32
    %dma_wait3A_118 = tpu.memref_slice %arg7[%dma_wait3A_111, %dma_wait3A_117] : memref<2x80xi32, #tpu.memory_space<vmem>> -> memref<1x80xi32, #tpu.memory_space<vmem>>
    %dma_wait3A_119 = tpu.memref_squeeze %dma_wait3A_118 : memref<1x80xi32, #tpu.memory_space<vmem>> -> memref<80xi32, #tpu.memory_space<vmem>>
    %dma_wait3A_120 = arith.constant 0 : i32
    %dma_wait3A_121 = tpu.memref_slice %arg4[%dma_wait3A_120] : memref<640000xi32, #tpu.memory_space<hbm>> -> memref<80xi32, #tpu.memory_space<hbm>>
    tpu.wait_dma2 semaphore(%arg18 : memref<!tpu.dma_semaphore, #tpu.memory_space<semaphore_mem>>) src(%dma_wait3A_121 : memref<80xi32, #tpu.memory_space<hbm>>) dst(%dma_wait3A_119 : memref<80xi32, #tpu.memory_space<vmem>>)
    %dma_start3A_122 = arith.constant 0 : i32
    %dma_start3A_123 = arith.constant 0 : i32
    %dma_start3A_124 = arith.constant 0 : i32
    %dma_start3A_125 = arith.constant 0 : i32
    %dma_start3A_126 = tpu.memref_slice %arg8[%dma_start3A_122, %dma_start3A_124, %dma_start3A_125] : memref<2x80x128xf32, #tpu.memory_space<vmem>> -> memref<1x80x128xf32, #tpu.memory_space<vmem>>
    %dma_start3A_127 = tpu.memref_squeeze %dma_start3A_126 : memref<1x80x128xf32, #tpu.memory_space<vmem>> -> memref<80x128xf32, #tpu.memory_space<vmem>>
    %dma_start3A_128 = arith.constant 0 : i32
    %dma_start3A_129 = tpu.memref_slice %arg7[%dma_start3A_123, %dma_start3A_128] : memref<2x80xi32, #tpu.memory_space<vmem>> -> memref<1x80xi32, #tpu.memory_space<vmem>>
    %dma_start3A_130 = tpu.memref_squeeze %dma_start3A_129 : memref<1x80xi32, #tpu.memory_space<vmem>> -> memref<80xi32, #tpu.memory_space<vmem>>
    %dma_start3A_131 = arith.constant 0 : i32
    %dma_start3A_132 = arith.constant 0 : i32
    %dma_start3A_133 = tpu.memref_slice %arg11[%dma_start3A_131, %dma_start3A_132] : memref<10240x128xf32, #tpu.memory_space<vmem_shared>> -> memref<10240x128xf32, #tpu.memory_space<vmem_shared>>
    tpu.enqueue_indirect_dma source(%dma_start3A_127 : memref<80x128xf32, #tpu.memory_space<vmem>>) target(%dma_start3A_133 : memref<10240x128xf32, #tpu.memory_space<vmem_shared>>) offsets(%dma_start3A_130 : memref<80xi32, #tpu.memory_space<vmem>>) semaphore(%arg14 : memref<!tpu.dma_semaphore, #tpu.memory_space<semaphore_mem>>) {add = true}
    %dma_wait3A_134 = arith.constant 0 : i32
    %dma_wait3A_135 = arith.constant 0 : i32
    %dma_wait3A_136 = arith.constant 0 : i32
    %dma_wait3A_137 = arith.constant 0 : i32
    %dma_wait3A_138 = tpu.memref_slice %arg8[%dma_wait3A_134, %dma_wait3A_136, %dma_wait3A_137] : memref<2x80x128xf32, #tpu.memory_space<vmem>> -> memref<1x80x128xf32, #tpu.memory_space<vmem>>
    %dma_wait3A_139 = tpu.memref_squeeze %dma_wait3A_138 : memref<1x80x128xf32, #tpu.memory_space<vmem>> -> memref<80x128xf32, #tpu.memory_space<vmem>>
    %dma_wait3A_140 = arith.constant 0 : i32
    %dma_wait3A_141 = tpu.memref_slice %arg7[%dma_wait3A_135, %dma_wait3A_140] : memref<2x80xi32, #tpu.memory_space<vmem>> -> memref<1x80xi32, #tpu.memory_space<vmem>>
    %dma_wait3A_142 = tpu.memref_squeeze %dma_wait3A_141 : memref<1x80xi32, #tpu.memory_space<vmem>> -> memref<80xi32, #tpu.memory_space<vmem>>
    %dma_wait3A_143 = arith.constant 0 : i32
    %dma_wait3A_144 = arith.constant 0 : i32
    %dma_wait3A_145 = tpu.memref_slice %arg11[%dma_wait3A_143, %dma_wait3A_144] : memref<10240x128xf32, #tpu.memory_space<vmem_shared>> -> memref<10240x128xf32, #tpu.memory_space<vmem_shared>>
    tpu.wait_indirect_dma semaphore(%arg14 : memref<!tpu.dma_semaphore, #tpu.memory_space<semaphore_mem>>) src(%dma_wait3A_139 : memref<80x128xf32, #tpu.memory_space<vmem>>) dst(%dma_wait3A_145 : memref<10240x128xf32, #tpu.memory_space<vmem_shared>>)
    %dma_wait3A_146 = arith.constant 1 : i32
    %dma_wait3A_147 = arith.constant 1 : i32
    %dma_wait3A_148 = arith.constant 0 : i32
    %dma_wait3A_149 = arith.constant 0 : i32
    %dma_wait3A_150 = tpu.memref_slice %arg8[%dma_wait3A_146, %dma_wait3A_148, %dma_wait3A_149] : memref<2x80x128xf32, #tpu.memory_space<vmem>> -> memref<1x80x128xf32, #tpu.memory_space<vmem>>
    %dma_wait3A_151 = tpu.memref_squeeze %dma_wait3A_150 : memref<1x80x128xf32, #tpu.memory_space<vmem>> -> memref<80x128xf32, #tpu.memory_space<vmem>>
    %dma_wait3A_152 = arith.constant 0 : i32
    %dma_wait3A_153 = tpu.memref_slice %arg7[%dma_wait3A_147, %dma_wait3A_152] : memref<2x80xi32, #tpu.memory_space<vmem>> -> memref<1x80xi32, #tpu.memory_space<vmem>>
    %dma_wait3A_154 = tpu.memref_squeeze %dma_wait3A_153 : memref<1x80xi32, #tpu.memory_space<vmem>> -> memref<80xi32, #tpu.memory_space<vmem>>
    %dma_wait3A_155 = arith.constant 0 : i32
    %dma_wait3A_156 = arith.constant 0 : i32
    %dma_wait3A_157 = tpu.memref_slice %arg11[%dma_wait3A_155, %dma_wait3A_156] : memref<10240x128xf32, #tpu.memory_space<vmem_shared>> -> memref<10240x128xf32, #tpu.memory_space<vmem_shared>>
    tpu.wait_indirect_dma semaphore(%arg15 : memref<!tpu.dma_semaphore, #tpu.memory_space<semaphore_mem>>) src(%dma_wait3A_151 : memref<80x128xf32, #tpu.memory_space<vmem>>) dst(%dma_wait3A_157 : memref<10240x128xf32, #tpu.memory_space<vmem_shared>>)
    %barrier3A_158 = arith.constant 0 : index
    tpu.barrier barrier_id(%barrier3A_158)
    %scan3A_159 = arith.constant 0 : i32
    %scan3A_160 = arith.constant 0 : i32
    %scan3A_161 = arith.constant 8 : i32
    %scan3A_162 = arith.addi %scan3A_160, %scan3A_161 : i32
    %scan3A_163 = arith.constant 1 : i32
    scf.for %scan3A_171 = %scan3A_160 to %scan3A_162 step %scan3A_163  : i32 {
      %mul3A_172 = arith.constant 80 : i32
      %mul3A_173 = arith.muli %scan3A_171, %mul3A_172 : i32
      %add3A_174 = arith.addi %mul3A_7, %mul3A_173 : i32
      %mul3A_175 = arith.constant 80 : i32
      %mul3A_176 = arith.muli %scan3A_171, %mul3A_175 : i32
      %add3A_177 = arith.addi %mul3A_7, %mul3A_176 : i32
      %dma_start3A_178 = arith.constant 0 : i32
      %dma_start3A_179 = tpu.memref_slice %arg5[%arg0, %add3A_177, %dma_start3A_178] : memref<2x10240x128xf32, #tpu.memory_space<hbm>> -> memref<1x80x128xf32, #tpu.memory_space<hbm>>
      %dma_start3A_180 = tpu.memref_squeeze %dma_start3A_179 : memref<1x80x128xf32, #tpu.memory_space<hbm>> -> memref<80x128xf32, #tpu.memory_space<hbm>>
      %dma_start3A_181 = arith.constant 0 : i32
      %dma_start3A_182 = tpu.memref_slice %arg11[%add3A_174, %dma_start3A_181] : memref<10240x128xf32, #tpu.memory_space<vmem_shared>> -> memref<80x128xf32, #tpu.memory_space<vmem_shared>>
      tpu.enqueue_dma source(%dma_start3A_182 : memref<80x128xf32, #tpu.memory_space<vmem_shared>>) target(%dma_start3A_180 : memref<80x128xf32, #tpu.memory_space<hbm>>) target_semaphore(%arg12 : memref<!tpu.dma_semaphore, #tpu.memory_space<semaphore_mem>>)
    }
    %scan3A_164 = arith.constant 8 : i32
    %scan3A_165 = arith.constant 0 : i32
    %scan3A_166 = arith.constant 0 : i32
    %scan3A_167 = arith.constant 8 : i32
    %scan3A_168 = arith.addi %scan3A_166, %scan3A_167 : i32
    %scan3A_169 = arith.constant 1 : i32
    scf.for %scan3A_171 = %scan3A_166 to %scan3A_168 step %scan3A_169  : i32 {
      %dma_wait3A_172 = arith.constant 0 : i32
      %dma_wait3A_173 = tpu.memref_slice %arg5[%arg0, %mul3A_7, %dma_wait3A_172] : memref<2x10240x128xf32, #tpu.memory_space<hbm>> -> memref<1x80x128xf32, #tpu.memory_space<hbm>>
      %dma_wait3A_174 = tpu.memref_squeeze %dma_wait3A_173 : memref<1x80x128xf32, #tpu.memory_space<hbm>> -> memref<80x128xf32, #tpu.memory_space<hbm>>
      %dma_wait3A_175 = arith.constant 0 : i32
      %dma_wait3A_176 = tpu.memref_slice %arg11[%mul3A_7, %dma_wait3A_175] : memref<10240x128xf32, #tpu.memory_space<vmem_shared>> -> memref<80x128xf32, #tpu.memory_space<vmem_shared>>
      tpu.wait_dma2 semaphore(%arg12 : memref<!tpu.dma_semaphore, #tpu.memory_space<semaphore_mem>>) src(%dma_wait3A_176 : memref<80x128xf32, #tpu.memory_space<vmem_shared>>) dst(%dma_wait3A_174 : memref<80x128xf32, #tpu.memory_space<hbm>>)
    }
    %scan3A_170 = arith.constant 8 : i32
    return
  }
}

module attributes {stable_mosaic.version = 14 : i64} {
  func.func @_combine_body(%arg0: i32, %arg1: memref<2x2000x128xf32, #tpu.memory_space<vmem>>, %arg2: memref<2000x128xf32, #tpu.memory_space<vmem>>) attributes {dimension_semantics = [#tpu.dimension_semantics<arbitrary>], iteration_bounds = array<i64: 5>, scalar_prefetch = 0 : i64, scratch_operands = 0 : i64, tpu.core_type = #tpu.core_type<tc>, window_params = [{transform_indices = @transform_0, window_bounds = array<i64: 2, 2000, 128>}, {transform_indices = @transform_1, window_bounds = array<i64: 2000, 128>}]} {
    %get3A = arith.constant 0 : index
    %get3A_0 = arith.constant 0 : index
    %get3A_1 = arith.constant 0 : index
    %get3A_2 = vector.load %arg1[%get3A, %get3A_0, %get3A_1] : memref<2x2000x128xf32, #tpu.memory_space<vmem>>, vector<1x2000x128xf32>
    %get3A_3 = vector.shape_cast %get3A_2 : vector<1x2000x128xf32> to vector<2000x128xf32>
    %get3A_4 = arith.constant 1 : index
    %get3A_5 = arith.constant 0 : index
    %get3A_6 = arith.constant 0 : index
    %get3A_7 = vector.load %arg1[%get3A_4, %get3A_5, %get3A_6] : memref<2x2000x128xf32, #tpu.memory_space<vmem>>, vector<1x2000x128xf32>
    %get3A_8 = vector.shape_cast %get3A_7 : vector<1x2000x128xf32> to vector<2000x128xf32>
    %add3A = arith.addf %get3A_3, %get3A_8 : vector<2000x128xf32>
    %swap3A = arith.constant 0 : index
    %swap3A_9 = arith.constant 0 : index
    %swap3A_10 = vector.load %arg2[%swap3A, %swap3A_9] : memref<2000x128xf32, #tpu.memory_space<vmem>>, vector<2000x128xf32>
    tpu.vector_store %arg2[%swap3A, %swap3A_9], %add3A {strides = array<i32>} : memref<2000x128xf32, #tpu.memory_space<vmem>>, vector<2000x128xf32>,
    return
  }
  func.func @transform_0(%arg0: i32) -> (i32, i32, i32) {
    %c0_i32 = arith.constant 0 : i32
    %c0_i32_0 = arith.constant 0 : i32
    %c0_i32_1 = arith.constant 0 : i32
    return %c0_i32, %arg0, %c0_i32_0 : i32, i32, i32
  }
  func.func @transform_1(%arg0: i32) -> (i32, i32) {
    %c0_i32 = arith.constant 0 : i32
    %c0_i32_0 = arith.constant 0 : i32
    return %arg0, %c0_i32 : i32, i32
  }
}

module attributes {stable_mosaic.version = 14 : i64} {
  func.func @_mlp_body(%arg0: i32, %arg1: memref<8x12800xf32, #tpu.memory_space<vmem>>, %arg2: memref<8x64xf32, #tpu.memory_space<vmem>>, %arg3: memref<64x128xf32, #tpu.memory_space<vmem>>, %arg4: memref<12800x128xf32, #tpu.memory_space<vmem>>) attributes {dimension_semantics = [#tpu.dimension_semantics<arbitrary>], iteration_bounds = array<i64: 25>, scalar_prefetch = 0 : i64, scratch_operands = 0 : i64, tpu.core_type = #tpu.core_type<tc>, window_params = [{transform_indices = @transform_0, window_bounds = array<i64: 8, 12800>}, {pipeline_mode = #tpu.pipeline_mode<synchronous>, transform_indices = @transform_1, window_bounds = array<i64: 8, 64>}, {pipeline_mode = #tpu.pipeline_mode<synchronous>, transform_indices = @transform_2, window_bounds = array<i64: 64, 128>}, {transform_indices = @transform_3, window_bounds = array<i64: 12800, 128>}]} {
    %get3A = arith.constant 0 : index
    %get3A_0 = arith.constant 0 : index
    %get3A_1 = vector.load %arg1[%get3A, %get3A_0] : memref<8x12800xf32, #tpu.memory_space<vmem>>, vector<8x12800xf32>
    %get3A_2 = arith.constant 0 : index
    %get3A_3 = arith.constant 0 : index
    %get3A_4 = vector.load %arg2[%get3A_2, %get3A_3] : memref<8x64xf32, #tpu.memory_space<vmem>>, vector<8x64xf32>
    %dot_general3A = arith.constant dense<0.000000e+00> : vector<12800x64xf32>
    %dot_general3A_5 = tpu.matmul %get3A_1, %get3A_4, %dot_general3A {dimension_numbers = #tpu.dot_dimension_numbers<[0], [0], [1], [1], [0, 1, 1, 1], [], []>, transpose_lhs_hint = false} : vector<8x12800xf32>, vector<8x64xf32>, vector<12800x64xf32> -> vector<12800x64xf32>
    %mul3A = arith.constant 1.44269502 : f32
    %mul3A_6 = vector.broadcast %mul3A : f32 to vector<12800x64xf32>
    %mul3A_7 = arith.mulf %dot_general3A_5, %mul3A_6 : vector<12800x64xf32>
    %max3A = arith.constant 0.000000e+00 : f32
    %max3A_8 = vector.broadcast %max3A : f32 to vector<12800x64xf32>
    %max3A_9 = arith.maximumf %mul3A_7, %max3A_8 : vector<12800x64xf32>
    %abs3A = math.absf %mul3A_7 : vector<12800x64xf32>
    %neg3A = arith.constant 0.000000e+00 : f32
    %neg3A_10 = vector.broadcast %neg3A : f32 to vector<12800x64xf32>
    %neg3A_11 = arith.subf %neg3A_10, %abs3A : vector<12800x64xf32>
    %exp23A = math.exp2 %neg3A_11 : vector<12800x64xf32>
    %add3A = arith.constant 1.000000e+00 : f32
    %add3A_12 = vector.broadcast %add3A : f32 to vector<12800x64xf32>
    %add3A_13 = arith.addf %add3A_12, %exp23A : vector<12800x64xf32>
    %log3A = math.log %add3A_13 : vector<12800x64xf32>
    %log3A_14 = arith.constant 2.000000e+00 : f32
    %log3A_15 = math.log %log3A_14 : f32
    %div3A = vector.broadcast %log3A_15 : f32 to vector<12800x64xf32>
    %div3A_16 = arith.divf %log3A, %div3A : vector<12800x64xf32>
    %add3A_17 = arith.addf %max3A_9, %div3A_16 : vector<12800x64xf32>
    %sub3A = arith.constant 1.000000e+00 : f32
    %sub3A_18 = vector.broadcast %sub3A : f32 to vector<12800x64xf32>
    %sub3A_19 = arith.subf %add3A_17, %sub3A_18 : vector<12800x64xf32>
    %mul3A_20 = arith.constant 1.29861176 : f32
    %mul3A_21 = vector.broadcast %mul3A_20 : f32 to vector<12800x64xf32>
    %mul3A_22 = arith.mulf %sub3A_19, %mul3A_21 : vector<12800x64xf32>
    %get3A_23 = arith.constant 0 : index
    %get3A_24 = arith.constant 0 : index
    %get3A_25 = vector.load %arg3[%get3A_23, %get3A_24] : memref<64x128xf32, #tpu.memory_space<vmem>>, vector<64x128xf32>
    %dot_general3A_26 = arith.constant dense<0.000000e+00> : vector<12800x128xf32>
    %dot_general3A_27 = tpu.matmul %mul3A_22, %get3A_25, %dot_general3A_26 {dimension_numbers = #tpu.dot_dimension_numbers<[1], [0], [0], [1], [0, 0, 1, 1], [], []>, transpose_lhs_hint = false} : vector<12800x64xf32>, vector<64x128xf32>, vector<12800x128xf32> -> vector<12800x128xf32>
    %swap3A = arith.constant 0 : index
    %swap3A_28 = arith.constant 0 : index
    %swap3A_29 = vector.load %arg4[%swap3A, %swap3A_28] : memref<12800x128xf32, #tpu.memory_space<vmem>>, vector<12800x128xf32>
    tpu.vector_store %arg4[%swap3A, %swap3A_28], %dot_general3A_27 {strides = array<i32>} : memref<12800x128xf32, #tpu.memory_space<vmem>>, vector<12800x128xf32>,
    return
  }
  func.func @transform_0(%arg0: i32) -> (i32, i32) {
    %c0_i32 = arith.constant 0 : i32
    %c0_i32_0 = arith.constant 0 : i32
    return %c0_i32, %arg0 : i32, i32
  }
  func.func @transform_1(%arg0: i32) -> (i32, i32) {
    %c0_i32 = arith.constant 0 : i32
    %c0_i32_0 = arith.constant 0 : i32
    %c0_i32_1 = arith.constant 0 : i32
    return %c0_i32, %c0_i32_0 : i32, i32
  }
  func.func @transform_2(%arg0: i32) -> (i32, i32) {
    %c0_i32 = arith.constant 0 : i32
    %c0_i32_0 = arith.constant 0 : i32
    %c0_i32_1 = arith.constant 0 : i32
    return %c0_i32, %c0_i32_0 : i32, i32
  }
  func.func @transform_3(%arg0: i32) -> (i32, i32) {
    %c0_i32 = arith.constant 0 : i32
    %c0_i32_0 = arith.constant 0 : i32
    return %arg0, %c0_i32 : i32, i32
  }
}

</mosaic_0001>

<sc_bundles>
// kernel: kernel.5.cloned.1.call-start
scs
__scs_entry_jumppad:
0x0: {  	(pc) =	sbr.rel $0x88, $3  }
0x1: {  	(tag) =	ssettag $0x0;
	lr =	simm.s32 $0x1  }
0x2: {  	[smem:$0x3F9B] =	sst lr;
	_ =	strace $0xD0000000  }
0x3: {  	_ = 	snop  }
0x4: {  	_ = 	snop  }
0x5: {  	_ = 	snop  }
0x6: {  	_ = 	snop  }
0x7: {  	_ = 	snop  }
__scs_overlays_trampoline_lowered:
0x8: {  	[smem:$0x3FAA] =	sst s0  }
0x9: {  	[smem:$0x3FAB] =	sst s1  }
0xa: {  	[smem:$0x3FAC] =	sst s2  }
0xb: {  	[smem:$0x3FAD] =	sst s3  }
0xc: {  	[smem:$0x3FAE] =	sst s4  }
0xd: {  	[smem:$0x3FAF] =	sst s5  }
0xe: {  	[smem:$0x3FB0] =	sst s6  }
0xf: {  	[smem:$0x3FB1] =	sst s7  }
0x10: {  	[smem:$0x3FB2] =	sst s8  }
0x11: {  	[smem:$0x3FB3] =	sst s9;
	s0 =	simm.s32 @!p0 $0x0  }
0x12: {  	s1 =	sld [smem:$0x3F99];
	s0 =	simm.s32 @p0 $0x1  }
0x13: {  	[smem:$0x3FB4] =	sst s0;
	s0 =	simm.s32 @!p1 $0x0  }
0x14: {  	s2 =	sld [smem:$0x3F98];
	s0 =	simm.s32 @p1 $0x1  }
0x15: {  	[smem:$0x3FB5] =	sst s0;
	s0 =	simm.s32 @!p2 $0x0  }
0x16: {  	s3 =	sld [smem:$0x3FDB];
	s0 =	simm.s32 @p2 $0x1  }
0x17: {  	s4 =	simm.s32 $0x1BF5;
	[smem:$0x3FB7] =	sst s0  }
0x18: {  	s0 =	sld [smem:$0x3F9A];
	_ =	swait.ge [sflag:s4], $0x0  }
0x19: {  	s7 =	sld [smem:$0x3F9B]  }
0x1a: {  	s8 =	sadd.s32 $0xFFFFE003, lr  }
0x1b: {  	s9 =	sadd.s32 $0xFFFFFEF7, lr;
	s5 =	simm.s32 $0xFFFFFFFF;
	p2 =	slt.u32 s8, $0xFFFFF086  }
0x1c: {  	p1 =	slt.u32 s9, $0xF7A;
	s5 =	simm.s32 @!p2 $0x0  }
0x1d: {  	s5 =	simm.s32 @p1 $0x1;
	p0 =	seq.s32 s7, s2  }
0x1e: {  	s7 =	smul.u32 @!p0 $0xF7A, s2;
	p2 =	seq.s32 @!p0 s5, $0x0  }
0x1f: {  	s9 =	smul.u32 $0xF7A, s1;
	s8 =	simm.s32 @!p0 $0x1BF5;
	p2 =	por !p2, p0  }
0x20: {  	[sflag:s8] =	ssyncset.s32 @!p0 $0xFFFFF086;
	s6 =	sadd.s32 @!p0 s3, s7;
	s7 =	simm.s32 @!p0 $0x108  }
0x21: {  	s3 =	sadd.s32 s3, s9;
	s6 =	sadd.s32 @!p0 $0x88, s6;
	s7 =	simm.s32 @p2 $0x1082  }
0x22: {  	[simem:s7], [sflag:s8] =	dma.local @!p0 [hbm:s6], $0xF7A  }
0x23: {  	s9 =	sor.u32 $0xD0000000, s2;
	s6 =	simm.s32 $0x108;
	_ =	swait.ge @!p0 [sflag:s8], $0x0  }
0x24: {  	s3 =	sadd.s32 $0x88, s3;
	s6 =	simm.s32 @!p1 $0x1082;
	[sflag:s4] =	ssyncset.s32 $0xFFFFF086  }
0x25: {  	[simem:s6], [sflag:s4] =	dma.local [hbm:s3], $0xF7A  }
0x26: {  	[smem:$0x3F9B] =	sst s1;
	(tag) =	ssettag s2;
	_ =	strace s9  }
0x27: {  	s1 =	sld [smem:$0x3FAB]  }
0x28: {  	s2 =	sld [smem:$0x3FAC]  }
0x29: {  	s4 =	sld [smem:$0x3FAE]  }
0x2a: {  	p0 =	seq.s32 s5, $0x0;
	s5 =	sld [smem:$0x3FAF]  }
0x2b: {  	s6 =	sld [smem:$0x3FB0]  }
0x2c: {  	s7 =	sld [smem:$0x3FB1]  }
0x2d: {  	s3 =	simm.s32 $0x108;
	s8 =	sld [smem:$0x3FB2]  }
0x2e: {  	s3 =	simm.s32 @!p0 $0x1082;
	s9 =	sld [smem:$0x3FB3]  }
0x2f: {  	lr =	sadd.s32 s0, s3;
	s0 =	sld [smem:$0x3FAA]  }
0x30: {  	s3 =	sld [smem:$0x3FAD]  }
0x31: {  	[smem:$0x3FB6] =	sst s10  }
0x32: {  	s10 =	sld [smem:$0x3FB4];
	_ =	sdelay $0x3  }
0x33: {  	p0 =	seq.s32 s10, $0x1;
	s10 =	sld [smem:$0x3FB6];
	_ =	sdelay $0x3  }
0x34: {  	[smem:$0x3FB6] =	sst s10  }
0x35: {  	s10 =	sld [smem:$0x3FB5];
	_ =	sdelay $0x3  }
0x36: {  	p1 =	seq.s32 s10, $0x1;
	s10 =	sld [smem:$0x3FB6];
	_ =	sdelay $0x3  }
0x37: {  	[smem:$0x3FB6] =	sst s10  }
0x38: {  	s10 =	sld [smem:$0x3FB7]  }
0x39: {  	_ = 	snop;
	(pc) =	sbr.ind lr, $3  }
0x3a: {  	_ = 	snop  }
0x3b: {  	_ = 	snop  }
0x3c: {  	p2 =	seq.s32 s10, $0x1;
	s10 =	sld [smem:$0x3FB6]  }
0x3d: {  	_ =	shalt  }
0x3e: {  	_ =	shalt  }
0x3f: {  	_ =	shalt  }
0x40: {  	_ =	shalt  }
0x41: {  	_ =	shalt  }
0x42: {  	_ =	shalt  }
0x43: {  	_ =	shalt  }
0x44: {  	_ =	shalt  }
0x45: {  	_ =	shalt  }
0x46: {  	_ =	shalt  }
0x47: {  	_ =	shalt  }
0x48: {  	_ =	shalt  }
0x49: {  	_ =	shalt  }
0x4a: {  	_ =	shalt  }
0x4b: {  	_ =	shalt  }
0x4c: {  	_ =	shalt  }
0x4d: {  	_ =	shalt  }
0x4e: {  	_ =	shalt  }
0x4f: {  	_ =	shalt  }
0x50: {  	_ =	shalt  }
0x51: {  	_ =	shalt  }
0x52: {  	_ =	shalt  }
0x53: {  	_ =	shalt  }
0x54: {  	_ =	shalt  }
0x55: {  	_ =	shalt  }
0x56: {  	_ =	shalt  }
0x57: {  	_ =	shalt  }
0x58: {  	_ =	shalt  }
0x59: {  	_ =	shalt  }
0x5a: {  	_ =	shalt  }
0x5b: {  	_ =	shalt  }
0x5c: {  	_ =	shalt  }
0x5d: {  	_ =	shalt  }
0x5e: {  	_ =	shalt  }
0x5f: {  	_ =	shalt  }
0x60: {  	_ =	shalt  }
0x61: {  	_ =	shalt  }
0x62: {  	_ =	shalt  }
0x63: {  	_ =	shalt  }
0x64: {  	_ =	shalt  }
0x65: {  	_ =	shalt  }
0x66: {  	_ =	shalt  }
0x67: {  	_ =	shalt  }
0x68: {  	_ =	shalt  }
0x69: {  	_ =	shalt  }
0x6a: {  	_ =	shalt  }
0x6b: {  	_ =	shalt  }
0x6c: {  	_ =	shalt  }
0x6d: {  	_ =	shalt  }
0x6e: {  	_ =	shalt  }
0x6f: {  	_ =	shalt  }
0x70: {  	_ =	shalt  }
0x71: {  	_ =	shalt  }
0x72: {  	_ =	shalt  }
0x73: {  	_ =	shalt  }
0x74: {  	_ =	shalt  }
0x75: {  	_ =	shalt  }
0x76: {  	_ =	shalt  }
0x77: {  	_ =	shalt  }
0x78: {  	_ =	shalt  }
0x79: {  	_ =	shalt  }
0x7a: {  	_ =	shalt  }
0x7b: {  	_ =	shalt  }
0x7c: {  	_ =	shalt  }
0x7d: {  	_ =	shalt  }
0x7e: {  	_ =	shalt  }
0x7f: {  	_ =	shalt  }
0x80: {  	_ =	shalt  }
0x81: {  	_ =	shalt  }
0x82: {  	_ =	shalt  }
0x83: {  	_ =	shalt  }
0x84: {  	_ =	shalt  }
0x85: {  	_ =	shalt  }
0x86: {  	_ =	shalt  }
0x87: {  	_ =	shalt  }
.Lfunc_end0:
.L_simem_size_0:
called_computation_lowered:
.L_overlay_start_0:
0x88: {  	s2 =	sld [smem:$0x3FD9]  }
0x89: {  	s3 =	sld [smem:$0x3FFE];
	_ =	sdelay $0x1  }
0x8a: {  	s1 =	srdreg.scid  }
0x8b: {  	s0 =	sand.u32 $0x1, s1  }
0x8c: {  	s17 =	sshll.u32 s0, $0xA;
	s2 =	sadd.s32 s3, s2  }
0x8d: {  	s2 =	sadd.s32 s2, s17  }
0x8e: {  	[smem:$0x3FC2] =	sst s2  }
0x8f: {  	_ = 	snop  }
0x90: {  	s2 =	sld [smem:$0x3FC9]  }
0x91: {  	s18 =	sld [smem:$0x3FD0];
	(tm) =	ssettm $0x1  }
0x92: {  	s4 =	sld [smem:$0x3FFB];
	_ =	sdelay $0x3  }
0x93: {  	_ =	strace s4  }
0x94: {  	s4 =	sld [smem:$0x3FFC];
	_ =	sdelay $0x3  }
0x95: {  	_ =	strace s4  }
0x96: {  	s4 =	sld [smem:$0x3FFD];
	_ =	sdelay $0x3  }
0x97: {  	_ =	strace s4  }
0x98: {  	_ =	strace $0x8FFFFFFF  }
0x99: {  	s19 =	sld [smem:$0x3FDB];
	_ =	sdelay $0x1  }
0x9a: {  	s5 =	simm.s32 $_scs_section_size  }
0x9b: {  	s6 =	simm.s32 $_size__tile_overlayer_lowered;
	s7 =	simm.s32 $_tile_overlayer_lowered  }
0x9c: {  	s22 =	simm.s32 $0x1BFF;
	s21 =	sshll.u32 s7, $0x1;
	s4 =	sadd.s32 s5, s19  }
0x9d: {  	s8 =	simm.s32 $0x0;
	s20 =	sshll.u32 s6, $0x1;
	s6 =	sadd.s32 s21, s4  }
0x9e: {  	[timem:s8], [sflag:s22] =	dma.local [hbm:s6], s20  }
0x9f: {  	_ =	swait.ge [sflag:s22], s20  }
0xa0: {  	s5 =	ssub.s32 $0x0, s20;
	[sflag:s22] =	ssyncset.done $0x0  }
0xa1: {  	[sflag:s22] =	ssyncadd.s32 s5;
	_ =	sdelay $0x1  }
0xa2: {  	s23 =	simm.s32 $0x1B8B  }
0xa3: {  	_ =	swait.ge [sflag:s23], $0x1  }
0xa4: {  	[sflag:s23] =	ssyncset.done $0x0  }
0xa5: {  	s25 =	simm.s32 $0x1B8E;
	s24 =	sld [smem:$0x3FFE];
	[sflag:s23] =	ssyncadd.s32 $0xFFFFFFFF  }
0xa6: {  	s26 =	simm.s32 $execute0_lowered;
	[smem:$0x3FD2] =	sst s25  }
0xa7: {  	s6 =	sshll.u32 s26, $0x1;
	_ =	strace $0x80000046;
	[dreg:$0x1] =	wrdreg $0xFFFFFFFF  }
0xa8: {  	s28 =	simm.s32 $_size_execute0_lowered;
	s4 =	sadd.s32 s4, s6;
	[dreg:$0x0] =	wrdreg $0x0  }
0xa9: {  	s6 =	sshll.u32 s28, $0x1;
	[dreg:$0x2] =	wrdreg s4  }
0xaa: {  	[dreg:$0x3] =	wrdreg s6  }
0xab: {  	[dreg:$0x4] =	wrdreg $0xC0  }
0xac: {  	_ =	task [dreg:s8], $0x5FFFF  }
0xad: {  	[dreg:$0x1] =	wrdreg $0xFFFFFFFF  }
0xae: {  	[dreg:$0x0] =	wrdreg $0x60  }
0xaf: {  	[dreg:$0x2] =	wrdreg s2  }
0xb0: {  	[dreg:$0x3] =	wrdreg s24  }
0xb1: {  	[dreg:$0x4] =	wrdreg s18  }
0xb2: {  	[dreg:$0x5] =	wrdreg $0xA2000  }
0xb3: {  	[dreg:$0x6] =	wrdreg $0x9  }
0xb4: {  	_ =	task.clear_ibuf [dreg:s8], $0x7FFFF;
	_ =	strace $0x90000046  }
0xb5: {  	s29 =	simm.s32 $0x9;
	_ =	strace $0x80000048  }
0xb6: {  	_ =	swait.ge [sflag:s29], $0x1  }
0xb7: {  	[sflag:s29] =	ssyncadd.s32 $0xFFFFFFFF  }
0xb8: {  	_ =	strace $0x90000048  }
0xb9: {  	_ =	sfence  }
0xba: {  	s30 =	sld [smem:$0x0];
	_ =	sdelay $0x2  }
0xbb: {  	s31 =	sshll.u32 s1, $0xD;
	s1 =	sshrl.u32 s1, $0x2  }
0xbc: {  	s3 =	sand.u32 $0x4000, s31;
	s1 =	sadd.s32 s1, s30  }
0xbd: {  	s0 =	sor.u32 s3, s0;
	s1 =	sshll.u32 s1, $0x11  }
0xbe: {  	s0 =	sor.u32 s1, s0  }
0xbf: {  	s0 =	sadd.s32 $0x8F2B, s0  }
0xc0: {  	[sflag:s0] =	ssyncadd.remote.s32 $0x1  }
0xc1: {  	_ =	sfence.sel $0xFFFF  }
0xc2: {  	[dreg:$0x0] =	wrdreg $0xFFFFFFFF;
	(pc) =	sbr.abs _section_cstart, $3  }
0xc3: {  	[dreg:$0x1] =	wrdreg $0xFFFFFFFF  }
0xc4: {  	_ =	task.clear_ibuf [dreg:s8], $0x2FFFF;
	_ =	strace $0x9FFFFFFF  }
0xc5: {  	(tm) =	ssettm $0x7FFFFFFF  }
tec
execute0_lowered:
.L_overlay_start_1:
0x0: {  	(tag) =	ssettag $0x1  }
0x1: {  	s1 =	rddreg [dreg:$0x0]  }
0x2: {  	s0 =	rddreg [dreg:$0x1]  }
0x3: {  	s3 =	rddreg [dreg:$0x2];
	s2 =	srdreg.scid  }
0x4: {  	s20 =	stileid.u32;
	s4 =	rddreg [dreg:$0x3];
	s30 =	simm.s32 $0x3  }
0x5: {  	s2 =	sand.u32 $0x1, s2;
	s5 =	sshll.u32 s20, $0x1;
	s10 =	smul.u32 $0x14000, s20  }
0x6: {  	s7 =	sor.u32 s2, s5;
	s8 =	ssub.s32 $0x2, s2;
	s2 =	smul.u32 $0x140000, s2  }
0x7: {  	s11 =	sadd.s32 $0x4E2A00, s0;
	s5 =	simm.s32 $0x0;
	s6 =	smul.u32 $0x2710, s7  }
0x8: {  	[smem:$0x7FF] =	sst s5;
	s9 =	sshrl.u32 s8, $0x1;
	s12 =	sadd.s32 $0x5000, s10  }
0x9: {  	s13 =	sadd.s32 $0x7800, s10;
	s14 =	sadd.s32 $0xA000, s10;
	s17 =	sadd.s32 $0xC800, s10  }
0xa: {  	s18 =	sadd.s32 $0xF000, s10;
	s8 =	ssub.s32 s8, s9;
	s9 =	sor.u32 $0x2800, s10  }
0xb: {  	s15 =	sadd.s32 s2, s10;
	s10 =	sadd.s32 $0x11800, s10;
	s21 =	sadd.s32 s2, s12  }
0xc: {  	s22 =	sadd.s32 s2, s13;
	s25 =	sadd.s32 s2, s17;
	s26 =	sadd.s32 s2, s18  }
0xd: {  	s29 =	sadd.s32 s12, s4;
	s12 =	simm.s32 $0x5200;
	s15 =	sshrl.u32 s15, $0x3  }
0xe: {  	s16 =	sadd.s32 s2, s9;
	s28 =	sadd.s32 s9, s4;
	s31 =	sadd.s32 $0x50, s6  }
0xf: {  	s9 =	simm.s32 $0x80;
	s15 =	sadd.s32 s11, s15;
	s19 =	sshrl.u32 s16, $0x3  }
0x10: {  	s16 =	sshrl.u32 s22, $0x3;
	s22 =	smul.u32 $0x50000, s20;
	s20 =	sadd.s32 s13, s4  }
0x11: {  	s13 =	simm.s32 $0x6;
	[dreg:$0x5] =	wrdreg s15;
	s15 =	sadd.s32 s11, s19  }
0x12: {  	s19 =	sadd.s32 s2, s14;
	s23 =	sadd.s32 s11, s16;
	s16 =	sshrl.u32 s26, $0x3  }
0x13: {  	s2 =	sadd.s32 s2, s10;
	[dreg:$0x6] =	wrdreg s15;
	s15 =	sshrl.u32 s21, $0x3  }
0x14: {  	[dreg:$0x8] =	wrdreg s23;
	s24 =	sshrl.u32 s19, $0x3;
	s16 =	sadd.s32 s11, s16  }
0x15: {  	s2 =	sshrl.u32 s2, $0x3;
	s15 =	sadd.s32 s11, s15;
	[dreg:$0xb] =	wrdreg s16  }
0x16: {  	s19 =	smul.u32 $0x27100, s7;
	[dreg:$0x7] =	wrdreg s15;
	s15 =	sadd.s32 s11, s24  }
0x17: {  	s2 =	sadd.s32 s11, s2;
	[dreg:$0x9] =	wrdreg s15;
	s15 =	sshrl.u32 s25, $0x3  }
0x18: {  	s16 =	sadd.s32 $0xA00, s0;
	[dreg:$0xc] =	wrdreg s2;
	s15 =	sadd.s32 s11, s15  }
0x19: {  	s7 =	simm.s32 $0x1;
	s2 =	sadd.s32 s16, s19;
	[dreg:$0xa] =	wrdreg s15  }
0x1a: {  	s19 =	smax.u32 s8, $0x1;
	_ =	strace $0x80000047;
	[dreg:$0xf] =	wrdreg s2  }
0x1b: {  	s0 =	simm.s32 $0x200;
	s24 =	sshrl.u32 s6, $0x3;
	[dreg:$0x10] =	wrdreg s19  }
0x1c: {  	s11 =	sshrl.u32 s22, $0x2;
	s22 =	sadd.s32 s17, s4;
	[dreg:$0x14] =	wrdreg s20  }
0x1d: {  	s25 =	sadd.s32 s3, s24;
	s24 =	sadd.s32 s10, s4;
	[dreg:$0x16] =	wrdreg s22  }
0x1e: {  	s8 =	simm.s32 $0x2;
	s10 =	simm.s32 $0x100;
	[dreg:$0x18] =	wrdreg s24  }
0x1f: {  	s17 =	simm.s32 $0x7A00;
	s26 =	sadd.s32 s11, s4;
	[dreg:$0xe] =	wrdreg s25  }
0x20: {  	s15 =	sadd.s32 $0x4E200, s6;
	s11 =	simm.s32 $0x50;
	[dreg:$0x11] =	wrdreg s26  }
0x21: {  	s21 =	sshrl.u32 s15, $0x3;
	s25 =	sadd.s32 $0x9C4A, s25;
	[dreg:$0x12] =	wrdreg s28  }
0x22: {  	s2 =	sadd.s32 $0x4E2F0, s6;
	s19 =	simm.s32 $0x180;
	[dreg:$0x13] =	wrdreg s29  }
0x23: {  	s20 =	simm.s32 $0x7;
	s23 =	sadd.s32 s3, s21;
	[dreg:$0x19] =	wrdreg s25  }
0x24: {  	s22 =	simm.s32 $0x0;
	s21 =	sadd.s32 s14, s4;
	[dreg:$0xd] =	wrdreg s23  }
0x25: {  	s14 =	simm.s32 $0x2A00;
	[dreg:$0x15] =	wrdreg s21;
	s23 =	sadd.s32 s18, s4  }
0x26: {  	v0 =	vimm.f32 $0.0e+00;
	s18 =	simm.s32 $0x5;
	s21 =	simm.s32 $0x8;
	[dreg:$0x17] =	wrdreg s23  }
.LBB2_1:
0x27: {  	s23 =	simm.s32 $0x0;
	s24 =	simm.s32 $0x200  }
.LBB2_2:
0x28: {  	p0 =	sne.s32 s24, $0x9E00;
	[tilespmem:s23+$0x270] =	vst v0  }
0x29: {  	[tilespmem:s23+$0x200] =	vst v0  }
0x2a: {  	[tilespmem:s23+$0x210] =	vst v0  }
.Ltmp0:
0x2b: {  	[tilespmem:s23+$0x220] =	vst v0;
	(pc) =	sbr.rel @p0 .LBB2_2-.Ltmp0, $4  }
0x2c: {  	[tilespmem:s23+$0x230] =	vst v0  }
0x2d: {  	[tilespmem:s23+$0x240] =	vst v0  }
0x2e: {  	[tilespmem:s23+$0x250] =	vst v0  }
0x2f: {  	[tilespmem:s23+$0x260] =	vst v0;
	s23 =	sshra.s32 s24, $0x2;
	s24 =	sadd.s32 $0x200, s24  }
0x30: {  	[tilespmem:s23+$0x270] =	vst v0  }
0x31: {  	[tilespmem:s23+$0x200] =	vst v0  }
0x32: {  	[tilespmem:s23+$0x210] =	vst v0  }
0x33: {  	[tilespmem:s23+$0x220] =	vst v0  }
0x34: {  	[tilespmem:s23+$0x230] =	vst v0  }
0x35: {  	[tilespmem:s23+$0x240] =	vst v0  }
0x36: {  	[tilespmem:s23+$0x250] =	vst v0  }
0x37: {  	[tilespmem:s23+$0x260] =	vst v0  }
0x38: {  	[spmem:s26] =	stream.linear.scatter [tilespmem:s0], [sflag:$0x1], $0x2800, $0x38;
	[tilespmem:$0x1E200] =	vst v63  }
0x39: {  	_ = 	snop  }
0x3a: {  	[spmem:s28] =	stream.linear.scatter [tilespmem:s0], [sflag:$0x1], $0x2800, $0x38;
	[tilespmem:$0x1E200] =	vst v63  }
0x3b: {  	_ = 	snop  }
0x3c: {  	[spmem:s29] =	stream.linear.scatter [tilespmem:s0], [sflag:$0x1], $0x2800, $0x38;
	[tilespmem:$0x1E200] =	vst v63  }
0x3d: {  	s25 =	rddreg [dreg:$0x14]  }
0x3e: {  	[spmem:s25] =	stream.linear.scatter [tilespmem:s0], [sflag:$0x1], $0x2800, $0x38;
	[tilespmem:$0x1E200] =	vst v63  }
0x3f: {  	s26 =	rddreg [dreg:$0x15]  }
0x40: {  	[spmem:s26] =	stream.linear.scatter [tilespmem:s0], [sflag:$0x1], $0x2800, $0x38;
	[tilespmem:$0x1E200] =	vst v63  }
0x41: {  	s28 =	rddreg [dreg:$0x16]  }
0x42: {  	[spmem:s28] =	stream.linear.scatter [tilespmem:s0], [sflag:$0x1], $0x2800, $0x38;
	[tilespmem:$0x1E200] =	vst v63  }
0x43: {  	s29 =	rddreg [dreg:$0x17]  }
0x44: {  	[spmem:s29] =	stream.linear.scatter [tilespmem:s0], [sflag:$0x1], $0x2800, $0x38;
	[tilespmem:$0x1E200] =	vst v63  }
0x45: {  	s24 =	rddreg [dreg:$0x18]  }
0x46: {  	[spmem:s24] =	stream.linear.scatter [tilespmem:s0], [sflag:$0x1], $0x2800, $0x38;
	[tilespmem:$0x1E200] =	vst v63  }
0x47: {  	_ =	swait.ge [sflag:s7], $0x2800  }
0x48: {  	[sflag:s7] =	ssyncset.done $0x0  }
0x49: {  	[sflag:s7] =	ssyncadd.s32 $0xFFFFD800  }
0x4a: {  	_ =	swait.ge [sflag:s7], $0x2800  }
0x4b: {  	[sflag:s7] =	ssyncset.done $0x0  }
0x4c: {  	[sflag:s7] =	ssyncadd.s32 $0xFFFFD800  }
0x4d: {  	_ =	swait.ge [sflag:s7], $0x2800  }
0x4e: {  	[sflag:s7] =	ssyncset.done $0x0  }
0x4f: {  	[sflag:s7] =	ssyncadd.s32 $0xFFFFD800  }
0x50: {  	_ =	swait.ge [sflag:s7], $0x2800  }
0x51: {  	[sflag:s7] =	ssyncset.done $0x0  }
0x52: {  	[sflag:s7] =	ssyncadd.s32 $0xFFFFD800  }
0x53: {  	_ =	swait.ge [sflag:s7], $0x2800  }
0x54: {  	[sflag:s7] =	ssyncset.done $0x0  }
0x55: {  	[sflag:s7] =	ssyncadd.s32 $0xFFFFD800  }
0x56: {  	_ =	swait.ge [sflag:s7], $0x2800  }
0x57: {  	[sflag:s7] =	ssyncset.done $0x0  }
0x58: {  	[sflag:s7] =	ssyncadd.s32 $0xFFFFD800  }
0x59: {  	_ =	swait.ge [sflag:s7], $0x2800  }
0x5a: {  	[sflag:s7] =	ssyncset.done $0x0  }
0x5b: {  	[sflag:s7] =	ssyncadd.s32 $0xFFFFD800  }
0x5c: {  	_ =	swait.ge [sflag:s7], $0x2800  }
0x5d: {  	[sflag:s7] =	ssyncset.done $0x0  }
0x5e: {  	[sflag:s7] =	ssyncadd.s32 $0xFFFFD800  }
0x5f: {  	[bflag:$0x0] =	sbarrier.arrive $0xFFFF  }
0x60: {  	s23 =	simm.s32 $0x0;
	s25 =	simm.s32 $0x9;
	s24 =	rddreg [dreg:$0xd]  }
0x61: {  	[tilespmem:s23], [sflag:$0x9] =	stream.linear.gather [hbm4b:s24+s23], $0x50, $0x38;
	[tilespmem:$0x1E200] =	vst v63  }
0x62: {  	_ =	swait.ge [sflag:s25], $0x50  }
0x63: {  	[sflag:s25] =	ssyncset.done $0x0  }
0x64: {  	s26 =	rddreg [dreg:$0x19];
	[sflag:s25] =	ssyncadd.s32 $0xFFFFFFB0  }
0x65: {  	[tilespmem:s9], [sflag:$0x6] =	stream.linear.gather [hbm4b:s26+s23], $0x50, $0x38;
	[tilespmem:$0x1E200] =	vst v63  }
0x66: {  	s28 =	rddreg [dreg:$0xe]  }
0x67: {  	[tilespmem:s10], [sflag:$0x7] =	stream.linear.gather [hbm4b:s28+s23], $0x50, $0x38;
	[tilespmem:$0x1E200] =	vst v63  }
0x68: {  	_ = 	snop  }
0x69: {  	[tilespmem:s0], [sflag:$0x1] =	stream.indirect.gather [hbm4b:s1+s11], $0x80, s23, s11, $0xb8;
	[tilespmem:$0x1E200] =	vst v63  }
0x6a: {  	s29 =	rddreg [dreg:$0xf]  }
0x6b: {  	[tilespmem:s12], [sflag:$0x1] =	stream.linear.gather [hbm4b:s29+s23], $0x2800, $0x38;
	[tilespmem:$0x1E200] =	vst v63  }
.LBB2_4:
0x6c: {  	p0 =	seq.s32 s23, $0x0  }
0x6d: {  	s24 =	simm.s32 @!p0 $0x4  }
0x6e: {  	_ =	swait.ge @!p0 [sflag:s24], $0x2800  }
0x6f: {  	[sflag:s24] =	ssyncset.done @!p0 $0x0  }
0x70: {  	[sflag:s24] =	ssyncadd.s32 @!p0 $0xFFFFD800;
	s24 =	smul.u32 $0xA0, s23  }
0x71: {  	_ =	swait.ge [sflag:s13], $0x50  }
0x72: {  	[sflag:s13] =	ssyncset.done $0x0;
	s25 =	sadd.s32 s24, s31  }
0x73: {  	[sflag:s13] =	ssyncadd.s32 $0xFFFFFFB0;
	s26 =	sshll.u32 s25, $0x4  }
0x74: {  	[tilespmem:s14], [sflag:$0x2] =	stream.indirect.gather [hbm4b:s1+s11], $0x80, s9, s11, $0xb8;
	[tilespmem:$0x1E200] =	vst v63  }
0x75: {  	s25 =	sshrl.u32 s25, $0x3;
	s26 =	sadd.s32 s16, s26  }
0x76: {  	[tilespmem:s17], [sflag:$0x2] =	stream.linear.gather [hbm4b:s26+s5], $0x2800, $0x38;
	[tilespmem:$0x1E200] =	vst v63  }
0x77: {  	s25 =	sadd.s32 s3, s25  }
0x78: {  	[tilespmem:s19], [sflag:$0x8] =	stream.linear.gather [hbm4b:s25+s5], $0x50, $0x38;
	[tilespmem:$0x1E200] =	vst v63  }
0x79: {  	_ =	swait.ge [sflag:s7], $0x2800  }
0x7a: {  	[sflag:s7] =	ssyncset.done $0x0  }
0x7b: {  	s25 =	sadd.s32 $0xA0, s24;
	[sflag:s7] =	ssyncadd.s32 $0xFFFFD800  }
0x7c: {  	s29 =	sadd.s32 s15, s25;
	_ =	swait.ge [sflag:s7], $0x2800  }
0x7d: {  	s26 =	sshrl.u32 s29, $0x3;
	[sflag:s7] =	ssyncset.done $0x0  }
0x7e: {  	s26 =	sadd.s32 s3, s26;
	[sflag:s7] =	ssyncadd.s32 $0xFFFFD800  }
0x7f: {  	[tilespmem:s5], [sflag:$0x5] =	stream.linear.gather [hbm4b:s26+s5], $0x50, $0x38;
	[tilespmem:$0x1E200] =	vst v63  }
0x80: {  	s26 =	simm.s32 $0xF0  }
0x81: {  	v7 =	vld [tilespmem:s26+$0x5110]  }
0x82: {  	v8 =	vld [tilespmem:s26+$0x5120]  }
0x83: {  	v9 =	vld [tilespmem:s26+$0x5130]  }
0x84: {  	v10 =	vld [tilespmem:s26+$0x5140]  }
0x85: {  	v11 =	vld [tilespmem:s26+$0x5150]  }
0x86: {  	v12 =	vld [tilespmem:s26+$0x5160]  }
0x87: {  	v13 =	vld [tilespmem:s26+$0x5170]  }
0x88: {  	v14 =	vld [tilespmem:s26+$0x5180]  }
0x89: {  	v15 =	vld [tilespmem:s26+$0x5190]  }
0x8a: {  	v16 =	vld [tilespmem:s26+$0x51A0]  }
0x8b: {  	v6 =	vld [tilespmem:s26+$0x51B0]  }
0x8c: {  	v5 =	vld [tilespmem:s26+$0x51C0]  }
0x8d: {  	v4 =	vld [tilespmem:s26+$0x51D0]  }
0x8e: {  	v3 =	vld [tilespmem:s26+$0x51E0]  }
0x8f: {  	v2 =	vld [tilespmem:s26+$0x51F0]  }
0x90: {  	v1 =	vld [tilespmem:s26+$0x5200]  }
0x91: {  	v17 =	vld [tilespmem:s26+$0x110]  }
0x92: {  	v18 =	vld [tilespmem:s26+$0x120]  }
0x93: {  	v19 =	vld [tilespmem:s26+$0x130]  }
0x94: {  	v20 =	vld [tilespmem:s26+$0x140]  }
0x95: {  	v21 =	vld [tilespmem:s26+$0x150]  }
0x96: {  	v60 =	vld [tilespmem:s26+$0x160];
	v7 =	vmul.f32 v7, v17  }
0x97: {  	v22 =	vld [tilespmem:s26+$0x170];
	v8 =	vmul.f32 v8, v18  }
0x98: {  	v61 =	vld [tilespmem:s26+$0x180];
	[tilespmem:s26+$0x110] =	vst v7;
	v7 =	vmul.f32 v9, v19  }
0x99: {  	v62 =	vld [tilespmem:s26+$0x190];
	[tilespmem:s26+$0x120] =	vst v8;
	v8 =	vmul.f32 v10, v20  }
0x9a: {  	v63 =	vld [tilespmem:s26+$0x1A0];
	[tilespmem:s26+$0x130] =	vst v7;
	v7 =	vmul.f32 v11, v21  }
0x9b: {  	v9 =	vmul.f32 v12, v60;
	[tilespmem:s26+$0x140] =	vst v8;
	v8 =	vld [tilespmem:s26+$0x1B0]  }
0x9c: {  	v10 =	vmul.f32 v13, v22;
	[tilespmem:s26+$0x150] =	vst v7;
	v7 =	vld [tilespmem:s26+$0x1C0]  }
0x9d: {  	[tilespmem:s26+$0x160] =	vst v9;
	v9 =	vld [tilespmem:s26+$0x1D0];
	v11 =	vmul.f32 v14, v61  }
0x9e: {  	v13 =	vmul.f32 v15, v62;
	[tilespmem:s26+$0x170] =	vst v10;
	v10 =	vld [tilespmem:s26+$0x1E0]  }
0x9f: {  	s28 =	simm.s32 $0x7C0;
	v12 =	vmul.f32 v16, v63;
	[tilespmem:s26+$0x180] =	vst v11;
	v11 =	vld [tilespmem:s26+$0x1F0]  }
.LBB2_5:
0xa0: {  	s29 =	sshra.s32 s28, $0x2;
	p0 =	sne.s32 s28, $0x9FC0;
	[tilespmem:s26+$0x190] =	vst v13;
	v6 =	vmul.f32 v6, v8;
	v8 =	vld [tilespmem:s26+$0x200]  }
0xa1: {  	v13 =	vld [tilespmem:s29+$0x5110];
	[tilespmem:s26+$0x1A0] =	vst v12;
	v5 =	vmul.f32 v5, v7  }
0xa2: {  	v7 =	vld [tilespmem:s29+$0x5120];
	[tilespmem:s26+$0x1B0] =	vst v6;
	v4 =	vmul.f32 v4, v9  }
0xa3: {  	v9 =	vld [tilespmem:s29+$0x5130];
	[tilespmem:s26+$0x1C0] =	vst v5;
	v3 =	vmul.f32 v3, v10  }
0xa4: {  	v10 =	vld [tilespmem:s29+$0x5140];
	[tilespmem:s26+$0x1D0] =	vst v4;
	v2 =	vmul.f32 v2, v11  }
0xa5: {  	v11 =	vld [tilespmem:s29+$0x5150];
	[tilespmem:s26+$0x1E0] =	vst v3;
	v1 =	vmul.f32 v1, v8  }
0xa6: {  	v8 =	vld [tilespmem:s29+$0x5160];
	[tilespmem:s26+$0x1F0] =	vst v2  }
0xa7: {  	v12 =	vld [tilespmem:s29+$0x5170];
	[tilespmem:s26+$0x200] =	vst v1;
	s26 =	smov.u32 s29  }
0xa8: {  	v14 =	vld [tilespmem:s26+$0x5180]  }
0xa9: {  	v15 =	vld [tilespmem:s26+$0x5190]  }
0xaa: {  	v16 =	vld [tilespmem:s26+$0x51A0]  }
0xab: {  	v6 =	vld [tilespmem:s26+$0x51B0]  }
0xac: {  	v5 =	vld [tilespmem:s26+$0x51C0]  }
0xad: {  	v4 =	vld [tilespmem:s26+$0x51D0]  }
0xae: {  	v3 =	vld [tilespmem:s26+$0x51E0]  }
0xaf: {  	v2 =	vld [tilespmem:s26+$0x51F0]  }
0xb0: {  	v1 =	vld [tilespmem:s26+$0x5200]  }
0xb1: {  	v17 =	vld [tilespmem:s26+$0x110]  }
0xb2: {  	v18 =	vld [tilespmem:s26+$0x120]  }
0xb3: {  	v19 =	vld [tilespmem:s26+$0x130]  }
0xb4: {  	v20 =	vld [tilespmem:s26+$0x140]  }
0xb5: {  	v21 =	vld [tilespmem:s26+$0x150]  }
0xb6: {  	v13 =	vmul.f32 v13, v17;
	v17 =	vld [tilespmem:s26+$0x160]  }
0xb7: {  	v7 =	vmul.f32 v7, v18;
	v18 =	vld [tilespmem:s26+$0x170]  }
0xb8: {  	[tilespmem:s26+$0x110] =	vst v13;
	v9 =	vmul.f32 v9, v19;
	v13 =	vld [tilespmem:s26+$0x180]  }
0xb9: {  	[tilespmem:s26+$0x120] =	vst v7;
	v7 =	vmul.f32 v10, v20;
	v10 =	vld [tilespmem:s26+$0x190]  }
0xba: {  	[tilespmem:s26+$0x130] =	vst v9;
	v9 =	vmul.f32 v11, v21;
	v11 =	vld [tilespmem:s26+$0x1A0]  }
.Ltmp1:
0xbb: {  	[tilespmem:s26+$0x140] =	vst v7;
	v17 =	vmul.f32 v8, v17;
	v8 =	vld [tilespmem:s26+$0x1B0];
	(pc) =	sbr.rel @p0 .LBB2_5-.Ltmp1, $4  }
0xbc: {  	[tilespmem:s26+$0x150] =	vst v9;
	v12 =	vmul.f32 v12, v18;
	v7 =	vld [tilespmem:s26+$0x1C0]  }
0xbd: {  	[tilespmem:s26+$0x160] =	vst v17;
	v14 =	vmul.f32 v14, v13;
	v9 =	vld [tilespmem:s26+$0x1D0]  }
0xbe: {  	[tilespmem:s26+$0x170] =	vst v12;
	v13 =	vmul.f32 v15, v10;
	v10 =	vld [tilespmem:s26+$0x1E0]  }
0xbf: {  	s28 =	sadd.s32 $0x400, s28;
	[tilespmem:s26+$0x180] =	vst v14;
	v12 =	vmul.f32 v16, v11;
	v11 =	vld [tilespmem:s26+$0x1F0]  }
0xc0: {  	[tilespmem:s26+$0x190] =	vst v13;
	v6 =	vmul.f32 v6, v8;
	v8 =	vld [tilespmem:s26+$0x200]  }
0xc1: {  	[tilespmem:s26+$0x1A0] =	vst v12;
	v5 =	vmul.f32 v5, v7  }
0xc2: {  	[tilespmem:s26+$0x1B0] =	vst v6;
	v4 =	vmul.f32 v4, v9  }
0xc3: {  	[tilespmem:s26+$0x1C0] =	vst v5;
	v3 =	vmul.f32 v3, v10  }
0xc4: {  	[tilespmem:s26+$0x1D0] =	vst v4;
	v2 =	vmul.f32 v2, v11  }
0xc5: {  	[tilespmem:s26+$0x1E0] =	vst v3;
	v1 =	vmul.f32 v1, v8  }
0xc6: {  	[tilespmem:s26+$0x1F0] =	vst v2  }
0xc7: {  	[tilespmem:s26+$0x200] =	vst v1  }
0xc8: {  	_ =	swait.ge [sflag:s20], $0x50  }
0xc9: {  	[sflag:s20] =	ssyncset.done $0x0  }
0xca: {  	[sflag:s20] =	ssyncadd.s32 $0xFFFFFFB0  }
0xcb: {  	[spmem:s4] =	stream.indirect.scatter.add.f32 [tilespmem:s0], [sflag:$0x3], $0x80, s10, s11, $0xb8;
	[tilespmem:$0x1E200] =	vst v63  }
0xcc: {  	_ =	swait.ge [sflag:s30], $0x2800  }
0xcd: {  	[sflag:s30] =	ssyncset.done $0x0  }
0xce: {  	[sflag:s30] =	ssyncadd.s32 $0xFFFFD800  }
0xcf: {  	_ =	swait.ge [sflag:s18], $0x50  }
0xd0: {  	s25 =	sadd.s32 s6, s25;
	[sflag:s18] =	ssyncset.done $0x0  }
0xd1: {  	s29 =	sshll.u32 s25, $0x4;
	[sflag:s18] =	ssyncadd.s32 $0xFFFFFFB0  }
0xd2: {  	[tilespmem:s0], [sflag:$0x1] =	stream.indirect.gather [hbm4b:s1+s11], $0x80, s5, s11, $0xb8;
	[tilespmem:$0x1E200] =	vst v63  }
0xd3: {  	s25 =	sshrl.u32 s25, $0x3;
	s26 =	sadd.s32 s16, s29  }
0xd4: {  	[tilespmem:s12], [sflag:$0x1] =	stream.linear.gather [hbm4b:s26+s5], $0x2800, $0x38;
	[tilespmem:$0x1E200] =	vst v63  }
0xd5: {  	s25 =	sadd.s32 s3, s25  }
0xd6: {  	[tilespmem:s10], [sflag:$0x7] =	stream.linear.gather [hbm4b:s25+s5], $0x50, $0x38;
	[tilespmem:$0x1E200] =	vst v63  }
0xd7: {  	_ =	swait.ge [sflag:s8], $0x2800  }
0xd8: {  	p0 =	seq.s32 s23, $0x3D;
	[sflag:s8] =	ssyncset.done $0x0  }
0xd9: {  	s24 =	sadd.s32 @!p0 s24, s2;
	[sflag:s8] =	ssyncadd.s32 $0xFFFFD800  }
0xda: {  	s24 =	sshrl.u32 @!p0 s24, $0x3;
	_ =	swait.ge [sflag:s8], $0x2800  }
0xdb: {  	s24 =	sadd.s32 @!p0 s3, s24;
	[sflag:s8] =	ssyncset.done $0x0  }
0xdc: {  	s26 =	simm.s32 @!p0 $0x80;
	s25 =	simm.s32 @!p0 $0x0;
	[sflag:s8] =	ssyncadd.s32 $0xFFFFD800  }
0xdd: {  	[tilespmem:s26], [sflag:$0x6] =	stream.linear.gather @!p0 [hbm4b:s24+s25], $0x50, $0x38;
	[tilespmem:$0x1E200] =	vst v63  }
0xde: {  	s24 =	simm.s32 $0x0  }
0xdf: {  	v7 =	vld [tilespmem:s24+$0x7A00]  }
0xe0: {  	v8 =	vld [tilespmem:s24+$0x7A10]  }
0xe1: {  	v9 =	vld [tilespmem:s24+$0x7A20]  }
0xe2: {  	v10 =	vld [tilespmem:s24+$0x7A30]  }
0xe3: {  	v11 =	vld [tilespmem:s24+$0x7A40]  }
0xe4: {  	v12 =	vld [tilespmem:s24+$0x7A50]  }
0xe5: {  	v13 =	vld [tilespmem:s24+$0x7A60]  }
0xe6: {  	v14 =	vld [tilespmem:s24+$0x7A70]  }
0xe7: {  	v15 =	vld [tilespmem:s24+$0x7A80]  }
0xe8: {  	v16 =	vld [tilespmem:s24+$0x7A90]  }
0xe9: {  	v6 =	vld [tilespmem:s24+$0x7AA0]  }
0xea: {  	v5 =	vld [tilespmem:s24+$0x7AB0]  }
0xeb: {  	v4 =	vld [tilespmem:s24+$0x7AC0]  }
0xec: {  	v3 =	vld [tilespmem:s24+$0x7AD0]  }
0xed: {  	v2 =	vld [tilespmem:s24+$0x7AE0]  }
0xee: {  	v1 =	vld [tilespmem:s24+$0x7AF0]  }
0xef: {  	v17 =	vld [tilespmem:s24+$0x2A00]  }
0xf0: {  	v18 =	vld [tilespmem:s24+$0x2A10]  }
0xf1: {  	v19 =	vld [tilespmem:s24+$0x2A20]  }
0xf2: {  	v20 =	vld [tilespmem:s24+$0x2A30]  }
0xf3: {  	v21 =	vld [tilespmem:s24+$0x2A40]  }
0xf4: {  	v60 =	vld [tilespmem:s24+$0x2A50];
	v7 =	vmul.f32 v7, v17  }
0xf5: {  	v22 =	vld [tilespmem:s24+$0x2A60];
	v8 =	vmul.f32 v8, v18  }
0xf6: {  	v61 =	vld [tilespmem:s24+$0x2A70];
	[tilespmem:s24+$0x2A00] =	vst v7;
	v7 =	vmul.f32 v9, v19  }
0xf7: {  	v62 =	vld [tilespmem:s24+$0x2A80];
	[tilespmem:s24+$0x2A10] =	vst v8;
	v8 =	vmul.f32 v10, v20  }
0xf8: {  	v63 =	vld [tilespmem:s24+$0x2A90];
	[tilespmem:s24+$0x2A20] =	vst v7;
	v7 =	vmul.f32 v11, v21  }
0xf9: {  	v9 =	vmul.f32 v12, v60;
	[tilespmem:s24+$0x2A30] =	vst v8;
	v8 =	vld [tilespmem:s24+$0x2AA0]  }
0xfa: {  	v10 =	vmul.f32 v13, v22;
	[tilespmem:s24+$0x2A40] =	vst v7;
	v7 =	vld [tilespmem:s24+$0x2AB0]  }
0xfb: {  	[tilespmem:s24+$0x2A50] =	vst v9;
	v9 =	vld [tilespmem:s24+$0x2AC0];
	v11 =	vmul.f32 v14, v61  }
0xfc: {  	v13 =	vmul.f32 v15, v62;
	[tilespmem:s24+$0x2A60] =	vst v10;
	v10 =	vld [tilespmem:s24+$0x2AD0]  }
0xfd: {  	s25 =	simm.s32 $0x400;
	v12 =	vmul.f32 v16, v63;
	[tilespmem:s24+$0x2A70] =	vst v11;
	v11 =	vld [tilespmem:s24+$0x2AE0]  }
.LBB2_7:
0xfe: {  	s26 =	sshra.s32 s25, $0x2;
	p0 =	sne.s32 s25, $0x9C00;
	[tilespmem:s24+$0x2A80] =	vst v13;
	v6 =	vmul.f32 v6, v8;
	v8 =	vld [tilespmem:s24+$0x2AF0]  }
0xff: {  	v13 =	vld [tilespmem:s26+$0x7A00];
	[tilespmem:s24+$0x2A90] =	vst v12;
	v5 =	vmul.f32 v5, v7  }
0x100: {  	v7 =	vld [tilespmem:s26+$0x7A10];
	[tilespmem:s24+$0x2AA0] =	vst v6;
	v4 =	vmul.f32 v4, v9  }
0x101: {  	v9 =	vld [tilespmem:s26+$0x7A20];
	[tilespmem:s24+$0x2AB0] =	vst v5;
	v3 =	vmul.f32 v3, v10  }
0x102: {  	v10 =	vld [tilespmem:s26+$0x7A30];
	[tilespmem:s24+$0x2AC0] =	vst v4;
	v2 =	vmul.f32 v2, v11  }
0x103: {  	v11 =	vld [tilespmem:s26+$0x7A40];
	[tilespmem:s24+$0x2AD0] =	vst v3;
	v1 =	vmul.f32 v1, v8  }
0x104: {  	v8 =	vld [tilespmem:s26+$0x7A50];
	[tilespmem:s24+$0x2AE0] =	vst v2  }
0x105: {  	v12 =	vld [tilespmem:s26+$0x7A60];
	[tilespmem:s24+$0x2AF0] =	vst v1;
	s24 =	smov.u32 s26  }
0x106: {  	v14 =	vld [tilespmem:s24+$0x7A70]  }
0x107: {  	v15 =	vld [tilespmem:s24+$0x7A80]  }
0x108: {  	v16 =	vld [tilespmem:s24+$0x7A90]  }
0x109: {  	v6 =	vld [tilespmem:s24+$0x7AA0]  }
0x10a: {  	v5 =	vld [tilespmem:s24+$0x7AB0]  }
0x10b: {  	v4 =	vld [tilespmem:s24+$0x7AC0]  }
0x10c: {  	v3 =	vld [tilespmem:s24+$0x7AD0]  }
0x10d: {  	v2 =	vld [tilespmem:s24+$0x7AE0]  }
0x10e: {  	v1 =	vld [tilespmem:s24+$0x7AF0]  }
0x10f: {  	v17 =	vld [tilespmem:s24+$0x2A00]  }
0x110: {  	v18 =	vld [tilespmem:s24+$0x2A10]  }
0x111: {  	v19 =	vld [tilespmem:s24+$0x2A20]  }
0x112: {  	v20 =	vld [tilespmem:s24+$0x2A30]  }
0x113: {  	v21 =	vld [tilespmem:s24+$0x2A40]  }
0x114: {  	v13 =	vmul.f32 v13, v17;
	v17 =	vld [tilespmem:s24+$0x2A50]  }
0x115: {  	v7 =	vmul.f32 v7, v18;
	v18 =	vld [tilespmem:s24+$0x2A60]  }
0x116: {  	[tilespmem:s24+$0x2A00] =	vst v13;
	v9 =	vmul.f32 v9, v19;
	v13 =	vld [tilespmem:s24+$0x2A70]  }
0x117: {  	[tilespmem:s24+$0x2A10] =	vst v7;
	v7 =	vmul.f32 v10, v20;
	v10 =	vld [tilespmem:s24+$0x2A80]  }
0x118: {  	[tilespmem:s24+$0x2A20] =	vst v9;
	v9 =	vmul.f32 v11, v21;
	v11 =	vld [tilespmem:s24+$0x2A90]  }
.Ltmp2:
0x119: {  	[tilespmem:s24+$0x2A30] =	vst v7;
	v17 =	vmul.f32 v8, v17;
	v8 =	vld [tilespmem:s24+$0x2AA0];
	(pc) =	sbr.rel @p0 .LBB2_7-.Ltmp2, $4  }
0x11a: {  	[tilespmem:s24+$0x2A40] =	vst v9;
	v12 =	vmul.f32 v12, v18;
	v7 =	vld [tilespmem:s24+$0x2AB0]  }
0x11b: {  	[tilespmem:s24+$0x2A50] =	vst v17;
	v14 =	vmul.f32 v14, v13;
	v9 =	vld [tilespmem:s24+$0x2AC0]  }
0x11c: {  	[tilespmem:s24+$0x2A60] =	vst v12;
	v13 =	vmul.f32 v15, v10;
	v10 =	vld [tilespmem:s24+$0x2AD0]  }
0x11d: {  	s25 =	sadd.s32 $0x400, s25;
	[tilespmem:s24+$0x2A70] =	vst v14;
	v12 =	vmul.f32 v16, v11;
	v11 =	vld [tilespmem:s24+$0x2AE0]  }
0x11e: {  	[tilespmem:s24+$0x2A80] =	vst v13;
	v6 =	vmul.f32 v6, v8;
	v63 =	vld [tilespmem:s24+$0x2AF0]  }
0x11f: {  	[tilespmem:s24+$0x2A90] =	vst v12;
	v5 =	vmul.f32 v5, v7  }
0x120: {  	[tilespmem:s24+$0x2AA0] =	vst v6;
	v4 =	vmul.f32 v4, v9  }
0x121: {  	[tilespmem:s24+$0x2AB0] =	vst v5;
	v3 =	vmul.f32 v3, v10  }
0x122: {  	[tilespmem:s24+$0x2AC0] =	vst v4;
	v2 =	vmul.f32 v2, v11  }
0x123: {  	s23 =	sadd.s32 $0x1, s23;
	[tilespmem:s24+$0x2AD0] =	vst v3;
	v1 =	vmul.f32 v1, v63  }
0x124: {  	p0 =	sne.s32 s23, $0x3E;
	[tilespmem:s24+$0x2AE0] =	vst v2  }
.Ltmp3:
0x125: {  	[tilespmem:s24+$0x2AF0] =	vst v1;
	(pc) =	sbr.rel @p0 .LBB2_4-.Ltmp3, $4  }
0x126: {  	_ =	swait.ge [sflag:s21], $0x50  }
0x127: {  	[sflag:s21] =	ssyncset.done $0x0  }
0x128: {  	[sflag:s21] =	ssyncadd.s32 $0xFFFFFFB0  }
0x129: {  	[spmem:s4] =	stream.indirect.scatter.add.f32 [tilespmem:s14], [sflag:$0x4], $0x80, s19, s11, $0xb8;
	[tilespmem:$0x1E200] =	vst v63  }
0x12a: {  	_ =	swait.ge [sflag:s7], $0x2800  }
0x12b: {  	[sflag:s7] =	ssyncset.done $0x0  }
0x12c: {  	[sflag:s7] =	ssyncadd.s32 $0xFFFFD800  }
0x12d: {  	_ =	swait.ge [sflag:s7], $0x2800  }
0x12e: {  	[sflag:s7] =	ssyncset.done $0x0  }
0x12f: {  	s23 =	simm.s32 $0xF0;
	[sflag:s7] =	ssyncadd.s32 $0xFFFFD800  }
0x130: {  	v7 =	vld [tilespmem:s23+$0x5110]  }
0x131: {  	v8 =	vld [tilespmem:s23+$0x5120]  }
0x132: {  	v9 =	vld [tilespmem:s23+$0x5130]  }
0x133: {  	v10 =	vld [tilespmem:s23+$0x5140]  }
0x134: {  	v11 =	vld [tilespmem:s23+$0x5150]  }
0x135: {  	v12 =	vld [tilespmem:s23+$0x5160]  }
0x136: {  	v13 =	vld [tilespmem:s23+$0x5170]  }
0x137: {  	v14 =	vld [tilespmem:s23+$0x5180]  }
0x138: {  	v15 =	vld [tilespmem:s23+$0x5190]  }
0x139: {  	v16 =	vld [tilespmem:s23+$0x51A0]  }
0x13a: {  	v6 =	vld [tilespmem:s23+$0x51B0]  }
0x13b: {  	v5 =	vld [tilespmem:s23+$0x51C0]  }
0x13c: {  	v4 =	vld [tilespmem:s23+$0x51D0]  }
0x13d: {  	v3 =	vld [tilespmem:s23+$0x51E0]  }
0x13e: {  	v2 =	vld [tilespmem:s23+$0x51F0]  }
0x13f: {  	v1 =	vld [tilespmem:s23+$0x5200]  }
0x140: {  	v17 =	vld [tilespmem:s23+$0x110]  }
0x141: {  	v18 =	vld [tilespmem:s23+$0x120]  }
0x142: {  	v19 =	vld [tilespmem:s23+$0x130]  }
0x143: {  	v20 =	vld [tilespmem:s23+$0x140]  }
0x144: {  	v21 =	vld [tilespmem:s23+$0x150]  }
0x145: {  	v60 =	vld [tilespmem:s23+$0x160];
	v7 =	vmul.f32 v7, v17  }
0x146: {  	v22 =	vld [tilespmem:s23+$0x170];
	v8 =	vmul.f32 v8, v18  }
0x147: {  	v61 =	vld [tilespmem:s23+$0x180];
	[tilespmem:s23+$0x110] =	vst v7;
	v7 =	vmul.f32 v9, v19  }
0x148: {  	v62 =	vld [tilespmem:s23+$0x190];
	[tilespmem:s23+$0x120] =	vst v8;
	v8 =	vmul.f32 v10, v20  }
0x149: {  	v63 =	vld [tilespmem:s23+$0x1A0];
	[tilespmem:s23+$0x130] =	vst v7;
	v7 =	vmul.f32 v11, v21  }
0x14a: {  	v9 =	vmul.f32 v12, v60;
	[tilespmem:s23+$0x140] =	vst v8;
	v8 =	vld [tilespmem:s23+$0x1B0]  }
0x14b: {  	v10 =	vmul.f32 v13, v22;
	[tilespmem:s23+$0x150] =	vst v7;
	v7 =	vld [tilespmem:s23+$0x1C0]  }
0x14c: {  	[tilespmem:s23+$0x160] =	vst v9;
	v9 =	vld [tilespmem:s23+$0x1D0];
	v11 =	vmul.f32 v14, v61  }
0x14d: {  	v13 =	vmul.f32 v15, v62;
	[tilespmem:s23+$0x170] =	vst v10;
	v10 =	vld [tilespmem:s23+$0x1E0]  }
0x14e: {  	s24 =	simm.s32 $0x7C0;
	v12 =	vmul.f32 v16, v63;
	[tilespmem:s23+$0x180] =	vst v11;
	v11 =	vld [tilespmem:s23+$0x1F0]  }
.LBB2_10:
0x14f: {  	s25 =	sshra.s32 s24, $0x2;
	p0 =	sne.s32 s24, $0x9FC0;
	[tilespmem:s23+$0x190] =	vst v13;
	v6 =	vmul.f32 v6, v8;
	v8 =	vld [tilespmem:s23+$0x200]  }
0x150: {  	v13 =	vld [tilespmem:s25+$0x5110];
	[tilespmem:s23+$0x1A0] =	vst v12;
	v5 =	vmul.f32 v5, v7  }
0x151: {  	v7 =	vld [tilespmem:s25+$0x5120];
	[tilespmem:s23+$0x1B0] =	vst v6;
	v4 =	vmul.f32 v4, v9  }
0x152: {  	v9 =	vld [tilespmem:s25+$0x5130];
	[tilespmem:s23+$0x1C0] =	vst v5;
	v3 =	vmul.f32 v3, v10  }
0x153: {  	v10 =	vld [tilespmem:s25+$0x5140];
	[tilespmem:s23+$0x1D0] =	vst v4;
	v2 =	vmul.f32 v2, v11  }
0x154: {  	v11 =	vld [tilespmem:s25+$0x5150];
	[tilespmem:s23+$0x1E0] =	vst v3;
	v1 =	vmul.f32 v1, v8  }
0x155: {  	v8 =	vld [tilespmem:s25+$0x5160];
	[tilespmem:s23+$0x1F0] =	vst v2  }
0x156: {  	v12 =	vld [tilespmem:s25+$0x5170];
	[tilespmem:s23+$0x200] =	vst v1;
	s23 =	smov.u32 s25  }
0x157: {  	v14 =	vld [tilespmem:s23+$0x5180]  }
0x158: {  	v15 =	vld [tilespmem:s23+$0x5190]  }
0x159: {  	v16 =	vld [tilespmem:s23+$0x51A0]  }
0x15a: {  	v6 =	vld [tilespmem:s23+$0x51B0]  }
0x15b: {  	v5 =	vld [tilespmem:s23+$0x51C0]  }
0x15c: {  	v4 =	vld [tilespmem:s23+$0x51D0]  }
0x15d: {  	v3 =	vld [tilespmem:s23+$0x51E0]  }
0x15e: {  	v2 =	vld [tilespmem:s23+$0x51F0]  }
0x15f: {  	v1 =	vld [tilespmem:s23+$0x5200]  }
0x160: {  	v17 =	vld [tilespmem:s23+$0x110]  }
0x161: {  	v18 =	vld [tilespmem:s23+$0x120]  }
0x162: {  	v19 =	vld [tilespmem:s23+$0x130]  }
0x163: {  	v20 =	vld [tilespmem:s23+$0x140]  }
0x164: {  	v21 =	vld [tilespmem:s23+$0x150]  }
0x165: {  	v13 =	vmul.f32 v13, v17;
	v17 =	vld [tilespmem:s23+$0x160]  }
0x166: {  	v7 =	vmul.f32 v7, v18;
	v18 =	vld [tilespmem:s23+$0x170]  }
0x167: {  	[tilespmem:s23+$0x110] =	vst v13;
	v9 =	vmul.f32 v9, v19;
	v13 =	vld [tilespmem:s23+$0x180]  }
0x168: {  	[tilespmem:s23+$0x120] =	vst v7;
	v7 =	vmul.f32 v10, v20;
	v10 =	vld [tilespmem:s23+$0x190]  }
0x169: {  	[tilespmem:s23+$0x130] =	vst v9;
	v9 =	vmul.f32 v11, v21;
	v11 =	vld [tilespmem:s23+$0x1A0]  }
.Ltmp4:
0x16a: {  	[tilespmem:s23+$0x140] =	vst v7;
	v17 =	vmul.f32 v8, v17;
	v8 =	vld [tilespmem:s23+$0x1B0];
	(pc) =	sbr.rel @p0 .LBB2_10-.Ltmp4, $4  }
0x16b: {  	[tilespmem:s23+$0x150] =	vst v9;
	v12 =	vmul.f32 v12, v18;
	v7 =	vld [tilespmem:s23+$0x1C0]  }
0x16c: {  	[tilespmem:s23+$0x160] =	vst v17;
	v14 =	vmul.f32 v14, v13;
	v9 =	vld [tilespmem:s23+$0x1D0]  }
0x16d: {  	[tilespmem:s23+$0x170] =	vst v12;
	v13 =	vmul.f32 v15, v10;
	v10 =	vld [tilespmem:s23+$0x1E0]  }
0x16e: {  	s24 =	sadd.s32 $0x400, s24;
	[tilespmem:s23+$0x180] =	vst v14;
	v12 =	vmul.f32 v16, v11;
	v11 =	vld [tilespmem:s23+$0x1F0]  }
0x16f: {  	[tilespmem:s23+$0x190] =	vst v13;
	v6 =	vmul.f32 v6, v8;
	v63 =	vld [tilespmem:s23+$0x200]  }
0x170: {  	[tilespmem:s23+$0x1A0] =	vst v12;
	v5 =	vmul.f32 v5, v7  }
0x171: {  	[tilespmem:s23+$0x1B0] =	vst v6;
	v4 =	vmul.f32 v4, v9  }
0x172: {  	[tilespmem:s23+$0x1C0] =	vst v5;
	v3 =	vmul.f32 v3, v10  }
0x173: {  	[tilespmem:s23+$0x1D0] =	vst v4;
	v2 =	vmul.f32 v2, v11  }
0x174: {  	[tilespmem:s23+$0x1E0] =	vst v3;
	v1 =	vmul.f32 v1, v63  }
0x175: {  	[tilespmem:s23+$0x1F0] =	vst v2  }
0x176: {  	[tilespmem:s23+$0x200] =	vst v1  }
0x177: {  	_ =	swait.ge [sflag:s20], $0x50  }
0x178: {  	[sflag:s20] =	ssyncset.done $0x0  }
0x179: {  	[sflag:s20] =	ssyncadd.s32 $0xFFFFFFB0  }
0x17a: {  	[spmem:s4] =	stream.indirect.scatter.add.f32 [tilespmem:s0], [sflag:$0x3], $0x80, s10, s11, $0xb8;
	[tilespmem:$0x1E200] =	vst v63  }
0x17b: {  	_ =	swait.ge [sflag:s30], $0x2800  }
0x17c: {  	[sflag:s30] =	ssyncset.done $0x0  }
0x17d: {  	s26 =	simm.s32 $0x4;
	[sflag:s30] =	ssyncadd.s32 $0xFFFFD800  }
0x17e: {  	_ =	swait.ge [sflag:s26], $0x2800  }
0x17f: {  	[sflag:s26] =	ssyncset.done $0x0  }
0x180: {  	[sflag:s26] =	ssyncadd.s32 $0xFFFFD800  }
0x181: {  	s24 =	stileid.u32;
	[bflag:$0x0] =	sbarrier.arrive $0xFFFF  }
0x182: {  	s23 =	sshll.u32 s24, $0x6;
	s26 =	rddreg [dreg:$0x11]  }
0x183: {  	s23 =	sor.u32 $0x1C01, s23;
	s25 =	rddreg [dreg:$0x5];
	s24 =	sshrl.u32 s26, $0x3  }
0x184: {  	[hbm:s25], [sflag:s23] =	dma.local [spmem:s24], $0x500  }
0x185: {  	s28 =	rddreg [dreg:$0x12]  }
0x186: {  	s25 =	rddreg [dreg:$0x6];
	s24 =	sshrl.u32 s28, $0x3  }
0x187: {  	[hbm:s25], [sflag:s23] =	dma.local [spmem:s24], $0x500  }
0x188: {  	s29 =	rddreg [dreg:$0x13]  }
0x189: {  	s25 =	rddreg [dreg:$0x7];
	s24 =	sshrl.u32 s29, $0x3  }
0x18a: {  	[hbm:s25], [sflag:s23] =	dma.local [spmem:s24], $0x500  }
0x18b: {  	s24 =	rddreg [dreg:$0x14]  }
0x18c: {  	s25 =	rddreg [dreg:$0x8];
	s24 =	sshrl.u32 s24, $0x3  }
0x18d: {  	[hbm:s25], [sflag:s23] =	dma.local [spmem:s24], $0x500  }
0x18e: {  	s24 =	rddreg [dreg:$0x15]  }
0x18f: {  	s25 =	rddreg [dreg:$0x9];
	s24 =	sshrl.u32 s24, $0x3  }
0x190: {  	[hbm:s25], [sflag:s23] =	dma.local [spmem:s24], $0x500  }
0x191: {  	s24 =	rddreg [dreg:$0x16]  }
0x192: {  	s25 =	rddreg [dreg:$0xa];
	s24 =	sshrl.u32 s24, $0x3  }
0x193: {  	[hbm:s25], [sflag:s23] =	dma.local [spmem:s24], $0x500  }
0x194: {  	s24 =	rddreg [dreg:$0x17]  }
0x195: {  	s25 =	rddreg [dreg:$0xb];
	s24 =	sshrl.u32 s24, $0x3  }
0x196: {  	[hbm:s25], [sflag:s23] =	dma.local [spmem:s24], $0x500  }
0x197: {  	s24 =	rddreg [dreg:$0x18]  }
0x198: {  	s25 =	rddreg [dreg:$0xc];
	s24 =	sshrl.u32 s24, $0x3  }
0x199: {  	[hbm:s25], [sflag:s23] =	dma.local [spmem:s24], $0x500  }
0x19a: {  	_ =	swait.ge [sflag:s7], $0x500  }
0x19b: {  	[sflag:s7] =	ssyncset.done $0x0  }
0x19c: {  	[sflag:s7] =	ssyncadd.s32 $0xFFFFFB00  }
0x19d: {  	_ =	swait.ge [sflag:s7], $0x500  }
0x19e: {  	[sflag:s7] =	ssyncset.done $0x0  }
0x19f: {  	[sflag:s7] =	ssyncadd.s32 $0xFFFFFB00  }
0x1a0: {  	_ =	swait.ge [sflag:s7], $0x500  }
0x1a1: {  	[sflag:s7] =	ssyncset.done $0x0  }
0x1a2: {  	[sflag:s7] =	ssyncadd.s32 $0xFFFFFB00  }
0x1a3: {  	_ =	swait.ge [sflag:s7], $0x500  }
0x1a4: {  	[sflag:s7] =	ssyncset.done $0x0  }
0x1a5: {  	[sflag:s7] =	ssyncadd.s32 $0xFFFFFB00  }
0x1a6: {  	_ =	swait.ge [sflag:s7], $0x500  }
0x1a7: {  	[sflag:s7] =	ssyncset.done $0x0  }
0x1a8: {  	[sflag:s7] =	ssyncadd.s32 $0xFFFFFB00  }
0x1a9: {  	_ =	swait.ge [sflag:s7], $0x500  }
0x1aa: {  	[sflag:s7] =	ssyncset.done $0x0  }
0x1ab: {  	[sflag:s7] =	ssyncadd.s32 $0xFFFFFB00  }
0x1ac: {  	_ =	swait.ge [sflag:s7], $0x500  }
0x1ad: {  	[sflag:s7] =	ssyncset.done $0x0  }
0x1ae: {  	[sflag:s7] =	ssyncadd.s32 $0xFFFFFB00  }
0x1af: {  	_ =	swait.ge [sflag:s7], $0x500  }
0x1b0: {  	s22 =	sadd.s32 $0x1, s22;
	s25 =	rddreg [dreg:$0x10]  }
0x1b1: {  	p0 =	sne.s32 s22, s25  }
.Ltmp5:
0x1b2: {  	_ = 	snop;
	(pc) =	sbr.rel @p0 .LBB2_1-.Ltmp5, $3  }
0x1b3: {  	_ =	sdelay $0x1  }
0x1b4: {  	[sflag:s7] =	ssyncset.done $0x0  }
0x1b5: {  	[sflag:s7] =	ssyncadd.s32 $0xFFFFFB00  }
0x1b6: {  	_ =	sfence.sel $0x180000  }
0x1b7: {  	[bflag:$0x0] =	sbarrier.arrive $0xFFFF  }
0x1b8: {  	_ =	strace $0x90000047  }
0x1b9: {  	s0 =	stileid.u32;
	[bflag:$0x2] =	sbarrier.arrive $0xFFFF  }
0x1ba: {  	p0 =	sne.s32 s0, $0x0;
	s0 =	rddreg [dreg:$0x4]  }
0x1bb: {  	s0 =	sadd.s32 @!p0 $0x100000, s0  }
0x1bc: {  	[sflag:s0] =	ssyncadd.tile.s32 @!p0 $0x1;
	_ =	shalt  }
.Lfunc_end2:
_tile_overlayer_lowered:
.L_overlay_start_2:
0x1bd: {  	(tag) =	ssettag $0x2  }
0x1be: {  	s0 =	rddreg [dreg:$0x0];
	s2 =	stileid.u32  }
0x1bf: {  	s1 =	rddreg [dreg:$0x1];
	p0 =	sne.s32 s2, $0x0  }
0x1c0: {  	s3 =	rddreg [dreg:$0x2];
	[bflag:$0x3] =	sbarrier.arrive $0xFFFF;
	s2 =	simm.s32 @!p0 $0x1C09  }
0x1c1: {  	[timem:s3], [sflag:s2] =	dma.local @!p0 [hbm:s0], s1  }
0x1c2: {  	s0 =	simm.s32 @!p0 $0x9  }
0x1c3: {  	_ =	swait.ge @!p0 [sflag:s0], s1  }
0x1c4: {  	s1 =	ssub.s32 @!p0 $0x0, s1;
	[sflag:s0] =	ssyncset.done @!p0 $0x0  }
0x1c5: {  	[sflag:s0] =	ssyncadd.s32 @!p0 s1  }
0x1c6: {  	[bflag:$0x3] =	sbarrier.arrive $0xFFFF  }
0x1c7: {  	_ =	shalt  }

</sc_bundles>
